<compile_context>
chip_gen: v7x
topology: tpu7x:2x2x1
jax: 0.10.2.dev20260603
libtpu: 0.0.44.dev20260713+nightly
codegen_flags: <defaults>
</compile_context>

<pallas_src>
import functools

import jax
import jax.numpy as jnp
from jax import lax
from jax.experimental import pallas as pl
from jax.experimental.pallas import tpu as pltpu
from jax.experimental.pallas import tpu_sc as plsc

N = 10000
E = 320000
D_IN = 128
D_H = 256
D_OUT = 5
DHALF = D_H // 2

NC = 2
NS = 16
CHUNK = 128
E2 = E + N
C_PER_TEC = -(-E2 // (NS * CHUNK))
EDGES_PER_TEC = C_PER_TEC * CHUNK
E_PAD = EDGES_PER_TEC * NS
N_ACC = 10240
ZROWS = N_ACC // NS
NZ = ZROWS // CHUNK
OROWS = (N // NS) // 8 * 8
OTAIL = N - OROWS * NS

_MESH = plsc.VectorSubcoreMesh(
    core_axis_name="c", subcore_axis_name="s", num_cores=NC, num_subcores=NS
)




DEGW = 128


@functools.partial(
    pl.kernel,
    out_type=jax.ShapeDtypeStruct((N, DEGW), jnp.float32),
    mesh=_MESH,
    scratch_types=[
        pltpu.VMEM((CHUNK,), jnp.int32),
        pltpu.VMEM((CHUNK, DEGW), jnp.float32),
        pltpu.VMEM_SHARED((N_ACC, DEGW), jnp.float32),
    ],
)
def _sc_degree(dst_hbm, z16_hbm, o16_hbm, deg_hbm, idx_v, val_v, acc_s):
    cid = lax.axis_index("c")
    sid = lax.axis_index("s")

    @pl.when(cid == 0)
    def _():
        pltpu.sync_copy(z16_hbm, val_v)
        for j in range(NZ):
            pltpu.sync_copy(val_v, acc_s.at[pl.ds(sid * ZROWS + j * CHUNK, CHUNK)])
        plsc.subcore_barrier()

        pltpu.sync_copy(o16_hbm, val_v)
        base = sid * EDGES_PER_TEC

        def body(i, carry):
            pltpu.sync_copy(dst_hbm.at[pl.ds(base + i * CHUNK, CHUNK)], idx_v)
            pltpu.sync_copy(val_v, acc_s.at[idx_v], add=True)
            return carry

        lax.fori_loop(0, C_PER_TEC, body, 0)
        plsc.subcore_barrier()
        pltpu.sync_copy(
            acc_s.at[pl.ds(sid * OROWS, OROWS)], deg_hbm.at[pl.ds(sid * OROWS, OROWS)]
        )

        @pl.when(sid == 0)
        def _():
            pltpu.sync_copy(
                acc_s.at[pl.ds(OROWS * NS, OTAIL)],
                deg_hbm.at[pl.ds(OROWS * NS, OTAIL)],
            )


@functools.partial(
    pl.kernel,
    out_type=[jax.ShapeDtypeStruct((N, DHALF), jnp.float32)] * 2,
    mesh=_MESH,
    scratch_types=[
        pltpu.VMEM((CHUNK,), jnp.int32),
        pltpu.VMEM((CHUNK,), jnp.int32),
        pltpu.VMEM((CHUNK, DHALF), jnp.float32),
        pltpu.VMEM((CHUNK, DHALF), jnp.float32),
        pltpu.VMEM_SHARED((N_ACC, DHALF), jnp.float32),
        pltpu.SemaphoreType.DMA,
    ],
)
def _sc_aggregate(
    src_hbm, dst_hbm, ua_hbm, ub_hbm, zrow_hbm, oa_hbm, ob_hbm,
    sidx, didx, rows, zbuf, acc_s, sem,
):
    cid = lax.axis_index("c")
    sid = lax.axis_index("s")
    base = sid * EDGES_PER_TEC

    pltpu.sync_copy(zrow_hbm, zbuf)
    for j in range(NZ):
        pltpu.sync_copy(zbuf, acc_s.at[pl.ds(sid * ZROWS + j * CHUNK, CHUNK)])
    plsc.subcore_barrier()

    def process(h_hbm, o_hbm):
        def body(i, carry):
            pltpu.sync_copy(src_hbm.at[pl.ds(base + i * CHUNK, CHUNK)], sidx)
            pltpu.sync_copy(dst_hbm.at[pl.ds(base + i * CHUNK, CHUNK)], didx)
            pltpu.async_copy(h_hbm.at[sidx], rows, sem).wait()
            pltpu.sync_copy(rows, acc_s.at[didx], add=True)
            return carry

        lax.fori_loop(0, C_PER_TEC, body, 0)
        plsc.subcore_barrier()
        pltpu.sync_copy(
            acc_s.at[pl.ds(sid * OROWS, OROWS)], o_hbm.at[pl.ds(sid * OROWS, OROWS)]
        )

        @pl.when(sid == 0)
        def _():
            pltpu.sync_copy(
                acc_s.at[pl.ds(OROWS * NS, OTAIL)],
                o_hbm.at[pl.ds(OROWS * NS, OTAIL)],
            )

    @pl.when(cid == 0)
    def _():
        process(ua_hbm, oa_hbm)

    @pl.when(cid == 1)
    def _():
        process(ub_hbm, ob_hbm)




def _dinv_col(deg_ref):
    return lax.rsqrt(jnp.maximum(deg_ref[...][:, 0:1], 1.0))


def _tc_pre_body(x_ref, g_ref, b_ref, w_ref, deg_ref, ua_ref, ub_ref):
    xv = x_ref[...]
    mean = jnp.mean(xv, axis=0, keepdims=True)
    var = jnp.mean((xv - mean) * (xv - mean), axis=0, keepdims=True)
    h = (xv - mean) / jnp.sqrt(var + 1e-5) * g_ref[...] + b_ref[...]
    dinv = _dinv_col(deg_ref)
    u = jnp.dot(h, w_ref[...], preferred_element_type=jnp.float32) * dinv
    ua_ref[...] = u[:, :DHALF]
    ub_ref[...] = u[:, DHALF:]


_tc_pre = pl.pallas_call(
    _tc_pre_body,
    out_shape=[jax.ShapeDtypeStruct((N, DHALF), jnp.float32)] * 2,
)


def _tc_mid_body(ga_ref, gb_ref, deg_ref, b_ref, w_ref, ua_ref, ub_ref):
    dinv = _dinv_col(deg_ref)
    bv = b_ref[...]
    ha = ga_ref[...] * dinv + bv[:, :DHALF]
    hb = gb_ref[...] * dinv + bv[:, DHALF:]
    wv = w_ref[...]
    u = (
        jnp.dot(ha, wv[:DHALF, :], preferred_element_type=jnp.float32)
        + jnp.dot(hb, wv[DHALF:, :], preferred_element_type=jnp.float32)
    ) * dinv
    ua_ref[...] = u[:, :DHALF]
    ub_ref[...] = u[:, DHALF:]


_tc_mid = pl.pallas_call(
    _tc_mid_body,
    out_shape=[jax.ShapeDtypeStruct((N, DHALF), jnp.float32)] * 2,
)


def _tc_post_body(
    ga_ref, gb_ref, deg_ref, b_ref, g2_ref, b2_ref, wd_ref, bd_ref, out_ref
):
    dinv = _dinv_col(deg_ref)
    bv = b_ref[...]
    g2 = g2_ref[...]
    b2 = b2_ref[...]

    def bn_half(h, sl):
        mean = jnp.mean(h, axis=0, keepdims=True)
        var = jnp.mean((h - mean) * (h - mean), axis=0, keepdims=True)
        return (h - mean) / jnp.sqrt(var + 1e-5) * g2[:, sl] + b2[:, sl]

    ha = bn_half(ga_ref[...] * dinv + bv[:, :DHALF], slice(0, DHALF))
    hb = bn_half(gb_ref[...] * dinv + bv[:, DHALF:], slice(DHALF, D_H))
    wd = wd_ref[...]
    logits = (
        jnp.dot(ha, wd[:DHALF, :], preferred_element_type=jnp.float32)
        + jnp.dot(hb, wd[DHALF:, :], preferred_element_type=jnp.float32)
        + bd_ref[...]
    )
    out_ref[...] = jax.nn.sigmoid(logits)


_tc_post = pl.pallas_call(
    _tc_post_body,
    out_shape=jax.ShapeDtypeStruct((N, D_OUT), jnp.float32),
)




def kernel(
    x, edge_index, bn1_gamma, bn1_beta, W1, b1, W2, b2, W3, b3, W4, b4,
    bn2_gamma, bn2_beta, Wd, bd,
):
    loop = jnp.arange(N, dtype=jnp.int32)
    src = jnp.concatenate(
        [edge_index[0].astype(jnp.int32), loop,
         jnp.zeros((E_PAD - E2,), jnp.int32)]
    )
    dst = jnp.concatenate(
        [edge_index[1].astype(jnp.int32), loop,
         jnp.full((E_PAD - E2,), N, jnp.int32)]
    )

    z16 = jnp.zeros((CHUNK, DEGW), jnp.float32)
    o16 = jnp.ones((CHUNK, DEGW), jnp.float32)
    zrow = jnp.zeros((CHUNK, DHALF), jnp.float32)

    deg16 = _sc_degree(dst, z16, o16)

    ua, ub = _tc_pre(
        x, bn1_gamma.reshape(1, D_IN), bn1_beta.reshape(1, D_IN), W1, deg16
    )
    ga, gb = _sc_aggregate(src, dst, ua, ub, zrow)
    ua, ub = _tc_mid(ga, gb, deg16, b1.reshape(1, D_H), W2)
    ga, gb = _sc_aggregate(src, dst, ua, ub, zrow)
    ua, ub = _tc_mid(ga, gb, deg16, b2.reshape(1, D_H), W3)
    ga, gb = _sc_aggregate(src, dst, ua, ub, zrow)
    ua, ub = _tc_mid(ga, gb, deg16, b3.reshape(1, D_H), W4)
    ga, gb = _sc_aggregate(src, dst, ua, ub, zrow)

    return _tc_post(
        ga, gb, deg16, b4.reshape(1, D_H),
        bn2_gamma.reshape(1, D_H), bn2_beta.reshape(1, D_H), Wd,
        bd.reshape(1, D_OUT),
    )

# --- scband reference (transcript-rebuilt; emitter-appended) ---
"""Pipeline reference for scband-gcn-27023934226530 (READ-ONLY COPY).

The authoritative reference and input builder live on the scoring server;
editing this copy changes nothing except your own understanding.
"""

import jax, jax.numpy as jnp
import numpy as np

N = 10000
E = 320000
D_IN = 128
D_H = 256
D_OUT = 5


def batch_norm(x, gamma, beta, eps=1e-5):
    mean = jnp.mean(x, axis=0, keepdims=True)
    var = jnp.var(x, axis=0, keepdims=True)
    return (x - mean) / jnp.sqrt(var + eps) * gamma + beta


def gcn_conv(x, src, dst, W, b, num_nodes):
    # GCNConv: linear transform, symmetric-normalized scatter-add aggregation, bias
    h = x @ W
    deg = jnp.zeros((num_nodes,), h.dtype).at[dst].add(1.0)
    dinv = 1.0 / jnp.sqrt(jnp.maximum(deg, 1.0))
    norm = dinv[src] * dinv[dst]
    msg = h[src] * norm[:, None]
    out = jnp.zeros((num_nodes, h.shape[1]), h.dtype).at[dst].add(msg)
    return out + b


def setup_inputs(seed: int = 0) -> dict:
    key = jax.random.key(seed)
    ks = jax.random.split(key, 16)
    x = jax.random.normal(ks[0], (N, D_IN), dtype=jnp.float32)
    edge_index = jax.random.randint(ks[1], (2, E), 0, N, dtype=jnp.int64)
    inp = {
        'x': x,
        'edge_index': edge_index,
        'bn1_gamma': jnp.ones((D_IN,), jnp.float32),
        'bn1_beta': jnp.zeros((D_IN,), jnp.float32),
        'W1': jax.random.normal(ks[2], (D_IN, D_H), jnp.float32) * 0.05,
        'b1': jnp.zeros((D_H,), jnp.float32),
        'W2': jax.random.normal(ks[3], (D_H, D_H), jnp.float32) * 0.05,
        'b2': jnp.zeros((D_H,), jnp.float32),
        'W3': jax.random.normal(ks[4], (D_H, D_H), jnp.float32) * 0.05,
        'b3': jnp.zeros((D_H,), jnp.float32),
        'W4': jax.random.normal(ks[5], (D_H, D_H), jnp.float32) * 0.05,
        'b4': jnp.zeros((D_H,), jnp.float32),
        'bn2_gamma': jnp.ones((D_H,), jnp.float32),
        'bn2_beta': jnp.zeros((D_H,), jnp.float32),
        'Wd': jax.random.normal(ks[6], (D_H, D_OUT), jnp.float32) * 0.05,
        'bd': jnp.zeros((D_OUT,), jnp.float32),
    }
    return inp


def reference(x, edge_index, bn1_gamma, bn1_beta, W1, b1, W2, b2, W3, b3, W4, b4, bn2_gamma, bn2_beta, Wd, bd):
    # add self-loops (GCNConv default)
    loop = jnp.arange(N, dtype=edge_index.dtype)
    src = jnp.concatenate([edge_index[0], loop])
    dst = jnp.concatenate([edge_index[1], loop])
    h = batch_norm(x, bn1_gamma, bn1_beta)
    h = gcn_conv(h, src, dst, W1, b1, N)
    h = gcn_conv(h, src, dst, W2, b2, N)
    h = gcn_conv(h, src, dst, W3, b3, N)
    h = gcn_conv(h, src, dst, W4, b4, N)
    h = batch_norm(h, bn2_gamma, bn2_beta)
    h = h.reshape(h.shape[0], -1)
    out = h @ Wd + bd
    return jax.nn.sigmoid(out)

if __name__ == "__main__":
    import jax
    _d = setup_inputs()
    print(jax.jit(kernel)(*tuple(_d.values())))

</pallas_src>

<mosaic_0001>
#map = affine_map<(d0, d1) -> (0)>
#map1 = affine_map<(d0, d1) -> (0, 0)>
module attributes {stable_mosaic.version = 14 : i64} {
  func.func @_sc_degree(%arg0: i32, %arg1: i32, %arg2: memref<331776xi32, #tpu.memory_space<hbm>>, %arg3: memref<128x128xf32, #tpu.memory_space<hbm>>, %arg4: memref<128x128xf32, #tpu.memory_space<hbm>>, %arg5: memref<10000x128xf32, #tpu.memory_space<hbm>>, %arg6: memref<128xi32, #tpu.memory_space<vmem>>, %arg7: memref<128x128xf32, #tpu.memory_space<vmem>>, %arg8: memref<10240x128xf32, #tpu.memory_space<vmem_shared>>) attributes {dimension_semantics = [#tpu.dimension_semantics<core_parallel>, #tpu.dimension_semantics<subcore_parallel>], iteration_bounds = array<i64: 2, 16>, scalar_prefetch = 0 : i64, scratch_operands = 3 : i64, tpu.core_type = #tpu.core_type<sc_vector_subcore>, window_params = [{transform_indices = #map}, {transform_indices = #map1}, {transform_indices = #map1}, {transform_indices = #map1}]} {
    %eq3A = arith.constant 0 : i32
    %eq3A_0 = arith.cmpi eq, %arg0, %eq3A : i32
    %convert_element_type3A = arith.extui %eq3A_0 : i1 to i32
    %cond3A = arith.constant 0 : i32
    %cond3A_1 = arith.cmpi ne, %convert_element_type3A, %cond3A : i32
    scf.if %cond3A_1 {
      "tpu.region"() ({
        %run_scoped3A = tpu.sem_alloc : memref<!tpu.dma_semaphore, #tpu.memory_space<semaphore_mem>>
        tpu.enqueue_dma source(%arg3 : memref<128x128xf32, #tpu.memory_space<hbm>>) target(%arg7 : memref<128x128xf32, #tpu.memory_space<vmem>>) target_semaphore(%run_scoped3A : memref<!tpu.dma_semaphore, #tpu.memory_space<semaphore_mem>>)
        tpu.wait_dma2 semaphore(%run_scoped3A : memref<!tpu.dma_semaphore, #tpu.memory_space<semaphore_mem>>) src(%arg3 : memref<128x128xf32, #tpu.memory_space<hbm>>) dst(%arg7 : memref<128x128xf32, #tpu.memory_space<vmem>>)
        tpu.yield
      }) : () -> ()
      %mul3A = arith.constant 640 : i32
      %mul3A_2 = arith.muli %arg1, %mul3A : i32
      %add3A = arith.constant 0 : i32
      %add3A_3 = arith.addi %mul3A_2, %add3A : i32
      "tpu.region"() ({
        %run_scoped3A = tpu.sem_alloc : memref<!tpu.dma_semaphore, #tpu.memory_space<semaphore_mem>>
        %dma_start3A = arith.constant 0 : i32
        %dma_start3A_37 = tpu.memref_slice %arg8[%add3A_3, %dma_start3A] : memref<10240x128xf32, #tpu.memory_space<vmem_shared>> -> memref<128x128xf32, #tpu.memory_space<vmem_shared>>
        %dma_start3A_38 = arith.constant 0 : i32
        %dma_start3A_39 = tpu.memref_slice %arg8[%add3A_3, %dma_start3A_38] : memref<10240x128xf32, #tpu.memory_space<vmem_shared>> -> memref<128x128xf32, #tpu.memory_space<vmem_shared>>
        tpu.enqueue_dma source(%arg7 : memref<128x128xf32, #tpu.memory_space<vmem>>) target(%dma_start3A_39 : memref<128x128xf32, #tpu.memory_space<vmem_shared>>) target_semaphore(%run_scoped3A : memref<!tpu.dma_semaphore, #tpu.memory_space<semaphore_mem>>)
        %dma_wait3A = arith.constant 0 : i32
        %dma_wait3A_40 = tpu.memref_slice %arg8[%add3A_3, %dma_wait3A] : memref<10240x128xf32, #tpu.memory_space<vmem_shared>> -> memref<128x128xf32, #tpu.memory_space<vmem_shared>>
        %dma_wait3A_41 = arith.constant 0 : i32
        %dma_wait3A_42 = tpu.memref_slice %arg8[%add3A_3, %dma_wait3A_41] : memref<10240x128xf32, #tpu.memory_space<vmem_shared>> -> memref<128x128xf32, #tpu.memory_space<vmem_shared>>
        tpu.wait_dma2 semaphore(%run_scoped3A : memref<!tpu.dma_semaphore, #tpu.memory_space<semaphore_mem>>) src(%arg7 : memref<128x128xf32, #tpu.memory_space<vmem>>) dst(%dma_wait3A_42 : memref<128x128xf32, #tpu.memory_space<vmem_shared>>)
        tpu.yield
      }) : () -> ()
      %mul3A_4 = arith.constant 640 : i32
      %mul3A_5 = arith.muli %arg1, %mul3A_4 : i32
      %add3A_6 = arith.constant 128 : i32
      %add3A_7 = arith.addi %mul3A_5, %add3A_6 : i32
      "tpu.region"() ({
        %run_scoped3A = tpu.sem_alloc : memref<!tpu.dma_semaphore, #tpu.memory_space<semaphore_mem>>
        %dma_start3A = arith.constant 0 : i32
        %dma_start3A_37 = tpu.memref_slice %arg8[%add3A_7, %dma_start3A] : memref<10240x128xf32, #tpu.memory_space<vmem_shared>> -> memref<128x128xf32, #tpu.memory_space<vmem_shared>>
        %dma_start3A_38 = arith.constant 0 : i32
        %dma_start3A_39 = tpu.memref_slice %arg8[%add3A_7, %dma_start3A_38] : memref<10240x128xf32, #tpu.memory_space<vmem_shared>> -> memref<128x128xf32, #tpu.memory_space<vmem_shared>>
        tpu.enqueue_dma source(%arg7 : memref<128x128xf32, #tpu.memory_space<vmem>>) target(%dma_start3A_39 : memref<128x128xf32, #tpu.memory_space<vmem_shared>>) target_semaphore(%run_scoped3A : memref<!tpu.dma_semaphore, #tpu.memory_space<semaphore_mem>>)
        %dma_wait3A = arith.constant 0 : i32
        %dma_wait3A_40 = tpu.memref_slice %arg8[%add3A_7, %dma_wait3A] : memref<10240x128xf32, #tpu.memory_space<vmem_shared>> -> memref<128x128xf32, #tpu.memory_space<vmem_shared>>
        %dma_wait3A_41 = arith.constant 0 : i32
        %dma_wait3A_42 = tpu.memref_slice %arg8[%add3A_7, %dma_wait3A_41] : memref<10240x128xf32, #tpu.memory_space<vmem_shared>> -> memref<128x128xf32, #tpu.memory_space<vmem_shared>>
        tpu.wait_dma2 semaphore(%run_scoped3A : memref<!tpu.dma_semaphore, #tpu.memory_space<semaphore_mem>>) src(%arg7 : memref<128x128xf32, #tpu.memory_space<vmem>>) dst(%dma_wait3A_42 : memref<128x128xf32, #tpu.memory_space<vmem_shared>>)
        tpu.yield
      }) : () -> ()
      %mul3A_8 = arith.constant 640 : i32
      %mul3A_9 = arith.muli %arg1, %mul3A_8 : i32
      %add3A_10 = arith.constant 256 : i32
      %add3A_11 = arith.addi %mul3A_9, %add3A_10 : i32
      "tpu.region"() ({
        %run_scoped3A = tpu.sem_alloc : memref<!tpu.dma_semaphore, #tpu.memory_space<semaphore_mem>>
        %dma_start3A = arith.constant 0 : i32
        %dma_start3A_37 = tpu.memref_slice %arg8[%add3A_11, %dma_start3A] : memref<10240x128xf32, #tpu.memory_space<vmem_shared>> -> memref<128x128xf32, #tpu.memory_space<vmem_shared>>
        %dma_start3A_38 = arith.constant 0 : i32
        %dma_start3A_39 = tpu.memref_slice %arg8[%add3A_11, %dma_start3A_38] : memref<10240x128xf32, #tpu.memory_space<vmem_shared>> -> memref<128x128xf32, #tpu.memory_space<vmem_shared>>
        tpu.enqueue_dma source(%arg7 : memref<128x128xf32, #tpu.memory_space<vmem>>) target(%dma_start3A_39 : memref<128x128xf32, #tpu.memory_space<vmem_shared>>) target_semaphore(%run_scoped3A : memref<!tpu.dma_semaphore, #tpu.memory_space<semaphore_mem>>)
        %dma_wait3A = arith.constant 0 : i32
        %dma_wait3A_40 = tpu.memref_slice %arg8[%add3A_11, %dma_wait3A] : memref<10240x128xf32, #tpu.memory_space<vmem_shared>> -> memref<128x128xf32, #tpu.memory_space<vmem_shared>>
        %dma_wait3A_41 = arith.constant 0 : i32
        %dma_wait3A_42 = tpu.memref_slice %arg8[%add3A_11, %dma_wait3A_41] : memref<10240x128xf32, #tpu.memory_space<vmem_shared>> -> memref<128x128xf32, #tpu.memory_space<vmem_shared>>
        tpu.wait_dma2 semaphore(%run_scoped3A : memref<!tpu.dma_semaphore, #tpu.memory_space<semaphore_mem>>) src(%arg7 : memref<128x128xf32, #tpu.memory_space<vmem>>) dst(%dma_wait3A_42 : memref<128x128xf32, #tpu.memory_space<vmem_shared>>)
        tpu.yield
      }) : () -> ()
      %mul3A_12 = arith.constant 640 : i32
      %mul3A_13 = arith.muli %arg1, %mul3A_12 : i32
      %add3A_14 = arith.constant 384 : i32
      %add3A_15 = arith.addi %mul3A_13, %add3A_14 : i32
      "tpu.region"() ({
        %run_scoped3A = tpu.sem_alloc : memref<!tpu.dma_semaphore, #tpu.memory_space<semaphore_mem>>
        %dma_start3A = arith.constant 0 : i32
        %dma_start3A_37 = tpu.memref_slice %arg8[%add3A_15, %dma_start3A] : memref<10240x128xf32, #tpu.memory_space<vmem_shared>> -> memref<128x128xf32, #tpu.memory_space<vmem_shared>>
        %dma_start3A_38 = arith.constant 0 : i32
        %dma_start3A_39 = tpu.memref_slice %arg8[%add3A_15, %dma_start3A_38] : memref<10240x128xf32, #tpu.memory_space<vmem_shared>> -> memref<128x128xf32, #tpu.memory_space<vmem_shared>>
        tpu.enqueue_dma source(%arg7 : memref<128x128xf32, #tpu.memory_space<vmem>>) target(%dma_start3A_39 : memref<128x128xf32, #tpu.memory_space<vmem_shared>>) target_semaphore(%run_scoped3A : memref<!tpu.dma_semaphore, #tpu.memory_space<semaphore_mem>>)
        %dma_wait3A = arith.constant 0 : i32
        %dma_wait3A_40 = tpu.memref_slice %arg8[%add3A_15, %dma_wait3A] : memref<10240x128xf32, #tpu.memory_space<vmem_shared>> -> memref<128x128xf32, #tpu.memory_space<vmem_shared>>
        %dma_wait3A_41 = arith.constant 0 : i32
        %dma_wait3A_42 = tpu.memref_slice %arg8[%add3A_15, %dma_wait3A_41] : memref<10240x128xf32, #tpu.memory_space<vmem_shared>> -> memref<128x128xf32, #tpu.memory_space<vmem_shared>>
        tpu.wait_dma2 semaphore(%run_scoped3A : memref<!tpu.dma_semaphore, #tpu.memory_space<semaphore_mem>>) src(%arg7 : memref<128x128xf32, #tpu.memory_space<vmem>>) dst(%dma_wait3A_42 : memref<128x128xf32, #tpu.memory_space<vmem_shared>>)
        tpu.yield
      }) : () -> ()
      %mul3A_16 = arith.constant 640 : i32
      %mul3A_17 = arith.muli %arg1, %mul3A_16 : i32
      %add3A_18 = arith.constant 512 : i32
      %add3A_19 = arith.addi %mul3A_17, %add3A_18 : i32
      "tpu.region"() ({
        %run_scoped3A = tpu.sem_alloc : memref<!tpu.dma_semaphore, #tpu.memory_space<semaphore_mem>>
        %dma_start3A = arith.constant 0 : i32
        %dma_start3A_37 = tpu.memref_slice %arg8[%add3A_19, %dma_start3A] : memref<10240x128xf32, #tpu.memory_space<vmem_shared>> -> memref<128x128xf32, #tpu.memory_space<vmem_shared>>
        %dma_start3A_38 = arith.constant 0 : i32
        %dma_start3A_39 = tpu.memref_slice %arg8[%add3A_19, %dma_start3A_38] : memref<10240x128xf32, #tpu.memory_space<vmem_shared>> -> memref<128x128xf32, #tpu.memory_space<vmem_shared>>
        tpu.enqueue_dma source(%arg7 : memref<128x128xf32, #tpu.memory_space<vmem>>) target(%dma_start3A_39 : memref<128x128xf32, #tpu.memory_space<vmem_shared>>) target_semaphore(%run_scoped3A : memref<!tpu.dma_semaphore, #tpu.memory_space<semaphore_mem>>)
        %dma_wait3A = arith.constant 0 : i32
        %dma_wait3A_40 = tpu.memref_slice %arg8[%add3A_19, %dma_wait3A] : memref<10240x128xf32, #tpu.memory_space<vmem_shared>> -> memref<128x128xf32, #tpu.memory_space<vmem_shared>>
        %dma_wait3A_41 = arith.constant 0 : i32
        %dma_wait3A_42 = tpu.memref_slice %arg8[%add3A_19, %dma_wait3A_41] : memref<10240x128xf32, #tpu.memory_space<vmem_shared>> -> memref<128x128xf32, #tpu.memory_space<vmem_shared>>
        tpu.wait_dma2 semaphore(%run_scoped3A : memref<!tpu.dma_semaphore, #tpu.memory_space<semaphore_mem>>) src(%arg7 : memref<128x128xf32, #tpu.memory_space<vmem>>) dst(%dma_wait3A_42 : memref<128x128xf32, #tpu.memory_space<vmem_shared>>)
        tpu.yield
      }) : () -> ()
      %barrier3A = arith.constant 0 : index
      tpu.barrier barrier_id(%barrier3A)
      "tpu.region"() ({
        %run_scoped3A = tpu.sem_alloc : memref<!tpu.dma_semaphore, #tpu.memory_space<semaphore_mem>>
        tpu.enqueue_dma source(%arg4 : memref<128x128xf32, #tpu.memory_space<hbm>>) target(%arg7 : memref<128x128xf32, #tpu.memory_space<vmem>>) target_semaphore(%run_scoped3A : memref<!tpu.dma_semaphore, #tpu.memory_space<semaphore_mem>>)
        tpu.wait_dma2 semaphore(%run_scoped3A : memref<!tpu.dma_semaphore, #tpu.memory_space<semaphore_mem>>) src(%arg4 : memref<128x128xf32, #tpu.memory_space<hbm>>) dst(%arg7 : memref<128x128xf32, #tpu.memory_space<vmem>>)
        tpu.yield
      }) : () -> ()
      %mul3A_20 = arith.constant 20736 : i32
      %mul3A_21 = arith.muli %arg1, %mul3A_20 : i32
      %scan3A = arith.constant 0 : i32
      %scan3A_22 = arith.constant 0 : i32
      %scan3A_23 = arith.constant 162 : i32
      %scan3A_24 = arith.addi %scan3A_22, %scan3A_23 : i32
      %scan3A_25 = arith.constant 1 : i32
      scf.for %scan3A_37 = %scan3A_22 to %scan3A_24 step %scan3A_25  : i32 {
        %mul3A_38 = arith.constant 128 : i32
        %mul3A_39 = arith.muli %scan3A_37, %mul3A_38 : i32
        %add3A_40 = arith.addi %mul3A_21, %mul3A_39 : i32
        "tpu.region"() ({
          %run_scoped3A = tpu.sem_alloc : memref<!tpu.dma_semaphore, #tpu.memory_space<semaphore_mem>>
          %dma_start3A = tpu.memref_slice %arg2[%add3A_40] : memref<331776xi32, #tpu.memory_space<hbm>> -> memref<128xi32, #tpu.memory_space<hbm>>
          %dma_start3A_41 = tpu.memref_slice %arg2[%add3A_40] : memref<331776xi32, #tpu.memory_space<hbm>> -> memref<128xi32, #tpu.memory_space<hbm>>
          tpu.enqueue_dma source(%dma_start3A_41 : memref<128xi32, #tpu.memory_space<hbm>>) target(%arg6 : memref<128xi32, #tpu.memory_space<vmem>>) target_semaphore(%run_scoped3A : memref<!tpu.dma_semaphore, #tpu.memory_space<semaphore_mem>>)
          %dma_wait3A = tpu.memref_slice %arg2[%add3A_40] : memref<331776xi32, #tpu.memory_space<hbm>> -> memref<128xi32, #tpu.memory_space<hbm>>
          %dma_wait3A_42 = tpu.memref_slice %arg2[%add3A_40] : memref<331776xi32, #tpu.memory_space<hbm>> -> memref<128xi32, #tpu.memory_space<hbm>>
          tpu.wait_dma2 semaphore(%run_scoped3A : memref<!tpu.dma_semaphore, #tpu.memory_space<semaphore_mem>>) src(%dma_wait3A_42 : memref<128xi32, #tpu.memory_space<hbm>>) dst(%arg6 : memref<128xi32, #tpu.memory_space<vmem>>)
          tpu.yield
        }) : () -> ()
        "tpu.region"() ({
          %run_scoped3A = tpu.sem_alloc : memref<!tpu.dma_semaphore, #tpu.memory_space<semaphore_mem>>
          %dma_start3A = arith.constant 0 : i32
          %dma_start3A_41 = arith.constant 0 : i32
          %dma_start3A_42 = tpu.memref_slice %arg8[%dma_start3A, %dma_start3A_41] : memref<10240x128xf32, #tpu.memory_space<vmem_shared>> -> memref<10240x128xf32, #tpu.memory_space<vmem_shared>>
          tpu.enqueue_indirect_dma source(%arg7 : memref<128x128xf32, #tpu.memory_space<vmem>>) target(%dma_start3A_42 : memref<10240x128xf32, #tpu.memory_space<vmem_shared>>) offsets(%arg6 : memref<128xi32, #tpu.memory_space<vmem>>) semaphore(%run_scoped3A : memref<!tpu.dma_semaphore, #tpu.memory_space<semaphore_mem>>) {add = true}
          %dma_wait3A = arith.constant 0 : i32
          %dma_wait3A_43 = arith.constant 0 : i32
          %dma_wait3A_44 = tpu.memref_slice %arg8[%dma_wait3A, %dma_wait3A_43] : memref<10240x128xf32, #tpu.memory_space<vmem_shared>> -> memref<10240x128xf32, #tpu.memory_space<vmem_shared>>
          tpu.wait_indirect_dma semaphore(%run_scoped3A : memref<!tpu.dma_semaphore, #tpu.memory_space<semaphore_mem>>) src(%arg7 : memref<128x128xf32, #tpu.memory_space<vmem>>) dst(%dma_wait3A_44 : memref<10240x128xf32, #tpu.memory_space<vmem_shared>>)
          tpu.yield
        }) : () -> ()
      }
      %scan3A_26 = arith.constant 162 : i32
      %barrier3A_27 = arith.constant 0 : index
      tpu.barrier barrier_id(%barrier3A_27)
      %mul3A_28 = arith.constant 624 : i32
      %mul3A_29 = arith.muli %arg1, %mul3A_28 : i32
      %mul3A_30 = arith.constant 624 : i32
      %mul3A_31 = arith.muli %arg1, %mul3A_30 : i32
      "tpu.region"() ({
        %run_scoped3A = tpu.sem_alloc : memref<!tpu.dma_semaphore, #tpu.memory_space<semaphore_mem>>
        %dma_start3A = arith.constant 0 : i32
        %dma_start3A_37 = tpu.memref_slice %arg5[%mul3A_31, %dma_start3A] : memref<10000x128xf32, #tpu.memory_space<hbm>> -> memref<624x128xf32, #tpu.memory_space<hbm>>
        %dma_start3A_38 = arith.constant 0 : i32
        %dma_start3A_39 = tpu.memref_slice %arg8[%mul3A_29, %dma_start3A_38] : memref<10240x128xf32, #tpu.memory_space<vmem_shared>> -> memref<624x128xf32, #tpu.memory_space<vmem_shared>>
        tpu.enqueue_dma source(%dma_start3A_39 : memref<624x128xf32, #tpu.memory_space<vmem_shared>>) target(%dma_start3A_37 : memref<624x128xf32, #tpu.memory_space<hbm>>) target_semaphore(%run_scoped3A : memref<!tpu.dma_semaphore, #tpu.memory_space<semaphore_mem>>)
        %dma_wait3A = arith.constant 0 : i32
        %dma_wait3A_40 = tpu.memref_slice %arg5[%mul3A_31, %dma_wait3A] : memref<10000x128xf32, #tpu.memory_space<hbm>> -> memref<624x128xf32, #tpu.memory_space<hbm>>
        %dma_wait3A_41 = arith.constant 0 : i32
        %dma_wait3A_42 = tpu.memref_slice %arg8[%mul3A_29, %dma_wait3A_41] : memref<10240x128xf32, #tpu.memory_space<vmem_shared>> -> memref<624x128xf32, #tpu.memory_space<vmem_shared>>
        tpu.wait_dma2 semaphore(%run_scoped3A : memref<!tpu.dma_semaphore, #tpu.memory_space<semaphore_mem>>) src(%dma_wait3A_42 : memref<624x128xf32, #tpu.memory_space<vmem_shared>>) dst(%dma_wait3A_40 : memref<624x128xf32, #tpu.memory_space<hbm>>)
        tpu.yield
      }) : () -> ()
      %eq3A_32 = arith.constant 0 : i32
      %eq3A_33 = arith.cmpi eq, %arg1, %eq3A_32 : i32
      %convert_element_type3A_34 = arith.extui %eq3A_33 : i1 to i32
      %cond3A_35 = arith.constant 0 : i32
      %cond3A_36 = arith.cmpi ne, %convert_element_type3A_34, %cond3A_35 : i32
      scf.if %cond3A_36 {
        "tpu.region"() ({
          %run_scoped3A = tpu.sem_alloc : memref<!tpu.dma_semaphore, #tpu.memory_space<semaphore_mem>>
          %dma_start3A = arith.constant 9984 : i32
          %dma_start3A_37 = arith.constant 0 : i32
          %dma_start3A_38 = tpu.memref_slice %arg5[%dma_start3A, %dma_start3A_37] : memref<10000x128xf32, #tpu.memory_space<hbm>> -> memref<16x128xf32, #tpu.memory_space<hbm>>
          %dma_start3A_39 = arith.constant 9984 : i32
          %dma_start3A_40 = arith.constant 0 : i32
          %dma_start3A_41 = tpu.memref_slice %arg8[%dma_start3A_39, %dma_start3A_40] : memref<10240x128xf32, #tpu.memory_space<vmem_shared>> -> memref<16x128xf32, #tpu.memory_space<vmem_shared>>
          tpu.enqueue_dma source(%dma_start3A_41 : memref<16x128xf32, #tpu.memory_space<vmem_shared>>) target(%dma_start3A_38 : memref<16x128xf32, #tpu.memory_space<hbm>>) target_semaphore(%run_scoped3A : memref<!tpu.dma_semaphore, #tpu.memory_space<semaphore_mem>>)
          %dma_wait3A = arith.constant 9984 : i32
          %dma_wait3A_42 = arith.constant 0 : i32
          %dma_wait3A_43 = tpu.memref_slice %arg5[%dma_wait3A, %dma_wait3A_42] : memref<10000x128xf32, #tpu.memory_space<hbm>> -> memref<16x128xf32, #tpu.memory_space<hbm>>
          %dma_wait3A_44 = arith.constant 9984 : i32
          %dma_wait3A_45 = arith.constant 0 : i32
          %dma_wait3A_46 = tpu.memref_slice %arg8[%dma_wait3A_44, %dma_wait3A_45] : memref<10240x128xf32, #tpu.memory_space<vmem_shared>> -> memref<16x128xf32, #tpu.memory_space<vmem_shared>>
          tpu.wait_dma2 semaphore(%run_scoped3A : memref<!tpu.dma_semaphore, #tpu.memory_space<semaphore_mem>>) src(%dma_wait3A_46 : memref<16x128xf32, #tpu.memory_space<vmem_shared>>) dst(%dma_wait3A_43 : memref<16x128xf32, #tpu.memory_space<hbm>>)
          tpu.yield
        }) : () -> ()
      } else {
      }
    } else {
    }
    return
  }
}

#map = affine_map<(d0, d1) -> (0)>
#map1 = affine_map<(d0, d1) -> (0, 0)>
module attributes {stable_mosaic.version = 14 : i64} {
  func.func @_sc_aggregate(%arg0: i32, %arg1: i32, %arg2: memref<331776xi32, #tpu.memory_space<hbm>>, %arg3: memref<331776xi32, #tpu.memory_space<hbm>>, %arg4: memref<10000x128xf32, #tpu.memory_space<hbm>>, %arg5: memref<10000x128xf32, #tpu.memory_space<hbm>>, %arg6: memref<128x128xf32, #tpu.memory_space<hbm>>, %arg7: memref<10000x128xf32, #tpu.memory_space<hbm>>, %arg8: memref<10000x128xf32, #tpu.memory_space<hbm>>, %arg9: memref<128xi32, #tpu.memory_space<vmem>>, %arg10: memref<128xi32, #tpu.memory_space<vmem>>, %arg11: memref<128x128xf32, #tpu.memory_space<vmem>>, %arg12: memref<128x128xf32, #tpu.memory_space<vmem>>, %arg13: memref<10240x128xf32, #tpu.memory_space<vmem_shared>>, %arg14: memref<!tpu.dma_semaphore, #tpu.memory_space<semaphore_mem>>) attributes {dimension_semantics = [#tpu.dimension_semantics<core_parallel>, #tpu.dimension_semantics<subcore_parallel>], iteration_bounds = array<i64: 2, 16>, scalar_prefetch = 0 : i64, scratch_operands = 6 : i64, tpu.core_type = #tpu.core_type<sc_vector_subcore>, window_params = [{transform_indices = #map}, {transform_indices = #map}, {transform_indices = #map1}, {transform_indices = #map1}, {transform_indices = #map1}, {transform_indices = #map1}, {transform_indices = #map1}]} {
    %mul3A = arith.constant 20736 : i32
    %mul3A_0 = arith.muli %arg1, %mul3A : i32
    "tpu.region"() ({
      %run_scoped3A = tpu.sem_alloc : memref<!tpu.dma_semaphore, #tpu.memory_space<semaphore_mem>>
      tpu.enqueue_dma source(%arg6 : memref<128x128xf32, #tpu.memory_space<hbm>>) target(%arg12 : memref<128x128xf32, #tpu.memory_space<vmem>>) target_semaphore(%run_scoped3A : memref<!tpu.dma_semaphore, #tpu.memory_space<semaphore_mem>>)
      tpu.wait_dma2 semaphore(%run_scoped3A : memref<!tpu.dma_semaphore, #tpu.memory_space<semaphore_mem>>) src(%arg6 : memref<128x128xf32, #tpu.memory_space<hbm>>) dst(%arg12 : memref<128x128xf32, #tpu.memory_space<vmem>>)
      tpu.yield
    }) : () -> ()
    %mul3A_1 = arith.constant 640 : i32
    %mul3A_2 = arith.muli %arg1, %mul3A_1 : i32
    %add3A = arith.constant 0 : i32
    %add3A_3 = arith.addi %mul3A_2, %add3A : i32
    "tpu.region"() ({
      %run_scoped3A = tpu.sem_alloc : memref<!tpu.dma_semaphore, #tpu.memory_space<semaphore_mem>>
      %dma_start3A = arith.constant 0 : i32
      %dma_start3A_27 = tpu.memref_slice %arg13[%add3A_3, %dma_start3A] : memref<10240x128xf32, #tpu.memory_space<vmem_shared>> -> memref<128x128xf32, #tpu.memory_space<vmem_shared>>
      %dma_start3A_28 = arith.constant 0 : i32
      %dma_start3A_29 = tpu.memref_slice %arg13[%add3A_3, %dma_start3A_28] : memref<10240x128xf32, #tpu.memory_space<vmem_shared>> -> memref<128x128xf32, #tpu.memory_space<vmem_shared>>
      tpu.enqueue_dma source(%arg12 : memref<128x128xf32, #tpu.memory_space<vmem>>) target(%dma_start3A_29 : memref<128x128xf32, #tpu.memory_space<vmem_shared>>) target_semaphore(%run_scoped3A : memref<!tpu.dma_semaphore, #tpu.memory_space<semaphore_mem>>)
      %dma_wait3A = arith.constant 0 : i32
      %dma_wait3A_30 = tpu.memref_slice %arg13[%add3A_3, %dma_wait3A] : memref<10240x128xf32, #tpu.memory_space<vmem_shared>> -> memref<128x128xf32, #tpu.memory_space<vmem_shared>>
      %dma_wait3A_31 = arith.constant 0 : i32
      %dma_wait3A_32 = tpu.memref_slice %arg13[%add3A_3, %dma_wait3A_31] : memref<10240x128xf32, #tpu.memory_space<vmem_shared>> -> memref<128x128xf32, #tpu.memory_space<vmem_shared>>
      tpu.wait_dma2 semaphore(%run_scoped3A : memref<!tpu.dma_semaphore, #tpu.memory_space<semaphore_mem>>) src(%arg12 : memref<128x128xf32, #tpu.memory_space<vmem>>) dst(%dma_wait3A_32 : memref<128x128xf32, #tpu.memory_space<vmem_shared>>)
      tpu.yield
    }) : () -> ()
    %mul3A_4 = arith.constant 640 : i32
    %mul3A_5 = arith.muli %arg1, %mul3A_4 : i32
    %add3A_6 = arith.constant 128 : i32
    %add3A_7 = arith.addi %mul3A_5, %add3A_6 : i32
    "tpu.region"() ({
      %run_scoped3A = tpu.sem_alloc : memref<!tpu.dma_semaphore, #tpu.memory_space<semaphore_mem>>
      %dma_start3A = arith.constant 0 : i32
      %dma_start3A_27 = tpu.memref_slice %arg13[%add3A_7, %dma_start3A] : memref<10240x128xf32, #tpu.memory_space<vmem_shared>> -> memref<128x128xf32, #tpu.memory_space<vmem_shared>>
      %dma_start3A_28 = arith.constant 0 : i32
      %dma_start3A_29 = tpu.memref_slice %arg13[%add3A_7, %dma_start3A_28] : memref<10240x128xf32, #tpu.memory_space<vmem_shared>> -> memref<128x128xf32, #tpu.memory_space<vmem_shared>>
      tpu.enqueue_dma source(%arg12 : memref<128x128xf32, #tpu.memory_space<vmem>>) target(%dma_start3A_29 : memref<128x128xf32, #tpu.memory_space<vmem_shared>>) target_semaphore(%run_scoped3A : memref<!tpu.dma_semaphore, #tpu.memory_space<semaphore_mem>>)
      %dma_wait3A = arith.constant 0 : i32
      %dma_wait3A_30 = tpu.memref_slice %arg13[%add3A_7, %dma_wait3A] : memref<10240x128xf32, #tpu.memory_space<vmem_shared>> -> memref<128x128xf32, #tpu.memory_space<vmem_shared>>
      %dma_wait3A_31 = arith.constant 0 : i32
      %dma_wait3A_32 = tpu.memref_slice %arg13[%add3A_7, %dma_wait3A_31] : memref<10240x128xf32, #tpu.memory_space<vmem_shared>> -> memref<128x128xf32, #tpu.memory_space<vmem_shared>>
      tpu.wait_dma2 semaphore(%run_scoped3A : memref<!tpu.dma_semaphore, #tpu.memory_space<semaphore_mem>>) src(%arg12 : memref<128x128xf32, #tpu.memory_space<vmem>>) dst(%dma_wait3A_32 : memref<128x128xf32, #tpu.memory_space<vmem_shared>>)
      tpu.yield
    }) : () -> ()
    %mul3A_8 = arith.constant 640 : i32
    %mul3A_9 = arith.muli %arg1, %mul3A_8 : i32
    %add3A_10 = arith.constant 256 : i32
    %add3A_11 = arith.addi %mul3A_9, %add3A_10 : i32
    "tpu.region"() ({
      %run_scoped3A = tpu.sem_alloc : memref<!tpu.dma_semaphore, #tpu.memory_space<semaphore_mem>>
      %dma_start3A = arith.constant 0 : i32
      %dma_start3A_27 = tpu.memref_slice %arg13[%add3A_11, %dma_start3A] : memref<10240x128xf32, #tpu.memory_space<vmem_shared>> -> memref<128x128xf32, #tpu.memory_space<vmem_shared>>
      %dma_start3A_28 = arith.constant 0 : i32
      %dma_start3A_29 = tpu.memref_slice %arg13[%add3A_11, %dma_start3A_28] : memref<10240x128xf32, #tpu.memory_space<vmem_shared>> -> memref<128x128xf32, #tpu.memory_space<vmem_shared>>
      tpu.enqueue_dma source(%arg12 : memref<128x128xf32, #tpu.memory_space<vmem>>) target(%dma_start3A_29 : memref<128x128xf32, #tpu.memory_space<vmem_shared>>) target_semaphore(%run_scoped3A : memref<!tpu.dma_semaphore, #tpu.memory_space<semaphore_mem>>)
      %dma_wait3A = arith.constant 0 : i32
      %dma_wait3A_30 = tpu.memref_slice %arg13[%add3A_11, %dma_wait3A] : memref<10240x128xf32, #tpu.memory_space<vmem_shared>> -> memref<128x128xf32, #tpu.memory_space<vmem_shared>>
      %dma_wait3A_31 = arith.constant 0 : i32
      %dma_wait3A_32 = tpu.memref_slice %arg13[%add3A_11, %dma_wait3A_31] : memref<10240x128xf32, #tpu.memory_space<vmem_shared>> -> memref<128x128xf32, #tpu.memory_space<vmem_shared>>
      tpu.wait_dma2 semaphore(%run_scoped3A : memref<!tpu.dma_semaphore, #tpu.memory_space<semaphore_mem>>) src(%arg12 : memref<128x128xf32, #tpu.memory_space<vmem>>) dst(%dma_wait3A_32 : memref<128x128xf32, #tpu.memory_space<vmem_shared>>)
      tpu.yield
    }) : () -> ()
    %mul3A_12 = arith.constant 640 : i32
    %mul3A_13 = arith.muli %arg1, %mul3A_12 : i32
    %add3A_14 = arith.constant 384 : i32
    %add3A_15 = arith.addi %mul3A_13, %add3A_14 : i32
    "tpu.region"() ({
      %run_scoped3A = tpu.sem_alloc : memref<!tpu.dma_semaphore, #tpu.memory_space<semaphore_mem>>
      %dma_start3A = arith.constant 0 : i32
      %dma_start3A_27 = tpu.memref_slice %arg13[%add3A_15, %dma_start3A] : memref<10240x128xf32, #tpu.memory_space<vmem_shared>> -> memref<128x128xf32, #tpu.memory_space<vmem_shared>>
      %dma_start3A_28 = arith.constant 0 : i32
      %dma_start3A_29 = tpu.memref_slice %arg13[%add3A_15, %dma_start3A_28] : memref<10240x128xf32, #tpu.memory_space<vmem_shared>> -> memref<128x128xf32, #tpu.memory_space<vmem_shared>>
      tpu.enqueue_dma source(%arg12 : memref<128x128xf32, #tpu.memory_space<vmem>>) target(%dma_start3A_29 : memref<128x128xf32, #tpu.memory_space<vmem_shared>>) target_semaphore(%run_scoped3A : memref<!tpu.dma_semaphore, #tpu.memory_space<semaphore_mem>>)
      %dma_wait3A = arith.constant 0 : i32
      %dma_wait3A_30 = tpu.memref_slice %arg13[%add3A_15, %dma_wait3A] : memref<10240x128xf32, #tpu.memory_space<vmem_shared>> -> memref<128x128xf32, #tpu.memory_space<vmem_shared>>
      %dma_wait3A_31 = arith.constant 0 : i32
      %dma_wait3A_32 = tpu.memref_slice %arg13[%add3A_15, %dma_wait3A_31] : memref<10240x128xf32, #tpu.memory_space<vmem_shared>> -> memref<128x128xf32, #tpu.memory_space<vmem_shared>>
      tpu.wait_dma2 semaphore(%run_scoped3A : memref<!tpu.dma_semaphore, #tpu.memory_space<semaphore_mem>>) src(%arg12 : memref<128x128xf32, #tpu.memory_space<vmem>>) dst(%dma_wait3A_32 : memref<128x128xf32, #tpu.memory_space<vmem_shared>>)
      tpu.yield
    }) : () -> ()
    %mul3A_16 = arith.constant 640 : i32
    %mul3A_17 = arith.muli %arg1, %mul3A_16 : i32
    %add3A_18 = arith.constant 512 : i32
    %add3A_19 = arith.addi %mul3A_17, %add3A_18 : i32
    "tpu.region"() ({
      %run_scoped3A = tpu.sem_alloc : memref<!tpu.dma_semaphore, #tpu.memory_space<semaphore_mem>>
      %dma_start3A = arith.constant 0 : i32
      %dma_start3A_27 = tpu.memref_slice %arg13[%add3A_19, %dma_start3A] : memref<10240x128xf32, #tpu.memory_space<vmem_shared>> -> memref<128x128xf32, #tpu.memory_space<vmem_shared>>
      %dma_start3A_28 = arith.constant 0 : i32
      %dma_start3A_29 = tpu.memref_slice %arg13[%add3A_19, %dma_start3A_28] : memref<10240x128xf32, #tpu.memory_space<vmem_shared>> -> memref<128x128xf32, #tpu.memory_space<vmem_shared>>
      tpu.enqueue_dma source(%arg12 : memref<128x128xf32, #tpu.memory_space<vmem>>) target(%dma_start3A_29 : memref<128x128xf32, #tpu.memory_space<vmem_shared>>) target_semaphore(%run_scoped3A : memref<!tpu.dma_semaphore, #tpu.memory_space<semaphore_mem>>)
      %dma_wait3A = arith.constant 0 : i32
      %dma_wait3A_30 = tpu.memref_slice %arg13[%add3A_19, %dma_wait3A] : memref<10240x128xf32, #tpu.memory_space<vmem_shared>> -> memref<128x128xf32, #tpu.memory_space<vmem_shared>>
      %dma_wait3A_31 = arith.constant 0 : i32
      %dma_wait3A_32 = tpu.memref_slice %arg13[%add3A_19, %dma_wait3A_31] : memref<10240x128xf32, #tpu.memory_space<vmem_shared>> -> memref<128x128xf32, #tpu.memory_space<vmem_shared>>
      tpu.wait_dma2 semaphore(%run_scoped3A : memref<!tpu.dma_semaphore, #tpu.memory_space<semaphore_mem>>) src(%arg12 : memref<128x128xf32, #tpu.memory_space<vmem>>) dst(%dma_wait3A_32 : memref<128x128xf32, #tpu.memory_space<vmem_shared>>)
      tpu.yield
    }) : () -> ()
    %barrier3A = arith.constant 0 : index
    tpu.barrier barrier_id(%barrier3A)
    %eq3A = arith.constant 0 : i32
    %eq3A_20 = arith.cmpi eq, %arg0, %eq3A : i32
    %convert_element_type3A = arith.extui %eq3A_20 : i1 to i32
    %cond3A = arith.constant 0 : i32
    %cond3A_21 = arith.cmpi ne, %convert_element_type3A, %cond3A : i32
    scf.if %cond3A_21 {
      %scan3A = arith.constant 0 : i32
      %scan3A_27 = arith.constant 0 : i32
      %scan3A_28 = arith.constant 162 : i32
      %scan3A_29 = arith.addi %scan3A_27, %scan3A_28 : i32
      %scan3A_30 = arith.constant 1 : i32
      scf.for %scan3A_42 = %scan3A_27 to %scan3A_29 step %scan3A_30  : i32 {
        %mul3A_43 = arith.constant 128 : i32
        %mul3A_44 = arith.muli %scan3A_42, %mul3A_43 : i32
        %add3A_45 = arith.addi %mul3A_0, %mul3A_44 : i32
        "tpu.region"() ({
          %run_scoped3A = tpu.sem_alloc : memref<!tpu.dma_semaphore, #tpu.memory_space<semaphore_mem>>
          %dma_start3A_53 = tpu.memref_slice %arg2[%add3A_45] : memref<331776xi32, #tpu.memory_space<hbm>> -> memref<128xi32, #tpu.memory_space<hbm>>
          %dma_start3A_54 = tpu.memref_slice %arg2[%add3A_45] : memref<331776xi32, #tpu.memory_space<hbm>> -> memref<128xi32, #tpu.memory_space<hbm>>
          tpu.enqueue_dma source(%dma_start3A_54 : memref<128xi32, #tpu.memory_space<hbm>>) target(%arg9 : memref<128xi32, #tpu.memory_space<vmem>>) target_semaphore(%run_scoped3A : memref<!tpu.dma_semaphore, #tpu.memory_space<semaphore_mem>>)
          %dma_wait3A_55 = tpu.memref_slice %arg2[%add3A_45] : memref<331776xi32, #tpu.memory_space<hbm>> -> memref<128xi32, #tpu.memory_space<hbm>>
          %dma_wait3A_56 = tpu.memref_slice %arg2[%add3A_45] : memref<331776xi32, #tpu.memory_space<hbm>> -> memref<128xi32, #tpu.memory_space<hbm>>
          tpu.wait_dma2 semaphore(%run_scoped3A : memref<!tpu.dma_semaphore, #tpu.memory_space<semaphore_mem>>) src(%dma_wait3A_56 : memref<128xi32, #tpu.memory_space<hbm>>) dst(%arg9 : memref<128xi32, #tpu.memory_space<vmem>>)
          tpu.yield
        }) : () -> ()
        %mul3A_46 = arith.constant 128 : i32
        %mul3A_47 = arith.muli %scan3A_42, %mul3A_46 : i32
        %add3A_48 = arith.addi %mul3A_0, %mul3A_47 : i32
        "tpu.region"() ({
          %run_scoped3A = tpu.sem_alloc : memref<!tpu.dma_semaphore, #tpu.memory_space<semaphore_mem>>
          %dma_start3A_53 = tpu.memref_slice %arg3[%add3A_48] : memref<331776xi32, #tpu.memory_space<hbm>> -> memref<128xi32, #tpu.memory_space<hbm>>
          %dma_start3A_54 = tpu.memref_slice %arg3[%add3A_48] : memref<331776xi32, #tpu.memory_space<hbm>> -> memref<128xi32, #tpu.memory_space<hbm>>
          tpu.enqueue_dma source(%dma_start3A_54 : memref<128xi32, #tpu.memory_space<hbm>>) target(%arg10 : memref<128xi32, #tpu.memory_space<vmem>>) target_semaphore(%run_scoped3A : memref<!tpu.dma_semaphore, #tpu.memory_space<semaphore_mem>>)
          %dma_wait3A_55 = tpu.memref_slice %arg3[%add3A_48] : memref<331776xi32, #tpu.memory_space<hbm>> -> memref<128xi32, #tpu.memory_space<hbm>>
          %dma_wait3A_56 = tpu.memref_slice %arg3[%add3A_48] : memref<331776xi32, #tpu.memory_space<hbm>> -> memref<128xi32, #tpu.memory_space<hbm>>
          tpu.wait_dma2 semaphore(%run_scoped3A : memref<!tpu.dma_semaphore, #tpu.memory_space<semaphore_mem>>) src(%dma_wait3A_56 : memref<128xi32, #tpu.memory_space<hbm>>) dst(%arg10 : memref<128xi32, #tpu.memory_space<vmem>>)
          tpu.yield
        }) : () -> ()
        %dma_start3A = arith.constant 0 : i32
        %dma_start3A_49 = arith.constant 0 : i32
        %dma_start3A_50 = tpu.memref_slice %arg4[%dma_start3A, %dma_start3A_49] : memref<10000x128xf32, #tpu.memory_space<hbm>> -> memref<10000x128xf32, #tpu.memory_space<hbm>>
        tpu.enqueue_indirect_dma source(%dma_start3A_50 : memref<10000x128xf32, #tpu.memory_space<hbm>>) target(%arg11 : memref<128x128xf32, #tpu.memory_space<vmem>>) offsets(%arg9 : memref<128xi32, #tpu.memory_space<vmem>>) semaphore(%arg14 : memref<!tpu.dma_semaphore, #tpu.memory_space<semaphore_mem>>)
        %dma_wait3A = arith.constant 0 : i32
        %dma_wait3A_51 = arith.constant 0 : i32
        %dma_wait3A_52 = tpu.memref_slice %arg4[%dma_wait3A, %dma_wait3A_51] : memref<10000x128xf32, #tpu.memory_space<hbm>> -> memref<10000x128xf32, #tpu.memory_space<hbm>>
        tpu.wait_indirect_dma semaphore(%arg14 : memref<!tpu.dma_semaphore, #tpu.memory_space<semaphore_mem>>) src(%dma_wait3A_52 : memref<10000x128xf32, #tpu.memory_space<hbm>>) dst(%arg11 : memref<128x128xf32, #tpu.memory_space<vmem>>)
        "tpu.region"() ({
          %run_scoped3A = tpu.sem_alloc : memref<!tpu.dma_semaphore, #tpu.memory_space<semaphore_mem>>
          %dma_start3A_53 = arith.constant 0 : i32
          %dma_start3A_54 = arith.constant 0 : i32
          %dma_start3A_55 = tpu.memref_slice %arg13[%dma_start3A_53, %dma_start3A_54] : memref<10240x128xf32, #tpu.memory_space<vmem_shared>> -> memref<10240x128xf32, #tpu.memory_space<vmem_shared>>
          tpu.enqueue_indirect_dma source(%arg11 : memref<128x128xf32, #tpu.memory_space<vmem>>) target(%dma_start3A_55 : memref<10240x128xf32, #tpu.memory_space<vmem_shared>>) offsets(%arg10 : memref<128xi32, #tpu.memory_space<vmem>>) semaphore(%run_scoped3A : memref<!tpu.dma_semaphore, #tpu.memory_space<semaphore_mem>>) {add = true}
          %dma_wait3A_56 = arith.constant 0 : i32
          %dma_wait3A_57 = arith.constant 0 : i32
          %dma_wait3A_58 = tpu.memref_slice %arg13[%dma_wait3A_56, %dma_wait3A_57] : memref<10240x128xf32, #tpu.memory_space<vmem_shared>> -> memref<10240x128xf32, #tpu.memory_space<vmem_shared>>
          tpu.wait_indirect_dma semaphore(%run_scoped3A : memref<!tpu.dma_semaphore, #tpu.memory_space<semaphore_mem>>) src(%arg11 : memref<128x128xf32, #tpu.memory_space<vmem>>) dst(%dma_wait3A_58 : memref<10240x128xf32, #tpu.memory_space<vmem_shared>>)
          tpu.yield
        }) : () -> ()
      }
      %scan3A_31 = arith.constant 162 : i32
      %barrier3A_32 = arith.constant 0 : index
      tpu.barrier barrier_id(%barrier3A_32)
      %mul3A_33 = arith.constant 624 : i32
      %mul3A_34 = arith.muli %arg1, %mul3A_33 : i32
      %mul3A_35 = arith.constant 624 : i32
      %mul3A_36 = arith.muli %arg1, %mul3A_35 : i32
      "tpu.region"() ({
        %run_scoped3A = tpu.sem_alloc : memref<!tpu.dma_semaphore, #tpu.memory_space<semaphore_mem>>
        %dma_start3A = arith.constant 0 : i32
        %dma_start3A_42 = tpu.memref_slice %arg7[%mul3A_36, %dma_start3A] : memref<10000x128xf32, #tpu.memory_space<hbm>> -> memref<624x128xf32, #tpu.memory_space<hbm>>
        %dma_start3A_43 = arith.constant 0 : i32
        %dma_start3A_44 = tpu.memref_slice %arg13[%mul3A_34, %dma_start3A_43] : memref<10240x128xf32, #tpu.memory_space<vmem_shared>> -> memref<624x128xf32, #tpu.memory_space<vmem_shared>>
        tpu.enqueue_dma source(%dma_start3A_44 : memref<624x128xf32, #tpu.memory_space<vmem_shared>>) target(%dma_start3A_42 : memref<624x128xf32, #tpu.memory_space<hbm>>) target_semaphore(%run_scoped3A : memref<!tpu.dma_semaphore, #tpu.memory_space<semaphore_mem>>)
        %dma_wait3A = arith.constant 0 : i32
        %dma_wait3A_45 = tpu.memref_slice %arg7[%mul3A_36, %dma_wait3A] : memref<10000x128xf32, #tpu.memory_space<hbm>> -> memref<624x128xf32, #tpu.memory_space<hbm>>
        %dma_wait3A_46 = arith.constant 0 : i32
        %dma_wait3A_47 = tpu.memref_slice %arg13[%mul3A_34, %dma_wait3A_46] : memref<10240x128xf32, #tpu.memory_space<vmem_shared>> -> memref<624x128xf32, #tpu.memory_space<vmem_shared>>
        tpu.wait_dma2 semaphore(%run_scoped3A : memref<!tpu.dma_semaphore, #tpu.memory_space<semaphore_mem>>) src(%dma_wait3A_47 : memref<624x128xf32, #tpu.memory_space<vmem_shared>>) dst(%dma_wait3A_45 : memref<624x128xf32, #tpu.memory_space<hbm>>)
        tpu.yield
      }) : () -> ()
      %eq3A_37 = arith.constant 0 : i32
      %eq3A_38 = arith.cmpi eq, %arg1, %eq3A_37 : i32
      %convert_element_type3A_39 = arith.extui %eq3A_38 : i1 to i32
      %cond3A_40 = arith.constant 0 : i32
      %cond3A_41 = arith.cmpi ne, %convert_element_type3A_39, %cond3A_40 : i32
      scf.if %cond3A_41 {
        "tpu.region"() ({
          %run_scoped3A = tpu.sem_alloc : memref<!tpu.dma_semaphore, #tpu.memory_space<semaphore_mem>>
          %dma_start3A = arith.constant 9984 : i32
          %dma_start3A_42 = arith.constant 0 : i32
          %dma_start3A_43 = tpu.memref_slice %arg7[%dma_start3A, %dma_start3A_42] : memref<10000x128xf32, #tpu.memory_space<hbm>> -> memref<16x128xf32, #tpu.memory_space<hbm>>
          %dma_start3A_44 = arith.constant 9984 : i32
          %dma_start3A_45 = arith.constant 0 : i32
          %dma_start3A_46 = tpu.memref_slice %arg13[%dma_start3A_44, %dma_start3A_45] : memref<10240x128xf32, #tpu.memory_space<vmem_shared>> -> memref<16x128xf32, #tpu.memory_space<vmem_shared>>
          tpu.enqueue_dma source(%dma_start3A_46 : memref<16x128xf32, #tpu.memory_space<vmem_shared>>) target(%dma_start3A_43 : memref<16x128xf32, #tpu.memory_space<hbm>>) target_semaphore(%run_scoped3A : memref<!tpu.dma_semaphore, #tpu.memory_space<semaphore_mem>>)
          %dma_wait3A = arith.constant 9984 : i32
          %dma_wait3A_47 = arith.constant 0 : i32
          %dma_wait3A_48 = tpu.memref_slice %arg7[%dma_wait3A, %dma_wait3A_47] : memref<10000x128xf32, #tpu.memory_space<hbm>> -> memref<16x128xf32, #tpu.memory_space<hbm>>
          %dma_wait3A_49 = arith.constant 9984 : i32
          %dma_wait3A_50 = arith.constant 0 : i32
          %dma_wait3A_51 = tpu.memref_slice %arg13[%dma_wait3A_49, %dma_wait3A_50] : memref<10240x128xf32, #tpu.memory_space<vmem_shared>> -> memref<16x128xf32, #tpu.memory_space<vmem_shared>>
          tpu.wait_dma2 semaphore(%run_scoped3A : memref<!tpu.dma_semaphore, #tpu.memory_space<semaphore_mem>>) src(%dma_wait3A_51 : memref<16x128xf32, #tpu.memory_space<vmem_shared>>) dst(%dma_wait3A_48 : memref<16x128xf32, #tpu.memory_space<hbm>>)
          tpu.yield
        }) : () -> ()
      } else {
      }
    } else {
    }
    %eq3A_22 = arith.constant 1 : i32
    %eq3A_23 = arith.cmpi eq, %arg0, %eq3A_22 : i32
    %convert_element_type3A_24 = arith.extui %eq3A_23 : i1 to i32
    %cond3A_25 = arith.constant 0 : i32
    %cond3A_26 = arith.cmpi ne, %convert_element_type3A_24, %cond3A_25 : i32
    scf.if %cond3A_26 {
      %scan3A = arith.constant 0 : i32
      %scan3A_27 = arith.constant 0 : i32
      %scan3A_28 = arith.constant 162 : i32
      %scan3A_29 = arith.addi %scan3A_27, %scan3A_28 : i32
      %scan3A_30 = arith.constant 1 : i32
      scf.for %scan3A_42 = %scan3A_27 to %scan3A_29 step %scan3A_30  : i32 {
        %mul3A_43 = arith.constant 128 : i32
        %mul3A_44 = arith.muli %scan3A_42, %mul3A_43 : i32
        %add3A_45 = arith.addi %mul3A_0, %mul3A_44 : i32
        "tpu.region"() ({
          %run_scoped3A = tpu.sem_alloc : memref<!tpu.dma_semaphore, #tpu.memory_space<semaphore_mem>>
          %dma_start3A_53 = tpu.memref_slice %arg2[%add3A_45] : memref<331776xi32, #tpu.memory_space<hbm>> -> memref<128xi32, #tpu.memory_space<hbm>>
          %dma_start3A_54 = tpu.memref_slice %arg2[%add3A_45] : memref<331776xi32, #tpu.memory_space<hbm>> -> memref<128xi32, #tpu.memory_space<hbm>>
          tpu.enqueue_dma source(%dma_start3A_54 : memref<128xi32, #tpu.memory_space<hbm>>) target(%arg9 : memref<128xi32, #tpu.memory_space<vmem>>) target_semaphore(%run_scoped3A : memref<!tpu.dma_semaphore, #tpu.memory_space<semaphore_mem>>)
          %dma_wait3A_55 = tpu.memref_slice %arg2[%add3A_45] : memref<331776xi32, #tpu.memory_space<hbm>> -> memref<128xi32, #tpu.memory_space<hbm>>
          %dma_wait3A_56 = tpu.memref_slice %arg2[%add3A_45] : memref<331776xi32, #tpu.memory_space<hbm>> -> memref<128xi32, #tpu.memory_space<hbm>>
          tpu.wait_dma2 semaphore(%run_scoped3A : memref<!tpu.dma_semaphore, #tpu.memory_space<semaphore_mem>>) src(%dma_wait3A_56 : memref<128xi32, #tpu.memory_space<hbm>>) dst(%arg9 : memref<128xi32, #tpu.memory_space<vmem>>)
          tpu.yield
        }) : () -> ()
        %mul3A_46 = arith.constant 128 : i32
        %mul3A_47 = arith.muli %scan3A_42, %mul3A_46 : i32
        %add3A_48 = arith.addi %mul3A_0, %mul3A_47 : i32
        "tpu.region"() ({
          %run_scoped3A = tpu.sem_alloc : memref<!tpu.dma_semaphore, #tpu.memory_space<semaphore_mem>>
          %dma_start3A_53 = tpu.memref_slice %arg3[%add3A_48] : memref<331776xi32, #tpu.memory_space<hbm>> -> memref<128xi32, #tpu.memory_space<hbm>>
          %dma_start3A_54 = tpu.memref_slice %arg3[%add3A_48] : memref<331776xi32, #tpu.memory_space<hbm>> -> memref<128xi32, #tpu.memory_space<hbm>>
          tpu.enqueue_dma source(%dma_start3A_54 : memref<128xi32, #tpu.memory_space<hbm>>) target(%arg10 : memref<128xi32, #tpu.memory_space<vmem>>) target_semaphore(%run_scoped3A : memref<!tpu.dma_semaphore, #tpu.memory_space<semaphore_mem>>)
          %dma_wait3A_55 = tpu.memref_slice %arg3[%add3A_48] : memref<331776xi32, #tpu.memory_space<hbm>> -> memref<128xi32, #tpu.memory_space<hbm>>
          %dma_wait3A_56 = tpu.memref_slice %arg3[%add3A_48] : memref<331776xi32, #tpu.memory_space<hbm>> -> memref<128xi32, #tpu.memory_space<hbm>>
          tpu.wait_dma2 semaphore(%run_scoped3A : memref<!tpu.dma_semaphore, #tpu.memory_space<semaphore_mem>>) src(%dma_wait3A_56 : memref<128xi32, #tpu.memory_space<hbm>>) dst(%arg10 : memref<128xi32, #tpu.memory_space<vmem>>)
          tpu.yield
        }) : () -> ()
        %dma_start3A = arith.constant 0 : i32
        %dma_start3A_49 = arith.constant 0 : i32
        %dma_start3A_50 = tpu.memref_slice %arg5[%dma_start3A, %dma_start3A_49] : memref<10000x128xf32, #tpu.memory_space<hbm>> -> memref<10000x128xf32, #tpu.memory_space<hbm>>
        tpu.enqueue_indirect_dma source(%dma_start3A_50 : memref<10000x128xf32, #tpu.memory_space<hbm>>) target(%arg11 : memref<128x128xf32, #tpu.memory_space<vmem>>) offsets(%arg9 : memref<128xi32, #tpu.memory_space<vmem>>) semaphore(%arg14 : memref<!tpu.dma_semaphore, #tpu.memory_space<semaphore_mem>>)
        %dma_wait3A = arith.constant 0 : i32
        %dma_wait3A_51 = arith.constant 0 : i32
        %dma_wait3A_52 = tpu.memref_slice %arg5[%dma_wait3A, %dma_wait3A_51] : memref<10000x128xf32, #tpu.memory_space<hbm>> -> memref<10000x128xf32, #tpu.memory_space<hbm>>
        tpu.wait_indirect_dma semaphore(%arg14 : memref<!tpu.dma_semaphore, #tpu.memory_space<semaphore_mem>>) src(%dma_wait3A_52 : memref<10000x128xf32, #tpu.memory_space<hbm>>) dst(%arg11 : memref<128x128xf32, #tpu.memory_space<vmem>>)
        "tpu.region"() ({
          %run_scoped3A = tpu.sem_alloc : memref<!tpu.dma_semaphore, #tpu.memory_space<semaphore_mem>>
          %dma_start3A_53 = arith.constant 0 : i32
          %dma_start3A_54 = arith.constant 0 : i32
          %dma_start3A_55 = tpu.memref_slice %arg13[%dma_start3A_53, %dma_start3A_54] : memref<10240x128xf32, #tpu.memory_space<vmem_shared>> -> memref<10240x128xf32, #tpu.memory_space<vmem_shared>>
          tpu.enqueue_indirect_dma source(%arg11 : memref<128x128xf32, #tpu.memory_space<vmem>>) target(%dma_start3A_55 : memref<10240x128xf32, #tpu.memory_space<vmem_shared>>) offsets(%arg10 : memref<128xi32, #tpu.memory_space<vmem>>) semaphore(%run_scoped3A : memref<!tpu.dma_semaphore, #tpu.memory_space<semaphore_mem>>) {add = true}
          %dma_wait3A_56 = arith.constant 0 : i32
          %dma_wait3A_57 = arith.constant 0 : i32
          %dma_wait3A_58 = tpu.memref_slice %arg13[%dma_wait3A_56, %dma_wait3A_57] : memref<10240x128xf32, #tpu.memory_space<vmem_shared>> -> memref<10240x128xf32, #tpu.memory_space<vmem_shared>>
          tpu.wait_indirect_dma semaphore(%run_scoped3A : memref<!tpu.dma_semaphore, #tpu.memory_space<semaphore_mem>>) src(%arg11 : memref<128x128xf32, #tpu.memory_space<vmem>>) dst(%dma_wait3A_58 : memref<10240x128xf32, #tpu.memory_space<vmem_shared>>)
          tpu.yield
        }) : () -> ()
      }
      %scan3A_31 = arith.constant 162 : i32
      %barrier3A_32 = arith.constant 0 : index
      tpu.barrier barrier_id(%barrier3A_32)
      %mul3A_33 = arith.constant 624 : i32
      %mul3A_34 = arith.muli %arg1, %mul3A_33 : i32
      %mul3A_35 = arith.constant 624 : i32
      %mul3A_36 = arith.muli %arg1, %mul3A_35 : i32
      "tpu.region"() ({
        %run_scoped3A = tpu.sem_alloc : memref<!tpu.dma_semaphore, #tpu.memory_space<semaphore_mem>>
        %dma_start3A = arith.constant 0 : i32
        %dma_start3A_42 = tpu.memref_slice %arg8[%mul3A_36, %dma_start3A] : memref<10000x128xf32, #tpu.memory_space<hbm>> -> memref<624x128xf32, #tpu.memory_space<hbm>>
        %dma_start3A_43 = arith.constant 0 : i32
        %dma_start3A_44 = tpu.memref_slice %arg13[%mul3A_34, %dma_start3A_43] : memref<10240x128xf32, #tpu.memory_space<vmem_shared>> -> memref<624x128xf32, #tpu.memory_space<vmem_shared>>
        tpu.enqueue_dma source(%dma_start3A_44 : memref<624x128xf32, #tpu.memory_space<vmem_shared>>) target(%dma_start3A_42 : memref<624x128xf32, #tpu.memory_space<hbm>>) target_semaphore(%run_scoped3A : memref<!tpu.dma_semaphore, #tpu.memory_space<semaphore_mem>>)
        %dma_wait3A = arith.constant 0 : i32
        %dma_wait3A_45 = tpu.memref_slice %arg8[%mul3A_36, %dma_wait3A] : memref<10000x128xf32, #tpu.memory_space<hbm>> -> memref<624x128xf32, #tpu.memory_space<hbm>>
        %dma_wait3A_46 = arith.constant 0 : i32
        %dma_wait3A_47 = tpu.memref_slice %arg13[%mul3A_34, %dma_wait3A_46] : memref<10240x128xf32, #tpu.memory_space<vmem_shared>> -> memref<624x128xf32, #tpu.memory_space<vmem_shared>>
        tpu.wait_dma2 semaphore(%run_scoped3A : memref<!tpu.dma_semaphore, #tpu.memory_space<semaphore_mem>>) src(%dma_wait3A_47 : memref<624x128xf32, #tpu.memory_space<vmem_shared>>) dst(%dma_wait3A_45 : memref<624x128xf32, #tpu.memory_space<hbm>>)
        tpu.yield
      }) : () -> ()
      %eq3A_37 = arith.constant 0 : i32
      %eq3A_38 = arith.cmpi eq, %arg1, %eq3A_37 : i32
      %convert_element_type3A_39 = arith.extui %eq3A_38 : i1 to i32
      %cond3A_40 = arith.constant 0 : i32
      %cond3A_41 = arith.cmpi ne, %convert_element_type3A_39, %cond3A_40 : i32
      scf.if %cond3A_41 {
        "tpu.region"() ({
          %run_scoped3A = tpu.sem_alloc : memref<!tpu.dma_semaphore, #tpu.memory_space<semaphore_mem>>
          %dma_start3A = arith.constant 9984 : i32
          %dma_start3A_42 = arith.constant 0 : i32
          %dma_start3A_43 = tpu.memref_slice %arg8[%dma_start3A, %dma_start3A_42] : memref<10000x128xf32, #tpu.memory_space<hbm>> -> memref<16x128xf32, #tpu.memory_space<hbm>>
          %dma_start3A_44 = arith.constant 9984 : i32
          %dma_start3A_45 = arith.constant 0 : i32
          %dma_start3A_46 = tpu.memref_slice %arg13[%dma_start3A_44, %dma_start3A_45] : memref<10240x128xf32, #tpu.memory_space<vmem_shared>> -> memref<16x128xf32, #tpu.memory_space<vmem_shared>>
          tpu.enqueue_dma source(%dma_start3A_46 : memref<16x128xf32, #tpu.memory_space<vmem_shared>>) target(%dma_start3A_43 : memref<16x128xf32, #tpu.memory_space<hbm>>) target_semaphore(%run_scoped3A : memref<!tpu.dma_semaphore, #tpu.memory_space<semaphore_mem>>)
          %dma_wait3A = arith.constant 9984 : i32
          %dma_wait3A_47 = arith.constant 0 : i32
          %dma_wait3A_48 = tpu.memref_slice %arg8[%dma_wait3A, %dma_wait3A_47] : memref<10000x128xf32, #tpu.memory_space<hbm>> -> memref<16x128xf32, #tpu.memory_space<hbm>>
          %dma_wait3A_49 = arith.constant 9984 : i32
          %dma_wait3A_50 = arith.constant 0 : i32
          %dma_wait3A_51 = tpu.memref_slice %arg13[%dma_wait3A_49, %dma_wait3A_50] : memref<10240x128xf32, #tpu.memory_space<vmem_shared>> -> memref<16x128xf32, #tpu.memory_space<vmem_shared>>
          tpu.wait_dma2 semaphore(%run_scoped3A : memref<!tpu.dma_semaphore, #tpu.memory_space<semaphore_mem>>) src(%dma_wait3A_51 : memref<16x128xf32, #tpu.memory_space<vmem_shared>>) dst(%dma_wait3A_48 : memref<16x128xf32, #tpu.memory_space<hbm>>)
          tpu.yield
        }) : () -> ()
      } else {
      }
    } else {
    }
    return
  }
}

#map = affine_map<(d0, d1) -> (0)>
#map1 = affine_map<(d0, d1) -> (0, 0)>
module attributes {stable_mosaic.version = 14 : i64} {
  func.func @_sc_aggregate(%arg0: i32, %arg1: i32, %arg2: memref<331776xi32, #tpu.memory_space<hbm>>, %arg3: memref<331776xi32, #tpu.memory_space<hbm>>, %arg4: memref<10000x128xf32, #tpu.memory_space<hbm>>, %arg5: memref<10000x128xf32, #tpu.memory_space<hbm>>, %arg6: memref<128x128xf32, #tpu.memory_space<hbm>>, %arg7: memref<10000x128xf32, #tpu.memory_space<hbm>>, %arg8: memref<10000x128xf32, #tpu.memory_space<hbm>>, %arg9: memref<128xi32, #tpu.memory_space<vmem>>, %arg10: memref<128xi32, #tpu.memory_space<vmem>>, %arg11: memref<128x128xf32, #tpu.memory_space<vmem>>, %arg12: memref<128x128xf32, #tpu.memory_space<vmem>>, %arg13: memref<10240x128xf32, #tpu.memory_space<vmem_shared>>, %arg14: memref<!tpu.dma_semaphore, #tpu.memory_space<semaphore_mem>>) attributes {dimension_semantics = [#tpu.dimension_semantics<core_parallel>, #tpu.dimension_semantics<subcore_parallel>], iteration_bounds = array<i64: 2, 16>, scalar_prefetch = 0 : i64, scratch_operands = 6 : i64, tpu.core_type = #tpu.core_type<sc_vector_subcore>, window_params = [{transform_indices = #map}, {transform_indices = #map}, {transform_indices = #map1}, {transform_indices = #map1}, {transform_indices = #map1}, {transform_indices = #map1}, {transform_indices = #map1}]} {
    %mul3A = arith.constant 20736 : i32
    %mul3A_0 = arith.muli %arg1, %mul3A : i32
    "tpu.region"() ({
      %run_scoped3A = tpu.sem_alloc : memref<!tpu.dma_semaphore, #tpu.memory_space<semaphore_mem>>
      tpu.enqueue_dma source(%arg6 : memref<128x128xf32, #tpu.memory_space<hbm>>) target(%arg12 : memref<128x128xf32, #tpu.memory_space<vmem>>) target_semaphore(%run_scoped3A : memref<!tpu.dma_semaphore, #tpu.memory_space<semaphore_mem>>)
      tpu.wait_dma2 semaphore(%run_scoped3A : memref<!tpu.dma_semaphore, #tpu.memory_space<semaphore_mem>>) src(%arg6 : memref<128x128xf32, #tpu.memory_space<hbm>>) dst(%arg12 : memref<128x128xf32, #tpu.memory_space<vmem>>)
      tpu.yield
    }) : () -> ()
    %mul3A_1 = arith.constant 640 : i32
    %mul3A_2 = arith.muli %arg1, %mul3A_1 : i32
    %add3A = arith.constant 0 : i32
    %add3A_3 = arith.addi %mul3A_2, %add3A : i32
    "tpu.region"() ({
      %run_scoped3A = tpu.sem_alloc : memref<!tpu.dma_semaphore, #tpu.memory_space<semaphore_mem>>
      %dma_start3A = arith.constant 0 : i32
      %dma_start3A_27 = tpu.memref_slice %arg13[%add3A_3, %dma_start3A] : memref<10240x128xf32, #tpu.memory_space<vmem_shared>> -> memref<128x128xf32, #tpu.memory_space<vmem_shared>>
      %dma_start3A_28 = arith.constant 0 : i32
      %dma_start3A_29 = tpu.memref_slice %arg13[%add3A_3, %dma_start3A_28] : memref<10240x128xf32, #tpu.memory_space<vmem_shared>> -> memref<128x128xf32, #tpu.memory_space<vmem_shared>>
      tpu.enqueue_dma source(%arg12 : memref<128x128xf32, #tpu.memory_space<vmem>>) target(%dma_start3A_29 : memref<128x128xf32, #tpu.memory_space<vmem_shared>>) target_semaphore(%run_scoped3A : memref<!tpu.dma_semaphore, #tpu.memory_space<semaphore_mem>>)
      %dma_wait3A = arith.constant 0 : i32
      %dma_wait3A_30 = tpu.memref_slice %arg13[%add3A_3, %dma_wait3A] : memref<10240x128xf32, #tpu.memory_space<vmem_shared>> -> memref<128x128xf32, #tpu.memory_space<vmem_shared>>
      %dma_wait3A_31 = arith.constant 0 : i32
      %dma_wait3A_32 = tpu.memref_slice %arg13[%add3A_3, %dma_wait3A_31] : memref<10240x128xf32, #tpu.memory_space<vmem_shared>> -> memref<128x128xf32, #tpu.memory_space<vmem_shared>>
      tpu.wait_dma2 semaphore(%run_scoped3A : memref<!tpu.dma_semaphore, #tpu.memory_space<semaphore_mem>>) src(%arg12 : memref<128x128xf32, #tpu.memory_space<vmem>>) dst(%dma_wait3A_32 : memref<128x128xf32, #tpu.memory_space<vmem_shared>>)
      tpu.yield
    }) : () -> ()
    %mul3A_4 = arith.constant 640 : i32
    %mul3A_5 = arith.muli %arg1, %mul3A_4 : i32
    %add3A_6 = arith.constant 128 : i32
    %add3A_7 = arith.addi %mul3A_5, %add3A_6 : i32
    "tpu.region"() ({
      %run_scoped3A = tpu.sem_alloc : memref<!tpu.dma_semaphore, #tpu.memory_space<semaphore_mem>>
      %dma_start3A = arith.constant 0 : i32
      %dma_start3A_27 = tpu.memref_slice %arg13[%add3A_7, %dma_start3A] : memref<10240x128xf32, #tpu.memory_space<vmem_shared>> -> memref<128x128xf32, #tpu.memory_space<vmem_shared>>
      %dma_start3A_28 = arith.constant 0 : i32
      %dma_start3A_29 = tpu.memref_slice %arg13[%add3A_7, %dma_start3A_28] : memref<10240x128xf32, #tpu.memory_space<vmem_shared>> -> memref<128x128xf32, #tpu.memory_space<vmem_shared>>
      tpu.enqueue_dma source(%arg12 : memref<128x128xf32, #tpu.memory_space<vmem>>) target(%dma_start3A_29 : memref<128x128xf32, #tpu.memory_space<vmem_shared>>) target_semaphore(%run_scoped3A : memref<!tpu.dma_semaphore, #tpu.memory_space<semaphore_mem>>)
      %dma_wait3A = arith.constant 0 : i32
      %dma_wait3A_30 = tpu.memref_slice %arg13[%add3A_7, %dma_wait3A] : memref<10240x128xf32, #tpu.memory_space<vmem_shared>> -> memref<128x128xf32, #tpu.memory_space<vmem_shared>>
      %dma_wait3A_31 = arith.constant 0 : i32
      %dma_wait3A_32 = tpu.memref_slice %arg13[%add3A_7, %dma_wait3A_31] : memref<10240x128xf32, #tpu.memory_space<vmem_shared>> -> memref<128x128xf32, #tpu.memory_space<vmem_shared>>
      tpu.wait_dma2 semaphore(%run_scoped3A : memref<!tpu.dma_semaphore, #tpu.memory_space<semaphore_mem>>) src(%arg12 : memref<128x128xf32, #tpu.memory_space<vmem>>) dst(%dma_wait3A_32 : memref<128x128xf32, #tpu.memory_space<vmem_shared>>)
      tpu.yield
    }) : () -> ()
    %mul3A_8 = arith.constant 640 : i32
    %mul3A_9 = arith.muli %arg1, %mul3A_8 : i32
    %add3A_10 = arith.constant 256 : i32
    %add3A_11 = arith.addi %mul3A_9, %add3A_10 : i32
    "tpu.region"() ({
      %run_scoped3A = tpu.sem_alloc : memref<!tpu.dma_semaphore, #tpu.memory_space<semaphore_mem>>
      %dma_start3A = arith.constant 0 : i32
      %dma_start3A_27 = tpu.memref_slice %arg13[%add3A_11, %dma_start3A] : memref<10240x128xf32, #tpu.memory_space<vmem_shared>> -> memref<128x128xf32, #tpu.memory_space<vmem_shared>>
      %dma_start3A_28 = arith.constant 0 : i32
      %dma_start3A_29 = tpu.memref_slice %arg13[%add3A_11, %dma_start3A_28] : memref<10240x128xf32, #tpu.memory_space<vmem_shared>> -> memref<128x128xf32, #tpu.memory_space<vmem_shared>>
      tpu.enqueue_dma source(%arg12 : memref<128x128xf32, #tpu.memory_space<vmem>>) target(%dma_start3A_29 : memref<128x128xf32, #tpu.memory_space<vmem_shared>>) target_semaphore(%run_scoped3A : memref<!tpu.dma_semaphore, #tpu.memory_space<semaphore_mem>>)
      %dma_wait3A = arith.constant 0 : i32
      %dma_wait3A_30 = tpu.memref_slice %arg13[%add3A_11, %dma_wait3A] : memref<10240x128xf32, #tpu.memory_space<vmem_shared>> -> memref<128x128xf32, #tpu.memory_space<vmem_shared>>
      %dma_wait3A_31 = arith.constant 0 : i32
      %dma_wait3A_32 = tpu.memref_slice %arg13[%add3A_11, %dma_wait3A_31] : memref<10240x128xf32, #tpu.memory_space<vmem_shared>> -> memref<128x128xf32, #tpu.memory_space<vmem_shared>>
      tpu.wait_dma2 semaphore(%run_scoped3A : memref<!tpu.dma_semaphore, #tpu.memory_space<semaphore_mem>>) src(%arg12 : memref<128x128xf32, #tpu.memory_space<vmem>>) dst(%dma_wait3A_32 : memref<128x128xf32, #tpu.memory_space<vmem_shared>>)
      tpu.yield
    }) : () -> ()
    %mul3A_12 = arith.constant 640 : i32
    %mul3A_13 = arith.muli %arg1, %mul3A_12 : i32
    %add3A_14 = arith.constant 384 : i32
    %add3A_15 = arith.addi %mul3A_13, %add3A_14 : i32
    "tpu.region"() ({
      %run_scoped3A = tpu.sem_alloc : memref<!tpu.dma_semaphore, #tpu.memory_space<semaphore_mem>>
      %dma_start3A = arith.constant 0 : i32
      %dma_start3A_27 = tpu.memref_slice %arg13[%add3A_15, %dma_start3A] : memref<10240x128xf32, #tpu.memory_space<vmem_shared>> -> memref<128x128xf32, #tpu.memory_space<vmem_shared>>
      %dma_start3A_28 = arith.constant 0 : i32
      %dma_start3A_29 = tpu.memref_slice %arg13[%add3A_15, %dma_start3A_28] : memref<10240x128xf32, #tpu.memory_space<vmem_shared>> -> memref<128x128xf32, #tpu.memory_space<vmem_shared>>
      tpu.enqueue_dma source(%arg12 : memref<128x128xf32, #tpu.memory_space<vmem>>) target(%dma_start3A_29 : memref<128x128xf32, #tpu.memory_space<vmem_shared>>) target_semaphore(%run_scoped3A : memref<!tpu.dma_semaphore, #tpu.memory_space<semaphore_mem>>)
      %dma_wait3A = arith.constant 0 : i32
      %dma_wait3A_30 = tpu.memref_slice %arg13[%add3A_15, %dma_wait3A] : memref<10240x128xf32, #tpu.memory_space<vmem_shared>> -> memref<128x128xf32, #tpu.memory_space<vmem_shared>>
      %dma_wait3A_31 = arith.constant 0 : i32
      %dma_wait3A_32 = tpu.memref_slice %arg13[%add3A_15, %dma_wait3A_31] : memref<10240x128xf32, #tpu.memory_space<vmem_shared>> -> memref<128x128xf32, #tpu.memory_space<vmem_shared>>
      tpu.wait_dma2 semaphore(%run_scoped3A : memref<!tpu.dma_semaphore, #tpu.memory_space<semaphore_mem>>) src(%arg12 : memref<128x128xf32, #tpu.memory_space<vmem>>) dst(%dma_wait3A_32 : memref<128x128xf32, #tpu.memory_space<vmem_shared>>)
      tpu.yield
    }) : () -> ()
    %mul3A_16 = arith.constant 640 : i32
    %mul3A_17 = arith.muli %arg1, %mul3A_16 : i32
    %add3A_18 = arith.constant 512 : i32
    %add3A_19 = arith.addi %mul3A_17, %add3A_18 : i32
    "tpu.region"() ({
      %run_scoped3A = tpu.sem_alloc : memref<!tpu.dma_semaphore, #tpu.memory_space<semaphore_mem>>
      %dma_start3A = arith.constant 0 : i32
      %dma_start3A_27 = tpu.memref_slice %arg13[%add3A_19, %dma_start3A] : memref<10240x128xf32, #tpu.memory_space<vmem_shared>> -> memref<128x128xf32, #tpu.memory_space<vmem_shared>>
      %dma_start3A_28 = arith.constant 0 : i32
      %dma_start3A_29 = tpu.memref_slice %arg13[%add3A_19, %dma_start3A_28] : memref<10240x128xf32, #tpu.memory_space<vmem_shared>> -> memref<128x128xf32, #tpu.memory_space<vmem_shared>>
      tpu.enqueue_dma source(%arg12 : memref<128x128xf32, #tpu.memory_space<vmem>>) target(%dma_start3A_29 : memref<128x128xf32, #tpu.memory_space<vmem_shared>>) target_semaphore(%run_scoped3A : memref<!tpu.dma_semaphore, #tpu.memory_space<semaphore_mem>>)
      %dma_wait3A = arith.constant 0 : i32
      %dma_wait3A_30 = tpu.memref_slice %arg13[%add3A_19, %dma_wait3A] : memref<10240x128xf32, #tpu.memory_space<vmem_shared>> -> memref<128x128xf32, #tpu.memory_space<vmem_shared>>
      %dma_wait3A_31 = arith.constant 0 : i32
      %dma_wait3A_32 = tpu.memref_slice %arg13[%add3A_19, %dma_wait3A_31] : memref<10240x128xf32, #tpu.memory_space<vmem_shared>> -> memref<128x128xf32, #tpu.memory_space<vmem_shared>>
      tpu.wait_dma2 semaphore(%run_scoped3A : memref<!tpu.dma_semaphore, #tpu.memory_space<semaphore_mem>>) src(%arg12 : memref<128x128xf32, #tpu.memory_space<vmem>>) dst(%dma_wait3A_32 : memref<128x128xf32, #tpu.memory_space<vmem_shared>>)
      tpu.yield
    }) : () -> ()
    %barrier3A = arith.constant 0 : index
    tpu.barrier barrier_id(%barrier3A)
    %eq3A = arith.constant 0 : i32
    %eq3A_20 = arith.cmpi eq, %arg0, %eq3A : i32
    %convert_element_type3A = arith.extui %eq3A_20 : i1 to i32
    %cond3A = arith.constant 0 : i32
    %cond3A_21 = arith.cmpi ne, %convert_element_type3A, %cond3A : i32
    scf.if %cond3A_21 {
      %scan3A = arith.constant 0 : i32
      %scan3A_27 = arith.constant 0 : i32
      %scan3A_28 = arith.constant 162 : i32
      %scan3A_29 = arith.addi %scan3A_27, %scan3A_28 : i32
      %scan3A_30 = arith.constant 1 : i32
      scf.for %scan3A_42 = %scan3A_27 to %scan3A_29 step %scan3A_30  : i32 {
        %mul3A_43 = arith.constant 128 : i32
        %mul3A_44 = arith.muli %scan3A_42, %mul3A_43 : i32
        %add3A_45 = arith.addi %mul3A_0, %mul3A_44 : i32
        "tpu.region"() ({
          %run_scoped3A = tpu.sem_alloc : memref<!tpu.dma_semaphore, #tpu.memory_space<semaphore_mem>>
          %dma_start3A_53 = tpu.memref_slice %arg2[%add3A_45] : memref<331776xi32, #tpu.memory_space<hbm>> -> memref<128xi32, #tpu.memory_space<hbm>>
          %dma_start3A_54 = tpu.memref_slice %arg2[%add3A_45] : memref<331776xi32, #tpu.memory_space<hbm>> -> memref<128xi32, #tpu.memory_space<hbm>>
          tpu.enqueue_dma source(%dma_start3A_54 : memref<128xi32, #tpu.memory_space<hbm>>) target(%arg9 : memref<128xi32, #tpu.memory_space<vmem>>) target_semaphore(%run_scoped3A : memref<!tpu.dma_semaphore, #tpu.memory_space<semaphore_mem>>)
          %dma_wait3A_55 = tpu.memref_slice %arg2[%add3A_45] : memref<331776xi32, #tpu.memory_space<hbm>> -> memref<128xi32, #tpu.memory_space<hbm>>
          %dma_wait3A_56 = tpu.memref_slice %arg2[%add3A_45] : memref<331776xi32, #tpu.memory_space<hbm>> -> memref<128xi32, #tpu.memory_space<hbm>>
          tpu.wait_dma2 semaphore(%run_scoped3A : memref<!tpu.dma_semaphore, #tpu.memory_space<semaphore_mem>>) src(%dma_wait3A_56 : memref<128xi32, #tpu.memory_space<hbm>>) dst(%arg9 : memref<128xi32, #tpu.memory_space<vmem>>)
          tpu.yield
        }) : () -> ()
        %mul3A_46 = arith.constant 128 : i32
        %mul3A_47 = arith.muli %scan3A_42, %mul3A_46 : i32
        %add3A_48 = arith.addi %mul3A_0, %mul3A_47 : i32
        "tpu.region"() ({
          %run_scoped3A = tpu.sem_alloc : memref<!tpu.dma_semaphore, #tpu.memory_space<semaphore_mem>>
          %dma_start3A_53 = tpu.memref_slice %arg3[%add3A_48] : memref<331776xi32, #tpu.memory_space<hbm>> -> memref<128xi32, #tpu.memory_space<hbm>>
          %dma_start3A_54 = tpu.memref_slice %arg3[%add3A_48] : memref<331776xi32, #tpu.memory_space<hbm>> -> memref<128xi32, #tpu.memory_space<hbm>>
          tpu.enqueue_dma source(%dma_start3A_54 : memref<128xi32, #tpu.memory_space<hbm>>) target(%arg10 : memref<128xi32, #tpu.memory_space<vmem>>) target_semaphore(%run_scoped3A : memref<!tpu.dma_semaphore, #tpu.memory_space<semaphore_mem>>)
          %dma_wait3A_55 = tpu.memref_slice %arg3[%add3A_48] : memref<331776xi32, #tpu.memory_space<hbm>> -> memref<128xi32, #tpu.memory_space<hbm>>
          %dma_wait3A_56 = tpu.memref_slice %arg3[%add3A_48] : memref<331776xi32, #tpu.memory_space<hbm>> -> memref<128xi32, #tpu.memory_space<hbm>>
          tpu.wait_dma2 semaphore(%run_scoped3A : memref<!tpu.dma_semaphore, #tpu.memory_space<semaphore_mem>>) src(%dma_wait3A_56 : memref<128xi32, #tpu.memory_space<hbm>>) dst(%arg10 : memref<128xi32, #tpu.memory_space<vmem>>)
          tpu.yield
        }) : () -> ()
        %dma_start3A = arith.constant 0 : i32
        %dma_start3A_49 = arith.constant 0 : i32
        %dma_start3A_50 = tpu.memref_slice %arg4[%dma_start3A, %dma_start3A_49] : memref<10000x128xf32, #tpu.memory_space<hbm>> -> memref<10000x128xf32, #tpu.memory_space<hbm>>
        tpu.enqueue_indirect_dma source(%dma_start3A_50 : memref<10000x128xf32, #tpu.memory_space<hbm>>) target(%arg11 : memref<128x128xf32, #tpu.memory_space<vmem>>) offsets(%arg9 : memref<128xi32, #tpu.memory_space<vmem>>) semaphore(%arg14 : memref<!tpu.dma_semaphore, #tpu.memory_space<semaphore_mem>>)
        %dma_wait3A = arith.constant 0 : i32
        %dma_wait3A_51 = arith.constant 0 : i32
        %dma_wait3A_52 = tpu.memref_slice %arg4[%dma_wait3A, %dma_wait3A_51] : memref<10000x128xf32, #tpu.memory_space<hbm>> -> memref<10000x128xf32, #tpu.memory_space<hbm>>
        tpu.wait_indirect_dma semaphore(%arg14 : memref<!tpu.dma_semaphore, #tpu.memory_space<semaphore_mem>>) src(%dma_wait3A_52 : memref<10000x128xf32, #tpu.memory_space<hbm>>) dst(%arg11 : memref<128x128xf32, #tpu.memory_space<vmem>>)
        "tpu.region"() ({
          %run_scoped3A = tpu.sem_alloc : memref<!tpu.dma_semaphore, #tpu.memory_space<semaphore_mem>>
          %dma_start3A_53 = arith.constant 0 : i32
          %dma_start3A_54 = arith.constant 0 : i32
          %dma_start3A_55 = tpu.memref_slice %arg13[%dma_start3A_53, %dma_start3A_54] : memref<10240x128xf32, #tpu.memory_space<vmem_shared>> -> memref<10240x128xf32, #tpu.memory_space<vmem_shared>>
          tpu.enqueue_indirect_dma source(%arg11 : memref<128x128xf32, #tpu.memory_space<vmem>>) target(%dma_start3A_55 : memref<10240x128xf32, #tpu.memory_space<vmem_shared>>) offsets(%arg10 : memref<128xi32, #tpu.memory_space<vmem>>) semaphore(%run_scoped3A : memref<!tpu.dma_semaphore, #tpu.memory_space<semaphore_mem>>) {add = true}
          %dma_wait3A_56 = arith.constant 0 : i32
          %dma_wait3A_57 = arith.constant 0 : i32
          %dma_wait3A_58 = tpu.memref_slice %arg13[%dma_wait3A_56, %dma_wait3A_57] : memref<10240x128xf32, #tpu.memory_space<vmem_shared>> -> memref<10240x128xf32, #tpu.memory_space<vmem_shared>>
          tpu.wait_indirect_dma semaphore(%run_scoped3A : memref<!tpu.dma_semaphore, #tpu.memory_space<semaphore_mem>>) src(%arg11 : memref<128x128xf32, #tpu.memory_space<vmem>>) dst(%dma_wait3A_58 : memref<10240x128xf32, #tpu.memory_space<vmem_shared>>)
          tpu.yield
        }) : () -> ()
      }
      %scan3A_31 = arith.constant 162 : i32
      %barrier3A_32 = arith.constant 0 : index
      tpu.barrier barrier_id(%barrier3A_32)
      %mul3A_33 = arith.constant 624 : i32
      %mul3A_34 = arith.muli %arg1, %mul3A_33 : i32
      %mul3A_35 = arith.constant 624 : i32
      %mul3A_36 = arith.muli %arg1, %mul3A_35 : i32
      "tpu.region"() ({
        %run_scoped3A = tpu.sem_alloc : memref<!tpu.dma_semaphore, #tpu.memory_space<semaphore_mem>>
        %dma_start3A = arith.constant 0 : i32
        %dma_start3A_42 = tpu.memref_slice %arg7[%mul3A_36, %dma_start3A] : memref<10000x128xf32, #tpu.memory_space<hbm>> -> memref<624x128xf32, #tpu.memory_space<hbm>>
        %dma_start3A_43 = arith.constant 0 : i32
        %dma_start3A_44 = tpu.memref_slice %arg13[%mul3A_34, %dma_start3A_43] : memref<10240x128xf32, #tpu.memory_space<vmem_shared>> -> memref<624x128xf32, #tpu.memory_space<vmem_shared>>
        tpu.enqueue_dma source(%dma_start3A_44 : memref<624x128xf32, #tpu.memory_space<vmem_shared>>) target(%dma_start3A_42 : memref<624x128xf32, #tpu.memory_space<hbm>>) target_semaphore(%run_scoped3A : memref<!tpu.dma_semaphore, #tpu.memory_space<semaphore_mem>>)
        %dma_wait3A = arith.constant 0 : i32
        %dma_wait3A_45 = tpu.memref_slice %arg7[%mul3A_36, %dma_wait3A] : memref<10000x128xf32, #tpu.memory_space<hbm>> -> memref<624x128xf32, #tpu.memory_space<hbm>>
        %dma_wait3A_46 = arith.constant 0 : i32
        %dma_wait3A_47 = tpu.memref_slice %arg13[%mul3A_34, %dma_wait3A_46] : memref<10240x128xf32, #tpu.memory_space<vmem_shared>> -> memref<624x128xf32, #tpu.memory_space<vmem_shared>>
        tpu.wait_dma2 semaphore(%run_scoped3A : memref<!tpu.dma_semaphore, #tpu.memory_space<semaphore_mem>>) src(%dma_wait3A_47 : memref<624x128xf32, #tpu.memory_space<vmem_shared>>) dst(%dma_wait3A_45 : memref<624x128xf32, #tpu.memory_space<hbm>>)
        tpu.yield
      }) : () -> ()
      %eq3A_37 = arith.constant 0 : i32
      %eq3A_38 = arith.cmpi eq, %arg1, %eq3A_37 : i32
      %convert_element_type3A_39 = arith.extui %eq3A_38 : i1 to i32
      %cond3A_40 = arith.constant 0 : i32
      %cond3A_41 = arith.cmpi ne, %convert_element_type3A_39, %cond3A_40 : i32
      scf.if %cond3A_41 {
        "tpu.region"() ({
          %run_scoped3A = tpu.sem_alloc : memref<!tpu.dma_semaphore, #tpu.memory_space<semaphore_mem>>
          %dma_start3A = arith.constant 9984 : i32
          %dma_start3A_42 = arith.constant 0 : i32
          %dma_start3A_43 = tpu.memref_slice %arg7[%dma_start3A, %dma_start3A_42] : memref<10000x128xf32, #tpu.memory_space<hbm>> -> memref<16x128xf32, #tpu.memory_space<hbm>>
          %dma_start3A_44 = arith.constant 9984 : i32
          %dma_start3A_45 = arith.constant 0 : i32
          %dma_start3A_46 = tpu.memref_slice %arg13[%dma_start3A_44, %dma_start3A_45] : memref<10240x128xf32, #tpu.memory_space<vmem_shared>> -> memref<16x128xf32, #tpu.memory_space<vmem_shared>>
          tpu.enqueue_dma source(%dma_start3A_46 : memref<16x128xf32, #tpu.memory_space<vmem_shared>>) target(%dma_start3A_43 : memref<16x128xf32, #tpu.memory_space<hbm>>) target_semaphore(%run_scoped3A : memref<!tpu.dma_semaphore, #tpu.memory_space<semaphore_mem>>)
          %dma_wait3A = arith.constant 9984 : i32
          %dma_wait3A_47 = arith.constant 0 : i32
          %dma_wait3A_48 = tpu.memref_slice %arg7[%dma_wait3A, %dma_wait3A_47] : memref<10000x128xf32, #tpu.memory_space<hbm>> -> memref<16x128xf32, #tpu.memory_space<hbm>>
          %dma_wait3A_49 = arith.constant 9984 : i32
          %dma_wait3A_50 = arith.constant 0 : i32
          %dma_wait3A_51 = tpu.memref_slice %arg13[%dma_wait3A_49, %dma_wait3A_50] : memref<10240x128xf32, #tpu.memory_space<vmem_shared>> -> memref<16x128xf32, #tpu.memory_space<vmem_shared>>
          tpu.wait_dma2 semaphore(%run_scoped3A : memref<!tpu.dma_semaphore, #tpu.memory_space<semaphore_mem>>) src(%dma_wait3A_51 : memref<16x128xf32, #tpu.memory_space<vmem_shared>>) dst(%dma_wait3A_48 : memref<16x128xf32, #tpu.memory_space<hbm>>)
          tpu.yield
        }) : () -> ()
      } else {
      }
    } else {
    }
    %eq3A_22 = arith.constant 1 : i32
    %eq3A_23 = arith.cmpi eq, %arg0, %eq3A_22 : i32
    %convert_element_type3A_24 = arith.extui %eq3A_23 : i1 to i32
    %cond3A_25 = arith.constant 0 : i32
    %cond3A_26 = arith.cmpi ne, %convert_element_type3A_24, %cond3A_25 : i32
    scf.if %cond3A_26 {
      %scan3A = arith.constant 0 : i32
      %scan3A_27 = arith.constant 0 : i32
      %scan3A_28 = arith.constant 162 : i32
      %scan3A_29 = arith.addi %scan3A_27, %scan3A_28 : i32
      %scan3A_30 = arith.constant 1 : i32
      scf.for %scan3A_42 = %scan3A_27 to %scan3A_29 step %scan3A_30  : i32 {
        %mul3A_43 = arith.constant 128 : i32
        %mul3A_44 = arith.muli %scan3A_42, %mul3A_43 : i32
        %add3A_45 = arith.addi %mul3A_0, %mul3A_44 : i32
        "tpu.region"() ({
          %run_scoped3A = tpu.sem_alloc : memref<!tpu.dma_semaphore, #tpu.memory_space<semaphore_mem>>
          %dma_start3A_53 = tpu.memref_slice %arg2[%add3A_45] : memref<331776xi32, #tpu.memory_space<hbm>> -> memref<128xi32, #tpu.memory_space<hbm>>
          %dma_start3A_54 = tpu.memref_slice %arg2[%add3A_45] : memref<331776xi32, #tpu.memory_space<hbm>> -> memref<128xi32, #tpu.memory_space<hbm>>
          tpu.enqueue_dma source(%dma_start3A_54 : memref<128xi32, #tpu.memory_space<hbm>>) target(%arg9 : memref<128xi32, #tpu.memory_space<vmem>>) target_semaphore(%run_scoped3A : memref<!tpu.dma_semaphore, #tpu.memory_space<semaphore_mem>>)
          %dma_wait3A_55 = tpu.memref_slice %arg2[%add3A_45] : memref<331776xi32, #tpu.memory_space<hbm>> -> memref<128xi32, #tpu.memory_space<hbm>>
          %dma_wait3A_56 = tpu.memref_slice %arg2[%add3A_45] : memref<331776xi32, #tpu.memory_space<hbm>> -> memref<128xi32, #tpu.memory_space<hbm>>
          tpu.wait_dma2 semaphore(%run_scoped3A : memref<!tpu.dma_semaphore, #tpu.memory_space<semaphore_mem>>) src(%dma_wait3A_56 : memref<128xi32, #tpu.memory_space<hbm>>) dst(%arg9 : memref<128xi32, #tpu.memory_space<vmem>>)
          tpu.yield
        }) : () -> ()
        %mul3A_46 = arith.constant 128 : i32
        %mul3A_47 = arith.muli %scan3A_42, %mul3A_46 : i32
        %add3A_48 = arith.addi %mul3A_0, %mul3A_47 : i32
        "tpu.region"() ({
          %run_scoped3A = tpu.sem_alloc : memref<!tpu.dma_semaphore, #tpu.memory_space<semaphore_mem>>
          %dma_start3A_53 = tpu.memref_slice %arg3[%add3A_48] : memref<331776xi32, #tpu.memory_space<hbm>> -> memref<128xi32, #tpu.memory_space<hbm>>
          %dma_start3A_54 = tpu.memref_slice %arg3[%add3A_48] : memref<331776xi32, #tpu.memory_space<hbm>> -> memref<128xi32, #tpu.memory_space<hbm>>
          tpu.enqueue_dma source(%dma_start3A_54 : memref<128xi32, #tpu.memory_space<hbm>>) target(%arg10 : memref<128xi32, #tpu.memory_space<vmem>>) target_semaphore(%run_scoped3A : memref<!tpu.dma_semaphore, #tpu.memory_space<semaphore_mem>>)
          %dma_wait3A_55 = tpu.memref_slice %arg3[%add3A_48] : memref<331776xi32, #tpu.memory_space<hbm>> -> memref<128xi32, #tpu.memory_space<hbm>>
          %dma_wait3A_56 = tpu.memref_slice %arg3[%add3A_48] : memref<331776xi32, #tpu.memory_space<hbm>> -> memref<128xi32, #tpu.memory_space<hbm>>
          tpu.wait_dma2 semaphore(%run_scoped3A : memref<!tpu.dma_semaphore, #tpu.memory_space<semaphore_mem>>) src(%dma_wait3A_56 : memref<128xi32, #tpu.memory_space<hbm>>) dst(%arg10 : memref<128xi32, #tpu.memory_space<vmem>>)
          tpu.yield
        }) : () -> ()
        %dma_start3A = arith.constant 0 : i32
        %dma_start3A_49 = arith.constant 0 : i32
        %dma_start3A_50 = tpu.memref_slice %arg5[%dma_start3A, %dma_start3A_49] : memref<10000x128xf32, #tpu.memory_space<hbm>> -> memref<10000x128xf32, #tpu.memory_space<hbm>>
        tpu.enqueue_indirect_dma source(%dma_start3A_50 : memref<10000x128xf32, #tpu.memory_space<hbm>>) target(%arg11 : memref<128x128xf32, #tpu.memory_space<vmem>>) offsets(%arg9 : memref<128xi32, #tpu.memory_space<vmem>>) semaphore(%arg14 : memref<!tpu.dma_semaphore, #tpu.memory_space<semaphore_mem>>)
        %dma_wait3A = arith.constant 0 : i32
        %dma_wait3A_51 = arith.constant 0 : i32
        %dma_wait3A_52 = tpu.memref_slice %arg5[%dma_wait3A, %dma_wait3A_51] : memref<10000x128xf32, #tpu.memory_space<hbm>> -> memref<10000x128xf32, #tpu.memory_space<hbm>>
        tpu.wait_indirect_dma semaphore(%arg14 : memref<!tpu.dma_semaphore, #tpu.memory_space<semaphore_mem>>) src(%dma_wait3A_52 : memref<10000x128xf32, #tpu.memory_space<hbm>>) dst(%arg11 : memref<128x128xf32, #tpu.memory_space<vmem>>)
        "tpu.region"() ({
          %run_scoped3A = tpu.sem_alloc : memref<!tpu.dma_semaphore, #tpu.memory_space<semaphore_mem>>
          %dma_start3A_53 = arith.constant 0 : i32
          %dma_start3A_54 = arith.constant 0 : i32
          %dma_start3A_55 = tpu.memref_slice %arg13[%dma_start3A_53, %dma_start3A_54] : memref<10240x128xf32, #tpu.memory_space<vmem_shared>> -> memref<10240x128xf32, #tpu.memory_space<vmem_shared>>
          tpu.enqueue_indirect_dma source(%arg11 : memref<128x128xf32, #tpu.memory_space<vmem>>) target(%dma_start3A_55 : memref<10240x128xf32, #tpu.memory_space<vmem_shared>>) offsets(%arg10 : memref<128xi32, #tpu.memory_space<vmem>>) semaphore(%run_scoped3A : memref<!tpu.dma_semaphore, #tpu.memory_space<semaphore_mem>>) {add = true}
          %dma_wait3A_56 = arith.constant 0 : i32
          %dma_wait3A_57 = arith.constant 0 : i32
          %dma_wait3A_58 = tpu.memref_slice %arg13[%dma_wait3A_56, %dma_wait3A_57] : memref<10240x128xf32, #tpu.memory_space<vmem_shared>> -> memref<10240x128xf32, #tpu.memory_space<vmem_shared>>
          tpu.wait_indirect_dma semaphore(%run_scoped3A : memref<!tpu.dma_semaphore, #tpu.memory_space<semaphore_mem>>) src(%arg11 : memref<128x128xf32, #tpu.memory_space<vmem>>) dst(%dma_wait3A_58 : memref<10240x128xf32, #tpu.memory_space<vmem_shared>>)
          tpu.yield
        }) : () -> ()
      }
      %scan3A_31 = arith.constant 162 : i32
      %barrier3A_32 = arith.constant 0 : index
      tpu.barrier barrier_id(%barrier3A_32)
      %mul3A_33 = arith.constant 624 : i32
      %mul3A_34 = arith.muli %arg1, %mul3A_33 : i32
      %mul3A_35 = arith.constant 624 : i32
      %mul3A_36 = arith.muli %arg1, %mul3A_35 : i32
      "tpu.region"() ({
        %run_scoped3A = tpu.sem_alloc : memref<!tpu.dma_semaphore, #tpu.memory_space<semaphore_mem>>
        %dma_start3A = arith.constant 0 : i32
        %dma_start3A_42 = tpu.memref_slice %arg8[%mul3A_36, %dma_start3A] : memref<10000x128xf32, #tpu.memory_space<hbm>> -> memref<624x128xf32, #tpu.memory_space<hbm>>
        %dma_start3A_43 = arith.constant 0 : i32
        %dma_start3A_44 = tpu.memref_slice %arg13[%mul3A_34, %dma_start3A_43] : memref<10240x128xf32, #tpu.memory_space<vmem_shared>> -> memref<624x128xf32, #tpu.memory_space<vmem_shared>>
        tpu.enqueue_dma source(%dma_start3A_44 : memref<624x128xf32, #tpu.memory_space<vmem_shared>>) target(%dma_start3A_42 : memref<624x128xf32, #tpu.memory_space<hbm>>) target_semaphore(%run_scoped3A : memref<!tpu.dma_semaphore, #tpu.memory_space<semaphore_mem>>)
        %dma_wait3A = arith.constant 0 : i32
        %dma_wait3A_45 = tpu.memref_slice %arg8[%mul3A_36, %dma_wait3A] : memref<10000x128xf32, #tpu.memory_space<hbm>> -> memref<624x128xf32, #tpu.memory_space<hbm>>
        %dma_wait3A_46 = arith.constant 0 : i32
        %dma_wait3A_47 = tpu.memref_slice %arg13[%mul3A_34, %dma_wait3A_46] : memref<10240x128xf32, #tpu.memory_space<vmem_shared>> -> memref<624x128xf32, #tpu.memory_space<vmem_shared>>
        tpu.wait_dma2 semaphore(%run_scoped3A : memref<!tpu.dma_semaphore, #tpu.memory_space<semaphore_mem>>) src(%dma_wait3A_47 : memref<624x128xf32, #tpu.memory_space<vmem_shared>>) dst(%dma_wait3A_45 : memref<624x128xf32, #tpu.memory_space<hbm>>)
        tpu.yield
      }) : () -> ()
      %eq3A_37 = arith.constant 0 : i32
      %eq3A_38 = arith.cmpi eq, %arg1, %eq3A_37 : i32
      %convert_element_type3A_39 = arith.extui %eq3A_38 : i1 to i32
      %cond3A_40 = arith.constant 0 : i32
      %cond3A_41 = arith.cmpi ne, %convert_element_type3A_39, %cond3A_40 : i32
      scf.if %cond3A_41 {
        "tpu.region"() ({
          %run_scoped3A = tpu.sem_alloc : memref<!tpu.dma_semaphore, #tpu.memory_space<semaphore_mem>>
          %dma_start3A = arith.constant 9984 : i32
          %dma_start3A_42 = arith.constant 0 : i32
          %dma_start3A_43 = tpu.memref_slice %arg8[%dma_start3A, %dma_start3A_42] : memref<10000x128xf32, #tpu.memory_space<hbm>> -> memref<16x128xf32, #tpu.memory_space<hbm>>
          %dma_start3A_44 = arith.constant 9984 : i32
          %dma_start3A_45 = arith.constant 0 : i32
          %dma_start3A_46 = tpu.memref_slice %arg13[%dma_start3A_44, %dma_start3A_45] : memref<10240x128xf32, #tpu.memory_space<vmem_shared>> -> memref<16x128xf32, #tpu.memory_space<vmem_shared>>
          tpu.enqueue_dma source(%dma_start3A_46 : memref<16x128xf32, #tpu.memory_space<vmem_shared>>) target(%dma_start3A_43 : memref<16x128xf32, #tpu.memory_space<hbm>>) target_semaphore(%run_scoped3A : memref<!tpu.dma_semaphore, #tpu.memory_space<semaphore_mem>>)
          %dma_wait3A = arith.constant 9984 : i32
          %dma_wait3A_47 = arith.constant 0 : i32
          %dma_wait3A_48 = tpu.memref_slice %arg8[%dma_wait3A, %dma_wait3A_47] : memref<10000x128xf32, #tpu.memory_space<hbm>> -> memref<16x128xf32, #tpu.memory_space<hbm>>
          %dma_wait3A_49 = arith.constant 9984 : i32
          %dma_wait3A_50 = arith.constant 0 : i32
          %dma_wait3A_51 = tpu.memref_slice %arg13[%dma_wait3A_49, %dma_wait3A_50] : memref<10240x128xf32, #tpu.memory_space<vmem_shared>> -> memref<16x128xf32, #tpu.memory_space<vmem_shared>>
          tpu.wait_dma2 semaphore(%run_scoped3A : memref<!tpu.dma_semaphore, #tpu.memory_space<semaphore_mem>>) src(%dma_wait3A_51 : memref<16x128xf32, #tpu.memory_space<vmem_shared>>) dst(%dma_wait3A_48 : memref<16x128xf32, #tpu.memory_space<hbm>>)
          tpu.yield
        }) : () -> ()
      } else {
      }
    } else {
    }
    return
  }
}

#map = affine_map<(d0, d1) -> (0)>
#map1 = affine_map<(d0, d1) -> (0, 0)>
module attributes {stable_mosaic.version = 14 : i64} {
  func.func @_sc_aggregate(%arg0: i32, %arg1: i32, %arg2: memref<331776xi32, #tpu.memory_space<hbm>>, %arg3: memref<331776xi32, #tpu.memory_space<hbm>>, %arg4: memref<10000x128xf32, #tpu.memory_space<hbm>>, %arg5: memref<10000x128xf32, #tpu.memory_space<hbm>>, %arg6: memref<128x128xf32, #tpu.memory_space<hbm>>, %arg7: memref<10000x128xf32, #tpu.memory_space<hbm>>, %arg8: memref<10000x128xf32, #tpu.memory_space<hbm>>, %arg9: memref<128xi32, #tpu.memory_space<vmem>>, %arg10: memref<128xi32, #tpu.memory_space<vmem>>, %arg11: memref<128x128xf32, #tpu.memory_space<vmem>>, %arg12: memref<128x128xf32, #tpu.memory_space<vmem>>, %arg13: memref<10240x128xf32, #tpu.memory_space<vmem_shared>>, %arg14: memref<!tpu.dma_semaphore, #tpu.memory_space<semaphore_mem>>) attributes {dimension_semantics = [#tpu.dimension_semantics<core_parallel>, #tpu.dimension_semantics<subcore_parallel>], iteration_bounds = array<i64: 2, 16>, scalar_prefetch = 0 : i64, scratch_operands = 6 : i64, tpu.core_type = #tpu.core_type<sc_vector_subcore>, window_params = [{transform_indices = #map}, {transform_indices = #map}, {transform_indices = #map1}, {transform_indices = #map1}, {transform_indices = #map1}, {transform_indices = #map1}, {transform_indices = #map1}]} {
    %mul3A = arith.constant 20736 : i32
    %mul3A_0 = arith.muli %arg1, %mul3A : i32
    "tpu.region"() ({
      %run_scoped3A = tpu.sem_alloc : memref<!tpu.dma_semaphore, #tpu.memory_space<semaphore_mem>>
      tpu.enqueue_dma source(%arg6 : memref<128x128xf32, #tpu.memory_space<hbm>>) target(%arg12 : memref<128x128xf32, #tpu.memory_space<vmem>>) target_semaphore(%run_scoped3A : memref<!tpu.dma_semaphore, #tpu.memory_space<semaphore_mem>>)
      tpu.wait_dma2 semaphore(%run_scoped3A : memref<!tpu.dma_semaphore, #tpu.memory_space<semaphore_mem>>) src(%arg6 : memref<128x128xf32, #tpu.memory_space<hbm>>) dst(%arg12 : memref<128x128xf32, #tpu.memory_space<vmem>>)
      tpu.yield
    }) : () -> ()
    %mul3A_1 = arith.constant 640 : i32
    %mul3A_2 = arith.muli %arg1, %mul3A_1 : i32
    %add3A = arith.constant 0 : i32
    %add3A_3 = arith.addi %mul3A_2, %add3A : i32
    "tpu.region"() ({
      %run_scoped3A = tpu.sem_alloc : memref<!tpu.dma_semaphore, #tpu.memory_space<semaphore_mem>>
      %dma_start3A = arith.constant 0 : i32
      %dma_start3A_27 = tpu.memref_slice %arg13[%add3A_3, %dma_start3A] : memref<10240x128xf32, #tpu.memory_space<vmem_shared>> -> memref<128x128xf32, #tpu.memory_space<vmem_shared>>
      %dma_start3A_28 = arith.constant 0 : i32
      %dma_start3A_29 = tpu.memref_slice %arg13[%add3A_3, %dma_start3A_28] : memref<10240x128xf32, #tpu.memory_space<vmem_shared>> -> memref<128x128xf32, #tpu.memory_space<vmem_shared>>
      tpu.enqueue_dma source(%arg12 : memref<128x128xf32, #tpu.memory_space<vmem>>) target(%dma_start3A_29 : memref<128x128xf32, #tpu.memory_space<vmem_shared>>) target_semaphore(%run_scoped3A : memref<!tpu.dma_semaphore, #tpu.memory_space<semaphore_mem>>)
      %dma_wait3A = arith.constant 0 : i32
      %dma_wait3A_30 = tpu.memref_slice %arg13[%add3A_3, %dma_wait3A] : memref<10240x128xf32, #tpu.memory_space<vmem_shared>> -> memref<128x128xf32, #tpu.memory_space<vmem_shared>>
      %dma_wait3A_31 = arith.constant 0 : i32
      %dma_wait3A_32 = tpu.memref_slice %arg13[%add3A_3, %dma_wait3A_31] : memref<10240x128xf32, #tpu.memory_space<vmem_shared>> -> memref<128x128xf32, #tpu.memory_space<vmem_shared>>
      tpu.wait_dma2 semaphore(%run_scoped3A : memref<!tpu.dma_semaphore, #tpu.memory_space<semaphore_mem>>) src(%arg12 : memref<128x128xf32, #tpu.memory_space<vmem>>) dst(%dma_wait3A_32 : memref<128x128xf32, #tpu.memory_space<vmem_shared>>)
      tpu.yield
    }) : () -> ()
    %mul3A_4 = arith.constant 640 : i32
    %mul3A_5 = arith.muli %arg1, %mul3A_4 : i32
    %add3A_6 = arith.constant 128 : i32
    %add3A_7 = arith.addi %mul3A_5, %add3A_6 : i32
    "tpu.region"() ({
      %run_scoped3A = tpu.sem_alloc : memref<!tpu.dma_semaphore, #tpu.memory_space<semaphore_mem>>
      %dma_start3A = arith.constant 0 : i32
      %dma_start3A_27 = tpu.memref_slice %arg13[%add3A_7, %dma_start3A] : memref<10240x128xf32, #tpu.memory_space<vmem_shared>> -> memref<128x128xf32, #tpu.memory_space<vmem_shared>>
      %dma_start3A_28 = arith.constant 0 : i32
      %dma_start3A_29 = tpu.memref_slice %arg13[%add3A_7, %dma_start3A_28] : memref<10240x128xf32, #tpu.memory_space<vmem_shared>> -> memref<128x128xf32, #tpu.memory_space<vmem_shared>>
      tpu.enqueue_dma source(%arg12 : memref<128x128xf32, #tpu.memory_space<vmem>>) target(%dma_start3A_29 : memref<128x128xf32, #tpu.memory_space<vmem_shared>>) target_semaphore(%run_scoped3A : memref<!tpu.dma_semaphore, #tpu.memory_space<semaphore_mem>>)
      %dma_wait3A = arith.constant 0 : i32
      %dma_wait3A_30 = tpu.memref_slice %arg13[%add3A_7, %dma_wait3A] : memref<10240x128xf32, #tpu.memory_space<vmem_shared>> -> memref<128x128xf32, #tpu.memory_space<vmem_shared>>
      %dma_wait3A_31 = arith.constant 0 : i32
      %dma_wait3A_32 = tpu.memref_slice %arg13[%add3A_7, %dma_wait3A_31] : memref<10240x128xf32, #tpu.memory_space<vmem_shared>> -> memref<128x128xf32, #tpu.memory_space<vmem_shared>>
      tpu.wait_dma2 semaphore(%run_scoped3A : memref<!tpu.dma_semaphore, #tpu.memory_space<semaphore_mem>>) src(%arg12 : memref<128x128xf32, #tpu.memory_space<vmem>>) dst(%dma_wait3A_32 : memref<128x128xf32, #tpu.memory_space<vmem_shared>>)
      tpu.yield
    }) : () -> ()
    %mul3A_8 = arith.constant 640 : i32
    %mul3A_9 = arith.muli %arg1, %mul3A_8 : i32
    %add3A_10 = arith.constant 256 : i32
    %add3A_11 = arith.addi %mul3A_9, %add3A_10 : i32
    "tpu.region"() ({
      %run_scoped3A = tpu.sem_alloc : memref<!tpu.dma_semaphore, #tpu.memory_space<semaphore_mem>>
      %dma_start3A = arith.constant 0 : i32
      %dma_start3A_27 = tpu.memref_slice %arg13[%add3A_11, %dma_start3A] : memref<10240x128xf32, #tpu.memory_space<vmem_shared>> -> memref<128x128xf32, #tpu.memory_space<vmem_shared>>
      %dma_start3A_28 = arith.constant 0 : i32
      %dma_start3A_29 = tpu.memref_slice %arg13[%add3A_11, %dma_start3A_28] : memref<10240x128xf32, #tpu.memory_space<vmem_shared>> -> memref<128x128xf32, #tpu.memory_space<vmem_shared>>
      tpu.enqueue_dma source(%arg12 : memref<128x128xf32, #tpu.memory_space<vmem>>) target(%dma_start3A_29 : memref<128x128xf32, #tpu.memory_space<vmem_shared>>) target_semaphore(%run_scoped3A : memref<!tpu.dma_semaphore, #tpu.memory_space<semaphore_mem>>)
      %dma_wait3A = arith.constant 0 : i32
      %dma_wait3A_30 = tpu.memref_slice %arg13[%add3A_11, %dma_wait3A] : memref<10240x128xf32, #tpu.memory_space<vmem_shared>> -> memref<128x128xf32, #tpu.memory_space<vmem_shared>>
      %dma_wait3A_31 = arith.constant 0 : i32
      %dma_wait3A_32 = tpu.memref_slice %arg13[%add3A_11, %dma_wait3A_31] : memref<10240x128xf32, #tpu.memory_space<vmem_shared>> -> memref<128x128xf32, #tpu.memory_space<vmem_shared>>
      tpu.wait_dma2 semaphore(%run_scoped3A : memref<!tpu.dma_semaphore, #tpu.memory_space<semaphore_mem>>) src(%arg12 : memref<128x128xf32, #tpu.memory_space<vmem>>) dst(%dma_wait3A_32 : memref<128x128xf32, #tpu.memory_space<vmem_shared>>)
      tpu.yield
    }) : () -> ()
    %mul3A_12 = arith.constant 640 : i32
    %mul3A_13 = arith.muli %arg1, %mul3A_12 : i32
    %add3A_14 = arith.constant 384 : i32
    %add3A_15 = arith.addi %mul3A_13, %add3A_14 : i32
    "tpu.region"() ({
      %run_scoped3A = tpu.sem_alloc : memref<!tpu.dma_semaphore, #tpu.memory_space<semaphore_mem>>
      %dma_start3A = arith.constant 0 : i32
      %dma_start3A_27 = tpu.memref_slice %arg13[%add3A_15, %dma_start3A] : memref<10240x128xf32, #tpu.memory_space<vmem_shared>> -> memref<128x128xf32, #tpu.memory_space<vmem_shared>>
      %dma_start3A_28 = arith.constant 0 : i32
      %dma_start3A_29 = tpu.memref_slice %arg13[%add3A_15, %dma_start3A_28] : memref<10240x128xf32, #tpu.memory_space<vmem_shared>> -> memref<128x128xf32, #tpu.memory_space<vmem_shared>>
      tpu.enqueue_dma source(%arg12 : memref<128x128xf32, #tpu.memory_space<vmem>>) target(%dma_start3A_29 : memref<128x128xf32, #tpu.memory_space<vmem_shared>>) target_semaphore(%run_scoped3A : memref<!tpu.dma_semaphore, #tpu.memory_space<semaphore_mem>>)
      %dma_wait3A = arith.constant 0 : i32
      %dma_wait3A_30 = tpu.memref_slice %arg13[%add3A_15, %dma_wait3A] : memref<10240x128xf32, #tpu.memory_space<vmem_shared>> -> memref<128x128xf32, #tpu.memory_space<vmem_shared>>
      %dma_wait3A_31 = arith.constant 0 : i32
      %dma_wait3A_32 = tpu.memref_slice %arg13[%add3A_15, %dma_wait3A_31] : memref<10240x128xf32, #tpu.memory_space<vmem_shared>> -> memref<128x128xf32, #tpu.memory_space<vmem_shared>>
      tpu.wait_dma2 semaphore(%run_scoped3A : memref<!tpu.dma_semaphore, #tpu.memory_space<semaphore_mem>>) src(%arg12 : memref<128x128xf32, #tpu.memory_space<vmem>>) dst(%dma_wait3A_32 : memref<128x128xf32, #tpu.memory_space<vmem_shared>>)
      tpu.yield
    }) : () -> ()
    %mul3A_16 = arith.constant 640 : i32
    %mul3A_17 = arith.muli %arg1, %mul3A_16 : i32
    %add3A_18 = arith.constant 512 : i32
    %add3A_19 = arith.addi %mul3A_17, %add3A_18 : i32
    "tpu.region"() ({
      %run_scoped3A = tpu.sem_alloc : memref<!tpu.dma_semaphore, #tpu.memory_space<semaphore_mem>>
      %dma_start3A = arith.constant 0 : i32
      %dma_start3A_27 = tpu.memref_slice %arg13[%add3A_19, %dma_start3A] : memref<10240x128xf32, #tpu.memory_space<vmem_shared>> -> memref<128x128xf32, #tpu.memory_space<vmem_shared>>
      %dma_start3A_28 = arith.constant 0 : i32
      %dma_start3A_29 = tpu.memref_slice %arg13[%add3A_19, %dma_start3A_28] : memref<10240x128xf32, #tpu.memory_space<vmem_shared>> -> memref<128x128xf32, #tpu.memory_space<vmem_shared>>
      tpu.enqueue_dma source(%arg12 : memref<128x128xf32, #tpu.memory_space<vmem>>) target(%dma_start3A_29 : memref<128x128xf32, #tpu.memory_space<vmem_shared>>) target_semaphore(%run_scoped3A : memref<!tpu.dma_semaphore, #tpu.memory_space<semaphore_mem>>)
      %dma_wait3A = arith.constant 0 : i32
      %dma_wait3A_30 = tpu.memref_slice %arg13[%add3A_19, %dma_wait3A] : memref<10240x128xf32, #tpu.memory_space<vmem_shared>> -> memref<128x128xf32, #tpu.memory_space<vmem_shared>>
      %dma_wait3A_31 = arith.constant 0 : i32
      %dma_wait3A_32 = tpu.memref_slice %arg13[%add3A_19, %dma_wait3A_31] : memref<10240x128xf32, #tpu.memory_space<vmem_shared>> -> memref<128x128xf32, #tpu.memory_space<vmem_shared>>
      tpu.wait_dma2 semaphore(%run_scoped3A : memref<!tpu.dma_semaphore, #tpu.memory_space<semaphore_mem>>) src(%arg12 : memref<128x128xf32, #tpu.memory_space<vmem>>) dst(%dma_wait3A_32 : memref<128x128xf32, #tpu.memory_space<vmem_shared>>)
      tpu.yield
    }) : () -> ()
    %barrier3A = arith.constant 0 : index
    tpu.barrier barrier_id(%barrier3A)
    %eq3A = arith.constant 0 : i32
    %eq3A_20 = arith.cmpi eq, %arg0, %eq3A : i32
    %convert_element_type3A = arith.extui %eq3A_20 : i1 to i32
    %cond3A = arith.constant 0 : i32
    %cond3A_21 = arith.cmpi ne, %convert_element_type3A, %cond3A : i32
    scf.if %cond3A_21 {
      %scan3A = arith.constant 0 : i32
      %scan3A_27 = arith.constant 0 : i32
      %scan3A_28 = arith.constant 162 : i32
      %scan3A_29 = arith.addi %scan3A_27, %scan3A_28 : i32
      %scan3A_30 = arith.constant 1 : i32
      scf.for %scan3A_42 = %scan3A_27 to %scan3A_29 step %scan3A_30  : i32 {
        %mul3A_43 = arith.constant 128 : i32
        %mul3A_44 = arith.muli %scan3A_42, %mul3A_43 : i32
        %add3A_45 = arith.addi %mul3A_0, %mul3A_44 : i32
        "tpu.region"() ({
          %run_scoped3A = tpu.sem_alloc : memref<!tpu.dma_semaphore, #tpu.memory_space<semaphore_mem>>
          %dma_start3A_53 = tpu.memref_slice %arg2[%add3A_45] : memref<331776xi32, #tpu.memory_space<hbm>> -> memref<128xi32, #tpu.memory_space<hbm>>
          %dma_start3A_54 = tpu.memref_slice %arg2[%add3A_45] : memref<331776xi32, #tpu.memory_space<hbm>> -> memref<128xi32, #tpu.memory_space<hbm>>
          tpu.enqueue_dma source(%dma_start3A_54 : memref<128xi32, #tpu.memory_space<hbm>>) target(%arg9 : memref<128xi32, #tpu.memory_space<vmem>>) target_semaphore(%run_scoped3A : memref<!tpu.dma_semaphore, #tpu.memory_space<semaphore_mem>>)
          %dma_wait3A_55 = tpu.memref_slice %arg2[%add3A_45] : memref<331776xi32, #tpu.memory_space<hbm>> -> memref<128xi32, #tpu.memory_space<hbm>>
          %dma_wait3A_56 = tpu.memref_slice %arg2[%add3A_45] : memref<331776xi32, #tpu.memory_space<hbm>> -> memref<128xi32, #tpu.memory_space<hbm>>
          tpu.wait_dma2 semaphore(%run_scoped3A : memref<!tpu.dma_semaphore, #tpu.memory_space<semaphore_mem>>) src(%dma_wait3A_56 : memref<128xi32, #tpu.memory_space<hbm>>) dst(%arg9 : memref<128xi32, #tpu.memory_space<vmem>>)
          tpu.yield
        }) : () -> ()
        %mul3A_46 = arith.constant 128 : i32
        %mul3A_47 = arith.muli %scan3A_42, %mul3A_46 : i32
        %add3A_48 = arith.addi %mul3A_0, %mul3A_47 : i32
        "tpu.region"() ({
          %run_scoped3A = tpu.sem_alloc : memref<!tpu.dma_semaphore, #tpu.memory_space<semaphore_mem>>
          %dma_start3A_53 = tpu.memref_slice %arg3[%add3A_48] : memref<331776xi32, #tpu.memory_space<hbm>> -> memref<128xi32, #tpu.memory_space<hbm>>
          %dma_start3A_54 = tpu.memref_slice %arg3[%add3A_48] : memref<331776xi32, #tpu.memory_space<hbm>> -> memref<128xi32, #tpu.memory_space<hbm>>
          tpu.enqueue_dma source(%dma_start3A_54 : memref<128xi32, #tpu.memory_space<hbm>>) target(%arg10 : memref<128xi32, #tpu.memory_space<vmem>>) target_semaphore(%run_scoped3A : memref<!tpu.dma_semaphore, #tpu.memory_space<semaphore_mem>>)
          %dma_wait3A_55 = tpu.memref_slice %arg3[%add3A_48] : memref<331776xi32, #tpu.memory_space<hbm>> -> memref<128xi32, #tpu.memory_space<hbm>>
          %dma_wait3A_56 = tpu.memref_slice %arg3[%add3A_48] : memref<331776xi32, #tpu.memory_space<hbm>> -> memref<128xi32, #tpu.memory_space<hbm>>
          tpu.wait_dma2 semaphore(%run_scoped3A : memref<!tpu.dma_semaphore, #tpu.memory_space<semaphore_mem>>) src(%dma_wait3A_56 : memref<128xi32, #tpu.memory_space<hbm>>) dst(%arg10 : memref<128xi32, #tpu.memory_space<vmem>>)
          tpu.yield
        }) : () -> ()
        %dma_start3A = arith.constant 0 : i32
        %dma_start3A_49 = arith.constant 0 : i32
        %dma_start3A_50 = tpu.memref_slice %arg4[%dma_start3A, %dma_start3A_49] : memref<10000x128xf32, #tpu.memory_space<hbm>> -> memref<10000x128xf32, #tpu.memory_space<hbm>>
        tpu.enqueue_indirect_dma source(%dma_start3A_50 : memref<10000x128xf32, #tpu.memory_space<hbm>>) target(%arg11 : memref<128x128xf32, #tpu.memory_space<vmem>>) offsets(%arg9 : memref<128xi32, #tpu.memory_space<vmem>>) semaphore(%arg14 : memref<!tpu.dma_semaphore, #tpu.memory_space<semaphore_mem>>)
        %dma_wait3A = arith.constant 0 : i32
        %dma_wait3A_51 = arith.constant 0 : i32
        %dma_wait3A_52 = tpu.memref_slice %arg4[%dma_wait3A, %dma_wait3A_51] : memref<10000x128xf32, #tpu.memory_space<hbm>> -> memref<10000x128xf32, #tpu.memory_space<hbm>>
        tpu.wait_indirect_dma semaphore(%arg14 : memref<!tpu.dma_semaphore, #tpu.memory_space<semaphore_mem>>) src(%dma_wait3A_52 : memref<10000x128xf32, #tpu.memory_space<hbm>>) dst(%arg11 : memref<128x128xf32, #tpu.memory_space<vmem>>)
        "tpu.region"() ({
          %run_scoped3A = tpu.sem_alloc : memref<!tpu.dma_semaphore, #tpu.memory_space<semaphore_mem>>
          %dma_start3A_53 = arith.constant 0 : i32
          %dma_start3A_54 = arith.constant 0 : i32
          %dma_start3A_55 = tpu.memref_slice %arg13[%dma_start3A_53, %dma_start3A_54] : memref<10240x128xf32, #tpu.memory_space<vmem_shared>> -> memref<10240x128xf32, #tpu.memory_space<vmem_shared>>
          tpu.enqueue_indirect_dma source(%arg11 : memref<128x128xf32, #tpu.memory_space<vmem>>) target(%dma_start3A_55 : memref<10240x128xf32, #tpu.memory_space<vmem_shared>>) offsets(%arg10 : memref<128xi32, #tpu.memory_space<vmem>>) semaphore(%run_scoped3A : memref<!tpu.dma_semaphore, #tpu.memory_space<semaphore_mem>>) {add = true}
          %dma_wait3A_56 = arith.constant 0 : i32
          %dma_wait3A_57 = arith.constant 0 : i32
          %dma_wait3A_58 = tpu.memref_slice %arg13[%dma_wait3A_56, %dma_wait3A_57] : memref<10240x128xf32, #tpu.memory_space<vmem_shared>> -> memref<10240x128xf32, #tpu.memory_space<vmem_shared>>
          tpu.wait_indirect_dma semaphore(%run_scoped3A : memref<!tpu.dma_semaphore, #tpu.memory_space<semaphore_mem>>) src(%arg11 : memref<128x128xf32, #tpu.memory_space<vmem>>) dst(%dma_wait3A_58 : memref<10240x128xf32, #tpu.memory_space<vmem_shared>>)
          tpu.yield
        }) : () -> ()
      }
      %scan3A_31 = arith.constant 162 : i32
      %barrier3A_32 = arith.constant 0 : index
      tpu.barrier barrier_id(%barrier3A_32)
      %mul3A_33 = arith.constant 624 : i32
      %mul3A_34 = arith.muli %arg1, %mul3A_33 : i32
      %mul3A_35 = arith.constant 624 : i32
      %mul3A_36 = arith.muli %arg1, %mul3A_35 : i32
      "tpu.region"() ({
        %run_scoped3A = tpu.sem_alloc : memref<!tpu.dma_semaphore, #tpu.memory_space<semaphore_mem>>
        %dma_start3A = arith.constant 0 : i32
        %dma_start3A_42 = tpu.memref_slice %arg7[%mul3A_36, %dma_start3A] : memref<10000x128xf32, #tpu.memory_space<hbm>> -> memref<624x128xf32, #tpu.memory_space<hbm>>
        %dma_start3A_43 = arith.constant 0 : i32
        %dma_start3A_44 = tpu.memref_slice %arg13[%mul3A_34, %dma_start3A_43] : memref<10240x128xf32, #tpu.memory_space<vmem_shared>> -> memref<624x128xf32, #tpu.memory_space<vmem_shared>>
        tpu.enqueue_dma source(%dma_start3A_44 : memref<624x128xf32, #tpu.memory_space<vmem_shared>>) target(%dma_start3A_42 : memref<624x128xf32, #tpu.memory_space<hbm>>) target_semaphore(%run_scoped3A : memref<!tpu.dma_semaphore, #tpu.memory_space<semaphore_mem>>)
        %dma_wait3A = arith.constant 0 : i32
        %dma_wait3A_45 = tpu.memref_slice %arg7[%mul3A_36, %dma_wait3A] : memref<10000x128xf32, #tpu.memory_space<hbm>> -> memref<624x128xf32, #tpu.memory_space<hbm>>
        %dma_wait3A_46 = arith.constant 0 : i32
        %dma_wait3A_47 = tpu.memref_slice %arg13[%mul3A_34, %dma_wait3A_46] : memref<10240x128xf32, #tpu.memory_space<vmem_shared>> -> memref<624x128xf32, #tpu.memory_space<vmem_shared>>
        tpu.wait_dma2 semaphore(%run_scoped3A : memref<!tpu.dma_semaphore, #tpu.memory_space<semaphore_mem>>) src(%dma_wait3A_47 : memref<624x128xf32, #tpu.memory_space<vmem_shared>>) dst(%dma_wait3A_45 : memref<624x128xf32, #tpu.memory_space<hbm>>)
        tpu.yield
      }) : () -> ()
      %eq3A_37 = arith.constant 0 : i32
      %eq3A_38 = arith.cmpi eq, %arg1, %eq3A_37 : i32
      %convert_element_type3A_39 = arith.extui %eq3A_38 : i1 to i32
      %cond3A_40 = arith.constant 0 : i32
      %cond3A_41 = arith.cmpi ne, %convert_element_type3A_39, %cond3A_40 : i32
      scf.if %cond3A_41 {
        "tpu.region"() ({
          %run_scoped3A = tpu.sem_alloc : memref<!tpu.dma_semaphore, #tpu.memory_space<semaphore_mem>>
          %dma_start3A = arith.constant 9984 : i32
          %dma_start3A_42 = arith.constant 0 : i32
          %dma_start3A_43 = tpu.memref_slice %arg7[%dma_start3A, %dma_start3A_42] : memref<10000x128xf32, #tpu.memory_space<hbm>> -> memref<16x128xf32, #tpu.memory_space<hbm>>
          %dma_start3A_44 = arith.constant 9984 : i32
          %dma_start3A_45 = arith.constant 0 : i32
          %dma_start3A_46 = tpu.memref_slice %arg13[%dma_start3A_44, %dma_start3A_45] : memref<10240x128xf32, #tpu.memory_space<vmem_shared>> -> memref<16x128xf32, #tpu.memory_space<vmem_shared>>
          tpu.enqueue_dma source(%dma_start3A_46 : memref<16x128xf32, #tpu.memory_space<vmem_shared>>) target(%dma_start3A_43 : memref<16x128xf32, #tpu.memory_space<hbm>>) target_semaphore(%run_scoped3A : memref<!tpu.dma_semaphore, #tpu.memory_space<semaphore_mem>>)
          %dma_wait3A = arith.constant 9984 : i32
          %dma_wait3A_47 = arith.constant 0 : i32
          %dma_wait3A_48 = tpu.memref_slice %arg7[%dma_wait3A, %dma_wait3A_47] : memref<10000x128xf32, #tpu.memory_space<hbm>> -> memref<16x128xf32, #tpu.memory_space<hbm>>
          %dma_wait3A_49 = arith.constant 9984 : i32
          %dma_wait3A_50 = arith.constant 0 : i32
          %dma_wait3A_51 = tpu.memref_slice %arg13[%dma_wait3A_49, %dma_wait3A_50] : memref<10240x128xf32, #tpu.memory_space<vmem_shared>> -> memref<16x128xf32, #tpu.memory_space<vmem_shared>>
          tpu.wait_dma2 semaphore(%run_scoped3A : memref<!tpu.dma_semaphore, #tpu.memory_space<semaphore_mem>>) src(%dma_wait3A_51 : memref<16x128xf32, #tpu.memory_space<vmem_shared>>) dst(%dma_wait3A_48 : memref<16x128xf32, #tpu.memory_space<hbm>>)
          tpu.yield
        }) : () -> ()
      } else {
      }
    } else {
    }
    %eq3A_22 = arith.constant 1 : i32
    %eq3A_23 = arith.cmpi eq, %arg0, %eq3A_22 : i32
    %convert_element_type3A_24 = arith.extui %eq3A_23 : i1 to i32
    %cond3A_25 = arith.constant 0 : i32
    %cond3A_26 = arith.cmpi ne, %convert_element_type3A_24, %cond3A_25 : i32
    scf.if %cond3A_26 {
      %scan3A = arith.constant 0 : i32
      %scan3A_27 = arith.constant 0 : i32
      %scan3A_28 = arith.constant 162 : i32
      %scan3A_29 = arith.addi %scan3A_27, %scan3A_28 : i32
      %scan3A_30 = arith.constant 1 : i32
      scf.for %scan3A_42 = %scan3A_27 to %scan3A_29 step %scan3A_30  : i32 {
        %mul3A_43 = arith.constant 128 : i32
        %mul3A_44 = arith.muli %scan3A_42, %mul3A_43 : i32
        %add3A_45 = arith.addi %mul3A_0, %mul3A_44 : i32
        "tpu.region"() ({
          %run_scoped3A = tpu.sem_alloc : memref<!tpu.dma_semaphore, #tpu.memory_space<semaphore_mem>>
          %dma_start3A_53 = tpu.memref_slice %arg2[%add3A_45] : memref<331776xi32, #tpu.memory_space<hbm>> -> memref<128xi32, #tpu.memory_space<hbm>>
          %dma_start3A_54 = tpu.memref_slice %arg2[%add3A_45] : memref<331776xi32, #tpu.memory_space<hbm>> -> memref<128xi32, #tpu.memory_space<hbm>>
          tpu.enqueue_dma source(%dma_start3A_54 : memref<128xi32, #tpu.memory_space<hbm>>) target(%arg9 : memref<128xi32, #tpu.memory_space<vmem>>) target_semaphore(%run_scoped3A : memref<!tpu.dma_semaphore, #tpu.memory_space<semaphore_mem>>)
          %dma_wait3A_55 = tpu.memref_slice %arg2[%add3A_45] : memref<331776xi32, #tpu.memory_space<hbm>> -> memref<128xi32, #tpu.memory_space<hbm>>
          %dma_wait3A_56 = tpu.memref_slice %arg2[%add3A_45] : memref<331776xi32, #tpu.memory_space<hbm>> -> memref<128xi32, #tpu.memory_space<hbm>>
          tpu.wait_dma2 semaphore(%run_scoped3A : memref<!tpu.dma_semaphore, #tpu.memory_space<semaphore_mem>>) src(%dma_wait3A_56 : memref<128xi32, #tpu.memory_space<hbm>>) dst(%arg9 : memref<128xi32, #tpu.memory_space<vmem>>)
          tpu.yield
        }) : () -> ()
        %mul3A_46 = arith.constant 128 : i32
        %mul3A_47 = arith.muli %scan3A_42, %mul3A_46 : i32
        %add3A_48 = arith.addi %mul3A_0, %mul3A_47 : i32
        "tpu.region"() ({
          %run_scoped3A = tpu.sem_alloc : memref<!tpu.dma_semaphore, #tpu.memory_space<semaphore_mem>>
          %dma_start3A_53 = tpu.memref_slice %arg3[%add3A_48] : memref<331776xi32, #tpu.memory_space<hbm>> -> memref<128xi32, #tpu.memory_space<hbm>>
          %dma_start3A_54 = tpu.memref_slice %arg3[%add3A_48] : memref<331776xi32, #tpu.memory_space<hbm>> -> memref<128xi32, #tpu.memory_space<hbm>>
          tpu.enqueue_dma source(%dma_start3A_54 : memref<128xi32, #tpu.memory_space<hbm>>) target(%arg10 : memref<128xi32, #tpu.memory_space<vmem>>) target_semaphore(%run_scoped3A : memref<!tpu.dma_semaphore, #tpu.memory_space<semaphore_mem>>)
          %dma_wait3A_55 = tpu.memref_slice %arg3[%add3A_48] : memref<331776xi32, #tpu.memory_space<hbm>> -> memref<128xi32, #tpu.memory_space<hbm>>
          %dma_wait3A_56 = tpu.memref_slice %arg3[%add3A_48] : memref<331776xi32, #tpu.memory_space<hbm>> -> memref<128xi32, #tpu.memory_space<hbm>>
          tpu.wait_dma2 semaphore(%run_scoped3A : memref<!tpu.dma_semaphore, #tpu.memory_space<semaphore_mem>>) src(%dma_wait3A_56 : memref<128xi32, #tpu.memory_space<hbm>>) dst(%arg10 : memref<128xi32, #tpu.memory_space<vmem>>)
          tpu.yield
        }) : () -> ()
        %dma_start3A = arith.constant 0 : i32
        %dma_start3A_49 = arith.constant 0 : i32
        %dma_start3A_50 = tpu.memref_slice %arg5[%dma_start3A, %dma_start3A_49] : memref<10000x128xf32, #tpu.memory_space<hbm>> -> memref<10000x128xf32, #tpu.memory_space<hbm>>
        tpu.enqueue_indirect_dma source(%dma_start3A_50 : memref<10000x128xf32, #tpu.memory_space<hbm>>) target(%arg11 : memref<128x128xf32, #tpu.memory_space<vmem>>) offsets(%arg9 : memref<128xi32, #tpu.memory_space<vmem>>) semaphore(%arg14 : memref<!tpu.dma_semaphore, #tpu.memory_space<semaphore_mem>>)
        %dma_wait3A = arith.constant 0 : i32
        %dma_wait3A_51 = arith.constant 0 : i32
        %dma_wait3A_52 = tpu.memref_slice %arg5[%dma_wait3A, %dma_wait3A_51] : memref<10000x128xf32, #tpu.memory_space<hbm>> -> memref<10000x128xf32, #tpu.memory_space<hbm>>
        tpu.wait_indirect_dma semaphore(%arg14 : memref<!tpu.dma_semaphore, #tpu.memory_space<semaphore_mem>>) src(%dma_wait3A_52 : memref<10000x128xf32, #tpu.memory_space<hbm>>) dst(%arg11 : memref<128x128xf32, #tpu.memory_space<vmem>>)
        "tpu.region"() ({
          %run_scoped3A = tpu.sem_alloc : memref<!tpu.dma_semaphore, #tpu.memory_space<semaphore_mem>>
          %dma_start3A_53 = arith.constant 0 : i32
          %dma_start3A_54 = arith.constant 0 : i32
          %dma_start3A_55 = tpu.memref_slice %arg13[%dma_start3A_53, %dma_start3A_54] : memref<10240x128xf32, #tpu.memory_space<vmem_shared>> -> memref<10240x128xf32, #tpu.memory_space<vmem_shared>>
          tpu.enqueue_indirect_dma source(%arg11 : memref<128x128xf32, #tpu.memory_space<vmem>>) target(%dma_start3A_55 : memref<10240x128xf32, #tpu.memory_space<vmem_shared>>) offsets(%arg10 : memref<128xi32, #tpu.memory_space<vmem>>) semaphore(%run_scoped3A : memref<!tpu.dma_semaphore, #tpu.memory_space<semaphore_mem>>) {add = true}
          %dma_wait3A_56 = arith.constant 0 : i32
          %dma_wait3A_57 = arith.constant 0 : i32
          %dma_wait3A_58 = tpu.memref_slice %arg13[%dma_wait3A_56, %dma_wait3A_57] : memref<10240x128xf32, #tpu.memory_space<vmem_shared>> -> memref<10240x128xf32, #tpu.memory_space<vmem_shared>>
          tpu.wait_indirect_dma semaphore(%run_scoped3A : memref<!tpu.dma_semaphore, #tpu.memory_space<semaphore_mem>>) src(%arg11 : memref<128x128xf32, #tpu.memory_space<vmem>>) dst(%dma_wait3A_58 : memref<10240x128xf32, #tpu.memory_space<vmem_shared>>)
          tpu.yield
        }) : () -> ()
      }
      %scan3A_31 = arith.constant 162 : i32
      %barrier3A_32 = arith.constant 0 : index
      tpu.barrier barrier_id(%barrier3A_32)
      %mul3A_33 = arith.constant 624 : i32
      %mul3A_34 = arith.muli %arg1, %mul3A_33 : i32
      %mul3A_35 = arith.constant 624 : i32
      %mul3A_36 = arith.muli %arg1, %mul3A_35 : i32
      "tpu.region"() ({
        %run_scoped3A = tpu.sem_alloc : memref<!tpu.dma_semaphore, #tpu.memory_space<semaphore_mem>>
        %dma_start3A = arith.constant 0 : i32
        %dma_start3A_42 = tpu.memref_slice %arg8[%mul3A_36, %dma_start3A] : memref<10000x128xf32, #tpu.memory_space<hbm>> -> memref<624x128xf32, #tpu.memory_space<hbm>>
        %dma_start3A_43 = arith.constant 0 : i32
        %dma_start3A_44 = tpu.memref_slice %arg13[%mul3A_34, %dma_start3A_43] : memref<10240x128xf32, #tpu.memory_space<vmem_shared>> -> memref<624x128xf32, #tpu.memory_space<vmem_shared>>
        tpu.enqueue_dma source(%dma_start3A_44 : memref<624x128xf32, #tpu.memory_space<vmem_shared>>) target(%dma_start3A_42 : memref<624x128xf32, #tpu.memory_space<hbm>>) target_semaphore(%run_scoped3A : memref<!tpu.dma_semaphore, #tpu.memory_space<semaphore_mem>>)
        %dma_wait3A = arith.constant 0 : i32
        %dma_wait3A_45 = tpu.memref_slice %arg8[%mul3A_36, %dma_wait3A] : memref<10000x128xf32, #tpu.memory_space<hbm>> -> memref<624x128xf32, #tpu.memory_space<hbm>>
        %dma_wait3A_46 = arith.constant 0 : i32
        %dma_wait3A_47 = tpu.memref_slice %arg13[%mul3A_34, %dma_wait3A_46] : memref<10240x128xf32, #tpu.memory_space<vmem_shared>> -> memref<624x128xf32, #tpu.memory_space<vmem_shared>>
        tpu.wait_dma2 semaphore(%run_scoped3A : memref<!tpu.dma_semaphore, #tpu.memory_space<semaphore_mem>>) src(%dma_wait3A_47 : memref<624x128xf32, #tpu.memory_space<vmem_shared>>) dst(%dma_wait3A_45 : memref<624x128xf32, #tpu.memory_space<hbm>>)
        tpu.yield
      }) : () -> ()
      %eq3A_37 = arith.constant 0 : i32
      %eq3A_38 = arith.cmpi eq, %arg1, %eq3A_37 : i32
      %convert_element_type3A_39 = arith.extui %eq3A_38 : i1 to i32
      %cond3A_40 = arith.constant 0 : i32
      %cond3A_41 = arith.cmpi ne, %convert_element_type3A_39, %cond3A_40 : i32
      scf.if %cond3A_41 {
        "tpu.region"() ({
          %run_scoped3A = tpu.sem_alloc : memref<!tpu.dma_semaphore, #tpu.memory_space<semaphore_mem>>
          %dma_start3A = arith.constant 9984 : i32
          %dma_start3A_42 = arith.constant 0 : i32
          %dma_start3A_43 = tpu.memref_slice %arg8[%dma_start3A, %dma_start3A_42] : memref<10000x128xf32, #tpu.memory_space<hbm>> -> memref<16x128xf32, #tpu.memory_space<hbm>>
          %dma_start3A_44 = arith.constant 9984 : i32
          %dma_start3A_45 = arith.constant 0 : i32
          %dma_start3A_46 = tpu.memref_slice %arg13[%dma_start3A_44, %dma_start3A_45] : memref<10240x128xf32, #tpu.memory_space<vmem_shared>> -> memref<16x128xf32, #tpu.memory_space<vmem_shared>>
          tpu.enqueue_dma source(%dma_start3A_46 : memref<16x128xf32, #tpu.memory_space<vmem_shared>>) target(%dma_start3A_43 : memref<16x128xf32, #tpu.memory_space<hbm>>) target_semaphore(%run_scoped3A : memref<!tpu.dma_semaphore, #tpu.memory_space<semaphore_mem>>)
          %dma_wait3A = arith.constant 9984 : i32
          %dma_wait3A_47 = arith.constant 0 : i32
          %dma_wait3A_48 = tpu.memref_slice %arg8[%dma_wait3A, %dma_wait3A_47] : memref<10000x128xf32, #tpu.memory_space<hbm>> -> memref<16x128xf32, #tpu.memory_space<hbm>>
          %dma_wait3A_49 = arith.constant 9984 : i32
          %dma_wait3A_50 = arith.constant 0 : i32
          %dma_wait3A_51 = tpu.memref_slice %arg13[%dma_wait3A_49, %dma_wait3A_50] : memref<10240x128xf32, #tpu.memory_space<vmem_shared>> -> memref<16x128xf32, #tpu.memory_space<vmem_shared>>
          tpu.wait_dma2 semaphore(%run_scoped3A : memref<!tpu.dma_semaphore, #tpu.memory_space<semaphore_mem>>) src(%dma_wait3A_51 : memref<16x128xf32, #tpu.memory_space<vmem_shared>>) dst(%dma_wait3A_48 : memref<16x128xf32, #tpu.memory_space<hbm>>)
          tpu.yield
        }) : () -> ()
      } else {
      }
    } else {
    }
    return
  }
}

#map = affine_map<(d0, d1) -> (0)>
#map1 = affine_map<(d0, d1) -> (0, 0)>
module attributes {stable_mosaic.version = 14 : i64} {
  func.func @_sc_aggregate(%arg0: i32, %arg1: i32, %arg2: memref<331776xi32, #tpu.memory_space<hbm>>, %arg3: memref<331776xi32, #tpu.memory_space<hbm>>, %arg4: memref<10000x128xf32, #tpu.memory_space<hbm>>, %arg5: memref<10000x128xf32, #tpu.memory_space<hbm>>, %arg6: memref<128x128xf32, #tpu.memory_space<hbm>>, %arg7: memref<10000x128xf32, #tpu.memory_space<hbm>>, %arg8: memref<10000x128xf32, #tpu.memory_space<hbm>>, %arg9: memref<128xi32, #tpu.memory_space<vmem>>, %arg10: memref<128xi32, #tpu.memory_space<vmem>>, %arg11: memref<128x128xf32, #tpu.memory_space<vmem>>, %arg12: memref<128x128xf32, #tpu.memory_space<vmem>>, %arg13: memref<10240x128xf32, #tpu.memory_space<vmem_shared>>, %arg14: memref<!tpu.dma_semaphore, #tpu.memory_space<semaphore_mem>>) attributes {dimension_semantics = [#tpu.dimension_semantics<core_parallel>, #tpu.dimension_semantics<subcore_parallel>], iteration_bounds = array<i64: 2, 16>, scalar_prefetch = 0 : i64, scratch_operands = 6 : i64, tpu.core_type = #tpu.core_type<sc_vector_subcore>, window_params = [{transform_indices = #map}, {transform_indices = #map}, {transform_indices = #map1}, {transform_indices = #map1}, {transform_indices = #map1}, {transform_indices = #map1}, {transform_indices = #map1}]} {
    %mul3A = arith.constant 20736 : i32
    %mul3A_0 = arith.muli %arg1, %mul3A : i32
    "tpu.region"() ({
      %run_scoped3A = tpu.sem_alloc : memref<!tpu.dma_semaphore, #tpu.memory_space<semaphore_mem>>
      tpu.enqueue_dma source(%arg6 : memref<128x128xf32, #tpu.memory_space<hbm>>) target(%arg12 : memref<128x128xf32, #tpu.memory_space<vmem>>) target_semaphore(%run_scoped3A : memref<!tpu.dma_semaphore, #tpu.memory_space<semaphore_mem>>)
      tpu.wait_dma2 semaphore(%run_scoped3A : memref<!tpu.dma_semaphore, #tpu.memory_space<semaphore_mem>>) src(%arg6 : memref<128x128xf32, #tpu.memory_space<hbm>>) dst(%arg12 : memref<128x128xf32, #tpu.memory_space<vmem>>)
      tpu.yield
    }) : () -> ()
    %mul3A_1 = arith.constant 640 : i32
    %mul3A_2 = arith.muli %arg1, %mul3A_1 : i32
    %add3A = arith.constant 0 : i32
    %add3A_3 = arith.addi %mul3A_2, %add3A : i32
    "tpu.region"() ({
      %run_scoped3A = tpu.sem_alloc : memref<!tpu.dma_semaphore, #tpu.memory_space<semaphore_mem>>
      %dma_start3A = arith.constant 0 : i32
      %dma_start3A_27 = tpu.memref_slice %arg13[%add3A_3, %dma_start3A] : memref<10240x128xf32, #tpu.memory_space<vmem_shared>> -> memref<128x128xf32, #tpu.memory_space<vmem_shared>>
      %dma_start3A_28 = arith.constant 0 : i32
      %dma_start3A_29 = tpu.memref_slice %arg13[%add3A_3, %dma_start3A_28] : memref<10240x128xf32, #tpu.memory_space<vmem_shared>> -> memref<128x128xf32, #tpu.memory_space<vmem_shared>>
      tpu.enqueue_dma source(%arg12 : memref<128x128xf32, #tpu.memory_space<vmem>>) target(%dma_start3A_29 : memref<128x128xf32, #tpu.memory_space<vmem_shared>>) target_semaphore(%run_scoped3A : memref<!tpu.dma_semaphore, #tpu.memory_space<semaphore_mem>>)
      %dma_wait3A = arith.constant 0 : i32
      %dma_wait3A_30 = tpu.memref_slice %arg13[%add3A_3, %dma_wait3A] : memref<10240x128xf32, #tpu.memory_space<vmem_shared>> -> memref<128x128xf32, #tpu.memory_space<vmem_shared>>
      %dma_wait3A_31 = arith.constant 0 : i32
      %dma_wait3A_32 = tpu.memref_slice %arg13[%add3A_3, %dma_wait3A_31] : memref<10240x128xf32, #tpu.memory_space<vmem_shared>> -> memref<128x128xf32, #tpu.memory_space<vmem_shared>>
      tpu.wait_dma2 semaphore(%run_scoped3A : memref<!tpu.dma_semaphore, #tpu.memory_space<semaphore_mem>>) src(%arg12 : memref<128x128xf32, #tpu.memory_space<vmem>>) dst(%dma_wait3A_32 : memref<128x128xf32, #tpu.memory_space<vmem_shared>>)
      tpu.yield
    }) : () -> ()
    %mul3A_4 = arith.constant 640 : i32
    %mul3A_5 = arith.muli %arg1, %mul3A_4 : i32
    %add3A_6 = arith.constant 128 : i32
    %add3A_7 = arith.addi %mul3A_5, %add3A_6 : i32
    "tpu.region"() ({
      %run_scoped3A = tpu.sem_alloc : memref<!tpu.dma_semaphore, #tpu.memory_space<semaphore_mem>>
      %dma_start3A = arith.constant 0 : i32
      %dma_start3A_27 = tpu.memref_slice %arg13[%add3A_7, %dma_start3A] : memref<10240x128xf32, #tpu.memory_space<vmem_shared>> -> memref<128x128xf32, #tpu.memory_space<vmem_shared>>
      %dma_start3A_28 = arith.constant 0 : i32
      %dma_start3A_29 = tpu.memref_slice %arg13[%add3A_7, %dma_start3A_28] : memref<10240x128xf32, #tpu.memory_space<vmem_shared>> -> memref<128x128xf32, #tpu.memory_space<vmem_shared>>
      tpu.enqueue_dma source(%arg12 : memref<128x128xf32, #tpu.memory_space<vmem>>) target(%dma_start3A_29 : memref<128x128xf32, #tpu.memory_space<vmem_shared>>) target_semaphore(%run_scoped3A : memref<!tpu.dma_semaphore, #tpu.memory_space<semaphore_mem>>)
      %dma_wait3A = arith.constant 0 : i32
      %dma_wait3A_30 = tpu.memref_slice %arg13[%add3A_7, %dma_wait3A] : memref<10240x128xf32, #tpu.memory_space<vmem_shared>> -> memref<128x128xf32, #tpu.memory_space<vmem_shared>>
      %dma_wait3A_31 = arith.constant 0 : i32
      %dma_wait3A_32 = tpu.memref_slice %arg13[%add3A_7, %dma_wait3A_31] : memref<10240x128xf32, #tpu.memory_space<vmem_shared>> -> memref<128x128xf32, #tpu.memory_space<vmem_shared>>
      tpu.wait_dma2 semaphore(%run_scoped3A : memref<!tpu.dma_semaphore, #tpu.memory_space<semaphore_mem>>) src(%arg12 : memref<128x128xf32, #tpu.memory_space<vmem>>) dst(%dma_wait3A_32 : memref<128x128xf32, #tpu.memory_space<vmem_shared>>)
      tpu.yield
    }) : () -> ()
    %mul3A_8 = arith.constant 640 : i32
    %mul3A_9 = arith.muli %arg1, %mul3A_8 : i32
    %add3A_10 = arith.constant 256 : i32
    %add3A_11 = arith.addi %mul3A_9, %add3A_10 : i32
    "tpu.region"() ({
      %run_scoped3A = tpu.sem_alloc : memref<!tpu.dma_semaphore, #tpu.memory_space<semaphore_mem>>
      %dma_start3A = arith.constant 0 : i32
      %dma_start3A_27 = tpu.memref_slice %arg13[%add3A_11, %dma_start3A] : memref<10240x128xf32, #tpu.memory_space<vmem_shared>> -> memref<128x128xf32, #tpu.memory_space<vmem_shared>>
      %dma_start3A_28 = arith.constant 0 : i32
      %dma_start3A_29 = tpu.memref_slice %arg13[%add3A_11, %dma_start3A_28] : memref<10240x128xf32, #tpu.memory_space<vmem_shared>> -> memref<128x128xf32, #tpu.memory_space<vmem_shared>>
      tpu.enqueue_dma source(%arg12 : memref<128x128xf32, #tpu.memory_space<vmem>>) target(%dma_start3A_29 : memref<128x128xf32, #tpu.memory_space<vmem_shared>>) target_semaphore(%run_scoped3A : memref<!tpu.dma_semaphore, #tpu.memory_space<semaphore_mem>>)
      %dma_wait3A = arith.constant 0 : i32
      %dma_wait3A_30 = tpu.memref_slice %arg13[%add3A_11, %dma_wait3A] : memref<10240x128xf32, #tpu.memory_space<vmem_shared>> -> memref<128x128xf32, #tpu.memory_space<vmem_shared>>
      %dma_wait3A_31 = arith.constant 0 : i32
      %dma_wait3A_32 = tpu.memref_slice %arg13[%add3A_11, %dma_wait3A_31] : memref<10240x128xf32, #tpu.memory_space<vmem_shared>> -> memref<128x128xf32, #tpu.memory_space<vmem_shared>>
      tpu.wait_dma2 semaphore(%run_scoped3A : memref<!tpu.dma_semaphore, #tpu.memory_space<semaphore_mem>>) src(%arg12 : memref<128x128xf32, #tpu.memory_space<vmem>>) dst(%dma_wait3A_32 : memref<128x128xf32, #tpu.memory_space<vmem_shared>>)
      tpu.yield
    }) : () -> ()
    %mul3A_12 = arith.constant 640 : i32
    %mul3A_13 = arith.muli %arg1, %mul3A_12 : i32
    %add3A_14 = arith.constant 384 : i32
    %add3A_15 = arith.addi %mul3A_13, %add3A_14 : i32
    "tpu.region"() ({
      %run_scoped3A = tpu.sem_alloc : memref<!tpu.dma_semaphore, #tpu.memory_space<semaphore_mem>>
      %dma_start3A = arith.constant 0 : i32
      %dma_start3A_27 = tpu.memref_slice %arg13[%add3A_15, %dma_start3A] : memref<10240x128xf32, #tpu.memory_space<vmem_shared>> -> memref<128x128xf32, #tpu.memory_space<vmem_shared>>
      %dma_start3A_28 = arith.constant 0 : i32
      %dma_start3A_29 = tpu.memref_slice %arg13[%add3A_15, %dma_start3A_28] : memref<10240x128xf32, #tpu.memory_space<vmem_shared>> -> memref<128x128xf32, #tpu.memory_space<vmem_shared>>
      tpu.enqueue_dma source(%arg12 : memref<128x128xf32, #tpu.memory_space<vmem>>) target(%dma_start3A_29 : memref<128x128xf32, #tpu.memory_space<vmem_shared>>) target_semaphore(%run_scoped3A : memref<!tpu.dma_semaphore, #tpu.memory_space<semaphore_mem>>)
      %dma_wait3A = arith.constant 0 : i32
      %dma_wait3A_30 = tpu.memref_slice %arg13[%add3A_15, %dma_wait3A] : memref<10240x128xf32, #tpu.memory_space<vmem_shared>> -> memref<128x128xf32, #tpu.memory_space<vmem_shared>>
      %dma_wait3A_31 = arith.constant 0 : i32
      %dma_wait3A_32 = tpu.memref_slice %arg13[%add3A_15, %dma_wait3A_31] : memref<10240x128xf32, #tpu.memory_space<vmem_shared>> -> memref<128x128xf32, #tpu.memory_space<vmem_shared>>
      tpu.wait_dma2 semaphore(%run_scoped3A : memref<!tpu.dma_semaphore, #tpu.memory_space<semaphore_mem>>) src(%arg12 : memref<128x128xf32, #tpu.memory_space<vmem>>) dst(%dma_wait3A_32 : memref<128x128xf32, #tpu.memory_space<vmem_shared>>)
      tpu.yield
    }) : () -> ()
    %mul3A_16 = arith.constant 640 : i32
    %mul3A_17 = arith.muli %arg1, %mul3A_16 : i32
    %add3A_18 = arith.constant 512 : i32
    %add3A_19 = arith.addi %mul3A_17, %add3A_18 : i32
    "tpu.region"() ({
      %run_scoped3A = tpu.sem_alloc : memref<!tpu.dma_semaphore, #tpu.memory_space<semaphore_mem>>
      %dma_start3A = arith.constant 0 : i32
      %dma_start3A_27 = tpu.memref_slice %arg13[%add3A_19, %dma_start3A] : memref<10240x128xf32, #tpu.memory_space<vmem_shared>> -> memref<128x128xf32, #tpu.memory_space<vmem_shared>>
      %dma_start3A_28 = arith.constant 0 : i32
      %dma_start3A_29 = tpu.memref_slice %arg13[%add3A_19, %dma_start3A_28] : memref<10240x128xf32, #tpu.memory_space<vmem_shared>> -> memref<128x128xf32, #tpu.memory_space<vmem_shared>>
      tpu.enqueue_dma source(%arg12 : memref<128x128xf32, #tpu.memory_space<vmem>>) target(%dma_start3A_29 : memref<128x128xf32, #tpu.memory_space<vmem_shared>>) target_semaphore(%run_scoped3A : memref<!tpu.dma_semaphore, #tpu.memory_space<semaphore_mem>>)
      %dma_wait3A = arith.constant 0 : i32
      %dma_wait3A_30 = tpu.memref_slice %arg13[%add3A_19, %dma_wait3A] : memref<10240x128xf32, #tpu.memory_space<vmem_shared>> -> memref<128x128xf32, #tpu.memory_space<vmem_shared>>
      %dma_wait3A_31 = arith.constant 0 : i32
      %dma_wait3A_32 = tpu.memref_slice %arg13[%add3A_19, %dma_wait3A_31] : memref<10240x128xf32, #tpu.memory_space<vmem_shared>> -> memref<128x128xf32, #tpu.memory_space<vmem_shared>>
      tpu.wait_dma2 semaphore(%run_scoped3A : memref<!tpu.dma_semaphore, #tpu.memory_space<semaphore_mem>>) src(%arg12 : memref<128x128xf32, #tpu.memory_space<vmem>>) dst(%dma_wait3A_32 : memref<128x128xf32, #tpu.memory_space<vmem_shared>>)
      tpu.yield
    }) : () -> ()
    %barrier3A = arith.constant 0 : index
    tpu.barrier barrier_id(%barrier3A)
    %eq3A = arith.constant 0 : i32
    %eq3A_20 = arith.cmpi eq, %arg0, %eq3A : i32
    %convert_element_type3A = arith.extui %eq3A_20 : i1 to i32
    %cond3A = arith.constant 0 : i32
    %cond3A_21 = arith.cmpi ne, %convert_element_type3A, %cond3A : i32
    scf.if %cond3A_21 {
      %scan3A = arith.constant 0 : i32
      %scan3A_27 = arith.constant 0 : i32
      %scan3A_28 = arith.constant 162 : i32
      %scan3A_29 = arith.addi %scan3A_27, %scan3A_28 : i32
      %scan3A_30 = arith.constant 1 : i32
      scf.for %scan3A_42 = %scan3A_27 to %scan3A_29 step %scan3A_30  : i32 {
        %mul3A_43 = arith.constant 128 : i32
        %mul3A_44 = arith.muli %scan3A_42, %mul3A_43 : i32
        %add3A_45 = arith.addi %mul3A_0, %mul3A_44 : i32
        "tpu.region"() ({
          %run_scoped3A = tpu.sem_alloc : memref<!tpu.dma_semaphore, #tpu.memory_space<semaphore_mem>>
          %dma_start3A_53 = tpu.memref_slice %arg2[%add3A_45] : memref<331776xi32, #tpu.memory_space<hbm>> -> memref<128xi32, #tpu.memory_space<hbm>>
          %dma_start3A_54 = tpu.memref_slice %arg2[%add3A_45] : memref<331776xi32, #tpu.memory_space<hbm>> -> memref<128xi32, #tpu.memory_space<hbm>>
          tpu.enqueue_dma source(%dma_start3A_54 : memref<128xi32, #tpu.memory_space<hbm>>) target(%arg9 : memref<128xi32, #tpu.memory_space<vmem>>) target_semaphore(%run_scoped3A : memref<!tpu.dma_semaphore, #tpu.memory_space<semaphore_mem>>)
          %dma_wait3A_55 = tpu.memref_slice %arg2[%add3A_45] : memref<331776xi32, #tpu.memory_space<hbm>> -> memref<128xi32, #tpu.memory_space<hbm>>
          %dma_wait3A_56 = tpu.memref_slice %arg2[%add3A_45] : memref<331776xi32, #tpu.memory_space<hbm>> -> memref<128xi32, #tpu.memory_space<hbm>>
          tpu.wait_dma2 semaphore(%run_scoped3A : memref<!tpu.dma_semaphore, #tpu.memory_space<semaphore_mem>>) src(%dma_wait3A_56 : memref<128xi32, #tpu.memory_space<hbm>>) dst(%arg9 : memref<128xi32, #tpu.memory_space<vmem>>)
          tpu.yield
        }) : () -> ()
        %mul3A_46 = arith.constant 128 : i32
        %mul3A_47 = arith.muli %scan3A_42, %mul3A_46 : i32
        %add3A_48 = arith.addi %mul3A_0, %mul3A_47 : i32
        "tpu.region"() ({
          %run_scoped3A = tpu.sem_alloc : memref<!tpu.dma_semaphore, #tpu.memory_space<semaphore_mem>>
          %dma_start3A_53 = tpu.memref_slice %arg3[%add3A_48] : memref<331776xi32, #tpu.memory_space<hbm>> -> memref<128xi32, #tpu.memory_space<hbm>>
          %dma_start3A_54 = tpu.memref_slice %arg3[%add3A_48] : memref<331776xi32, #tpu.memory_space<hbm>> -> memref<128xi32, #tpu.memory_space<hbm>>
          tpu.enqueue_dma source(%dma_start3A_54 : memref<128xi32, #tpu.memory_space<hbm>>) target(%arg10 : memref<128xi32, #tpu.memory_space<vmem>>) target_semaphore(%run_scoped3A : memref<!tpu.dma_semaphore, #tpu.memory_space<semaphore_mem>>)
          %dma_wait3A_55 = tpu.memref_slice %arg3[%add3A_48] : memref<331776xi32, #tpu.memory_space<hbm>> -> memref<128xi32, #tpu.memory_space<hbm>>
          %dma_wait3A_56 = tpu.memref_slice %arg3[%add3A_48] : memref<331776xi32, #tpu.memory_space<hbm>> -> memref<128xi32, #tpu.memory_space<hbm>>
          tpu.wait_dma2 semaphore(%run_scoped3A : memref<!tpu.dma_semaphore, #tpu.memory_space<semaphore_mem>>) src(%dma_wait3A_56 : memref<128xi32, #tpu.memory_space<hbm>>) dst(%arg10 : memref<128xi32, #tpu.memory_space<vmem>>)
          tpu.yield
        }) : () -> ()
        %dma_start3A = arith.constant 0 : i32
        %dma_start3A_49 = arith.constant 0 : i32
        %dma_start3A_50 = tpu.memref_slice %arg4[%dma_start3A, %dma_start3A_49] : memref<10000x128xf32, #tpu.memory_space<hbm>> -> memref<10000x128xf32, #tpu.memory_space<hbm>>
        tpu.enqueue_indirect_dma source(%dma_start3A_50 : memref<10000x128xf32, #tpu.memory_space<hbm>>) target(%arg11 : memref<128x128xf32, #tpu.memory_space<vmem>>) offsets(%arg9 : memref<128xi32, #tpu.memory_space<vmem>>) semaphore(%arg14 : memref<!tpu.dma_semaphore, #tpu.memory_space<semaphore_mem>>)
        %dma_wait3A = arith.constant 0 : i32
        %dma_wait3A_51 = arith.constant 0 : i32
        %dma_wait3A_52 = tpu.memref_slice %arg4[%dma_wait3A, %dma_wait3A_51] : memref<10000x128xf32, #tpu.memory_space<hbm>> -> memref<10000x128xf32, #tpu.memory_space<hbm>>
        tpu.wait_indirect_dma semaphore(%arg14 : memref<!tpu.dma_semaphore, #tpu.memory_space<semaphore_mem>>) src(%dma_wait3A_52 : memref<10000x128xf32, #tpu.memory_space<hbm>>) dst(%arg11 : memref<128x128xf32, #tpu.memory_space<vmem>>)
        "tpu.region"() ({
          %run_scoped3A = tpu.sem_alloc : memref<!tpu.dma_semaphore, #tpu.memory_space<semaphore_mem>>
          %dma_start3A_53 = arith.constant 0 : i32
          %dma_start3A_54 = arith.constant 0 : i32
          %dma_start3A_55 = tpu.memref_slice %arg13[%dma_start3A_53, %dma_start3A_54] : memref<10240x128xf32, #tpu.memory_space<vmem_shared>> -> memref<10240x128xf32, #tpu.memory_space<vmem_shared>>
          tpu.enqueue_indirect_dma source(%arg11 : memref<128x128xf32, #tpu.memory_space<vmem>>) target(%dma_start3A_55 : memref<10240x128xf32, #tpu.memory_space<vmem_shared>>) offsets(%arg10 : memref<128xi32, #tpu.memory_space<vmem>>) semaphore(%run_scoped3A : memref<!tpu.dma_semaphore, #tpu.memory_space<semaphore_mem>>) {add = true}
          %dma_wait3A_56 = arith.constant 0 : i32
          %dma_wait3A_57 = arith.constant 0 : i32
          %dma_wait3A_58 = tpu.memref_slice %arg13[%dma_wait3A_56, %dma_wait3A_57] : memref<10240x128xf32, #tpu.memory_space<vmem_shared>> -> memref<10240x128xf32, #tpu.memory_space<vmem_shared>>
          tpu.wait_indirect_dma semaphore(%run_scoped3A : memref<!tpu.dma_semaphore, #tpu.memory_space<semaphore_mem>>) src(%arg11 : memref<128x128xf32, #tpu.memory_space<vmem>>) dst(%dma_wait3A_58 : memref<10240x128xf32, #tpu.memory_space<vmem_shared>>)
          tpu.yield
        }) : () -> ()
      }
      %scan3A_31 = arith.constant 162 : i32
      %barrier3A_32 = arith.constant 0 : index
      tpu.barrier barrier_id(%barrier3A_32)
      %mul3A_33 = arith.constant 624 : i32
      %mul3A_34 = arith.muli %arg1, %mul3A_33 : i32
      %mul3A_35 = arith.constant 624 : i32
      %mul3A_36 = arith.muli %arg1, %mul3A_35 : i32
      "tpu.region"() ({
        %run_scoped3A = tpu.sem_alloc : memref<!tpu.dma_semaphore, #tpu.memory_space<semaphore_mem>>
        %dma_start3A = arith.constant 0 : i32
        %dma_start3A_42 = tpu.memref_slice %arg7[%mul3A_36, %dma_start3A] : memref<10000x128xf32, #tpu.memory_space<hbm>> -> memref<624x128xf32, #tpu.memory_space<hbm>>
        %dma_start3A_43 = arith.constant 0 : i32
        %dma_start3A_44 = tpu.memref_slice %arg13[%mul3A_34, %dma_start3A_43] : memref<10240x128xf32, #tpu.memory_space<vmem_shared>> -> memref<624x128xf32, #tpu.memory_space<vmem_shared>>
        tpu.enqueue_dma source(%dma_start3A_44 : memref<624x128xf32, #tpu.memory_space<vmem_shared>>) target(%dma_start3A_42 : memref<624x128xf32, #tpu.memory_space<hbm>>) target_semaphore(%run_scoped3A : memref<!tpu.dma_semaphore, #tpu.memory_space<semaphore_mem>>)
        %dma_wait3A = arith.constant 0 : i32
        %dma_wait3A_45 = tpu.memref_slice %arg7[%mul3A_36, %dma_wait3A] : memref<10000x128xf32, #tpu.memory_space<hbm>> -> memref<624x128xf32, #tpu.memory_space<hbm>>
        %dma_wait3A_46 = arith.constant 0 : i32
        %dma_wait3A_47 = tpu.memref_slice %arg13[%mul3A_34, %dma_wait3A_46] : memref<10240x128xf32, #tpu.memory_space<vmem_shared>> -> memref<624x128xf32, #tpu.memory_space<vmem_shared>>
        tpu.wait_dma2 semaphore(%run_scoped3A : memref<!tpu.dma_semaphore, #tpu.memory_space<semaphore_mem>>) src(%dma_wait3A_47 : memref<624x128xf32, #tpu.memory_space<vmem_shared>>) dst(%dma_wait3A_45 : memref<624x128xf32, #tpu.memory_space<hbm>>)
        tpu.yield
      }) : () -> ()
      %eq3A_37 = arith.constant 0 : i32
      %eq3A_38 = arith.cmpi eq, %arg1, %eq3A_37 : i32
      %convert_element_type3A_39 = arith.extui %eq3A_38 : i1 to i32
      %cond3A_40 = arith.constant 0 : i32
      %cond3A_41 = arith.cmpi ne, %convert_element_type3A_39, %cond3A_40 : i32
      scf.if %cond3A_41 {
        "tpu.region"() ({
          %run_scoped3A = tpu.sem_alloc : memref<!tpu.dma_semaphore, #tpu.memory_space<semaphore_mem>>
          %dma_start3A = arith.constant 9984 : i32
          %dma_start3A_42 = arith.constant 0 : i32
          %dma_start3A_43 = tpu.memref_slice %arg7[%dma_start3A, %dma_start3A_42] : memref<10000x128xf32, #tpu.memory_space<hbm>> -> memref<16x128xf32, #tpu.memory_space<hbm>>
          %dma_start3A_44 = arith.constant 9984 : i32
          %dma_start3A_45 = arith.constant 0 : i32
          %dma_start3A_46 = tpu.memref_slice %arg13[%dma_start3A_44, %dma_start3A_45] : memref<10240x128xf32, #tpu.memory_space<vmem_shared>> -> memref<16x128xf32, #tpu.memory_space<vmem_shared>>
          tpu.enqueue_dma source(%dma_start3A_46 : memref<16x128xf32, #tpu.memory_space<vmem_shared>>) target(%dma_start3A_43 : memref<16x128xf32, #tpu.memory_space<hbm>>) target_semaphore(%run_scoped3A : memref<!tpu.dma_semaphore, #tpu.memory_space<semaphore_mem>>)
          %dma_wait3A = arith.constant 9984 : i32
          %dma_wait3A_47 = arith.constant 0 : i32
          %dma_wait3A_48 = tpu.memref_slice %arg7[%dma_wait3A, %dma_wait3A_47] : memref<10000x128xf32, #tpu.memory_space<hbm>> -> memref<16x128xf32, #tpu.memory_space<hbm>>
          %dma_wait3A_49 = arith.constant 9984 : i32
          %dma_wait3A_50 = arith.constant 0 : i32
          %dma_wait3A_51 = tpu.memref_slice %arg13[%dma_wait3A_49, %dma_wait3A_50] : memref<10240x128xf32, #tpu.memory_space<vmem_shared>> -> memref<16x128xf32, #tpu.memory_space<vmem_shared>>
          tpu.wait_dma2 semaphore(%run_scoped3A : memref<!tpu.dma_semaphore, #tpu.memory_space<semaphore_mem>>) src(%dma_wait3A_51 : memref<16x128xf32, #tpu.memory_space<vmem_shared>>) dst(%dma_wait3A_48 : memref<16x128xf32, #tpu.memory_space<hbm>>)
          tpu.yield
        }) : () -> ()
      } else {
      }
    } else {
    }
    %eq3A_22 = arith.constant 1 : i32
    %eq3A_23 = arith.cmpi eq, %arg0, %eq3A_22 : i32
    %convert_element_type3A_24 = arith.extui %eq3A_23 : i1 to i32
    %cond3A_25 = arith.constant 0 : i32
    %cond3A_26 = arith.cmpi ne, %convert_element_type3A_24, %cond3A_25 : i32
    scf.if %cond3A_26 {
      %scan3A = arith.constant 0 : i32
      %scan3A_27 = arith.constant 0 : i32
      %scan3A_28 = arith.constant 162 : i32
      %scan3A_29 = arith.addi %scan3A_27, %scan3A_28 : i32
      %scan3A_30 = arith.constant 1 : i32
      scf.for %scan3A_42 = %scan3A_27 to %scan3A_29 step %scan3A_30  : i32 {
        %mul3A_43 = arith.constant 128 : i32
        %mul3A_44 = arith.muli %scan3A_42, %mul3A_43 : i32
        %add3A_45 = arith.addi %mul3A_0, %mul3A_44 : i32
        "tpu.region"() ({
          %run_scoped3A = tpu.sem_alloc : memref<!tpu.dma_semaphore, #tpu.memory_space<semaphore_mem>>
          %dma_start3A_53 = tpu.memref_slice %arg2[%add3A_45] : memref<331776xi32, #tpu.memory_space<hbm>> -> memref<128xi32, #tpu.memory_space<hbm>>
          %dma_start3A_54 = tpu.memref_slice %arg2[%add3A_45] : memref<331776xi32, #tpu.memory_space<hbm>> -> memref<128xi32, #tpu.memory_space<hbm>>
          tpu.enqueue_dma source(%dma_start3A_54 : memref<128xi32, #tpu.memory_space<hbm>>) target(%arg9 : memref<128xi32, #tpu.memory_space<vmem>>) target_semaphore(%run_scoped3A : memref<!tpu.dma_semaphore, #tpu.memory_space<semaphore_mem>>)
          %dma_wait3A_55 = tpu.memref_slice %arg2[%add3A_45] : memref<331776xi32, #tpu.memory_space<hbm>> -> memref<128xi32, #tpu.memory_space<hbm>>
          %dma_wait3A_56 = tpu.memref_slice %arg2[%add3A_45] : memref<331776xi32, #tpu.memory_space<hbm>> -> memref<128xi32, #tpu.memory_space<hbm>>
          tpu.wait_dma2 semaphore(%run_scoped3A : memref<!tpu.dma_semaphore, #tpu.memory_space<semaphore_mem>>) src(%dma_wait3A_56 : memref<128xi32, #tpu.memory_space<hbm>>) dst(%arg9 : memref<128xi32, #tpu.memory_space<vmem>>)
          tpu.yield
        }) : () -> ()
        %mul3A_46 = arith.constant 128 : i32
        %mul3A_47 = arith.muli %scan3A_42, %mul3A_46 : i32
        %add3A_48 = arith.addi %mul3A_0, %mul3A_47 : i32
        "tpu.region"() ({
          %run_scoped3A = tpu.sem_alloc : memref<!tpu.dma_semaphore, #tpu.memory_space<semaphore_mem>>
          %dma_start3A_53 = tpu.memref_slice %arg3[%add3A_48] : memref<331776xi32, #tpu.memory_space<hbm>> -> memref<128xi32, #tpu.memory_space<hbm>>
          %dma_start3A_54 = tpu.memref_slice %arg3[%add3A_48] : memref<331776xi32, #tpu.memory_space<hbm>> -> memref<128xi32, #tpu.memory_space<hbm>>
          tpu.enqueue_dma source(%dma_start3A_54 : memref<128xi32, #tpu.memory_space<hbm>>) target(%arg10 : memref<128xi32, #tpu.memory_space<vmem>>) target_semaphore(%run_scoped3A : memref<!tpu.dma_semaphore, #tpu.memory_space<semaphore_mem>>)
          %dma_wait3A_55 = tpu.memref_slice %arg3[%add3A_48] : memref<331776xi32, #tpu.memory_space<hbm>> -> memref<128xi32, #tpu.memory_space<hbm>>
          %dma_wait3A_56 = tpu.memref_slice %arg3[%add3A_48] : memref<331776xi32, #tpu.memory_space<hbm>> -> memref<128xi32, #tpu.memory_space<hbm>>
          tpu.wait_dma2 semaphore(%run_scoped3A : memref<!tpu.dma_semaphore, #tpu.memory_space<semaphore_mem>>) src(%dma_wait3A_56 : memref<128xi32, #tpu.memory_space<hbm>>) dst(%arg10 : memref<128xi32, #tpu.memory_space<vmem>>)
          tpu.yield
        }) : () -> ()
        %dma_start3A = arith.constant 0 : i32
        %dma_start3A_49 = arith.constant 0 : i32
        %dma_start3A_50 = tpu.memref_slice %arg5[%dma_start3A, %dma_start3A_49] : memref<10000x128xf32, #tpu.memory_space<hbm>> -> memref<10000x128xf32, #tpu.memory_space<hbm>>
        tpu.enqueue_indirect_dma source(%dma_start3A_50 : memref<10000x128xf32, #tpu.memory_space<hbm>>) target(%arg11 : memref<128x128xf32, #tpu.memory_space<vmem>>) offsets(%arg9 : memref<128xi32, #tpu.memory_space<vmem>>) semaphore(%arg14 : memref<!tpu.dma_semaphore, #tpu.memory_space<semaphore_mem>>)
        %dma_wait3A = arith.constant 0 : i32
        %dma_wait3A_51 = arith.constant 0 : i32
        %dma_wait3A_52 = tpu.memref_slice %arg5[%dma_wait3A, %dma_wait3A_51] : memref<10000x128xf32, #tpu.memory_space<hbm>> -> memref<10000x128xf32, #tpu.memory_space<hbm>>
        tpu.wait_indirect_dma semaphore(%arg14 : memref<!tpu.dma_semaphore, #tpu.memory_space<semaphore_mem>>) src(%dma_wait3A_52 : memref<10000x128xf32, #tpu.memory_space<hbm>>) dst(%arg11 : memref<128x128xf32, #tpu.memory_space<vmem>>)
        "tpu.region"() ({
          %run_scoped3A = tpu.sem_alloc : memref<!tpu.dma_semaphore, #tpu.memory_space<semaphore_mem>>
          %dma_start3A_53 = arith.constant 0 : i32
          %dma_start3A_54 = arith.constant 0 : i32
          %dma_start3A_55 = tpu.memref_slice %arg13[%dma_start3A_53, %dma_start3A_54] : memref<10240x128xf32, #tpu.memory_space<vmem_shared>> -> memref<10240x128xf32, #tpu.memory_space<vmem_shared>>
          tpu.enqueue_indirect_dma source(%arg11 : memref<128x128xf32, #tpu.memory_space<vmem>>) target(%dma_start3A_55 : memref<10240x128xf32, #tpu.memory_space<vmem_shared>>) offsets(%arg10 : memref<128xi32, #tpu.memory_space<vmem>>) semaphore(%run_scoped3A : memref<!tpu.dma_semaphore, #tpu.memory_space<semaphore_mem>>) {add = true}
          %dma_wait3A_56 = arith.constant 0 : i32
          %dma_wait3A_57 = arith.constant 0 : i32
          %dma_wait3A_58 = tpu.memref_slice %arg13[%dma_wait3A_56, %dma_wait3A_57] : memref<10240x128xf32, #tpu.memory_space<vmem_shared>> -> memref<10240x128xf32, #tpu.memory_space<vmem_shared>>
          tpu.wait_indirect_dma semaphore(%run_scoped3A : memref<!tpu.dma_semaphore, #tpu.memory_space<semaphore_mem>>) src(%arg11 : memref<128x128xf32, #tpu.memory_space<vmem>>) dst(%dma_wait3A_58 : memref<10240x128xf32, #tpu.memory_space<vmem_shared>>)
          tpu.yield
        }) : () -> ()
      }
      %scan3A_31 = arith.constant 162 : i32
      %barrier3A_32 = arith.constant 0 : index
      tpu.barrier barrier_id(%barrier3A_32)
      %mul3A_33 = arith.constant 624 : i32
      %mul3A_34 = arith.muli %arg1, %mul3A_33 : i32
      %mul3A_35 = arith.constant 624 : i32
      %mul3A_36 = arith.muli %arg1, %mul3A_35 : i32
      "tpu.region"() ({
        %run_scoped3A = tpu.sem_alloc : memref<!tpu.dma_semaphore, #tpu.memory_space<semaphore_mem>>
        %dma_start3A = arith.constant 0 : i32
        %dma_start3A_42 = tpu.memref_slice %arg8[%mul3A_36, %dma_start3A] : memref<10000x128xf32, #tpu.memory_space<hbm>> -> memref<624x128xf32, #tpu.memory_space<hbm>>
        %dma_start3A_43 = arith.constant 0 : i32
        %dma_start3A_44 = tpu.memref_slice %arg13[%mul3A_34, %dma_start3A_43] : memref<10240x128xf32, #tpu.memory_space<vmem_shared>> -> memref<624x128xf32, #tpu.memory_space<vmem_shared>>
        tpu.enqueue_dma source(%dma_start3A_44 : memref<624x128xf32, #tpu.memory_space<vmem_shared>>) target(%dma_start3A_42 : memref<624x128xf32, #tpu.memory_space<hbm>>) target_semaphore(%run_scoped3A : memref<!tpu.dma_semaphore, #tpu.memory_space<semaphore_mem>>)
        %dma_wait3A = arith.constant 0 : i32
        %dma_wait3A_45 = tpu.memref_slice %arg8[%mul3A_36, %dma_wait3A] : memref<10000x128xf32, #tpu.memory_space<hbm>> -> memref<624x128xf32, #tpu.memory_space<hbm>>
        %dma_wait3A_46 = arith.constant 0 : i32
        %dma_wait3A_47 = tpu.memref_slice %arg13[%mul3A_34, %dma_wait3A_46] : memref<10240x128xf32, #tpu.memory_space<vmem_shared>> -> memref<624x128xf32, #tpu.memory_space<vmem_shared>>
        tpu.wait_dma2 semaphore(%run_scoped3A : memref<!tpu.dma_semaphore, #tpu.memory_space<semaphore_mem>>) src(%dma_wait3A_47 : memref<624x128xf32, #tpu.memory_space<vmem_shared>>) dst(%dma_wait3A_45 : memref<624x128xf32, #tpu.memory_space<hbm>>)
        tpu.yield
      }) : () -> ()
      %eq3A_37 = arith.constant 0 : i32
      %eq3A_38 = arith.cmpi eq, %arg1, %eq3A_37 : i32
      %convert_element_type3A_39 = arith.extui %eq3A_38 : i1 to i32
      %cond3A_40 = arith.constant 0 : i32
      %cond3A_41 = arith.cmpi ne, %convert_element_type3A_39, %cond3A_40 : i32
      scf.if %cond3A_41 {
        "tpu.region"() ({
          %run_scoped3A = tpu.sem_alloc : memref<!tpu.dma_semaphore, #tpu.memory_space<semaphore_mem>>
          %dma_start3A = arith.constant 9984 : i32
          %dma_start3A_42 = arith.constant 0 : i32
          %dma_start3A_43 = tpu.memref_slice %arg8[%dma_start3A, %dma_start3A_42] : memref<10000x128xf32, #tpu.memory_space<hbm>> -> memref<16x128xf32, #tpu.memory_space<hbm>>
          %dma_start3A_44 = arith.constant 9984 : i32
          %dma_start3A_45 = arith.constant 0 : i32
          %dma_start3A_46 = tpu.memref_slice %arg13[%dma_start3A_44, %dma_start3A_45] : memref<10240x128xf32, #tpu.memory_space<vmem_shared>> -> memref<16x128xf32, #tpu.memory_space<vmem_shared>>
          tpu.enqueue_dma source(%dma_start3A_46 : memref<16x128xf32, #tpu.memory_space<vmem_shared>>) target(%dma_start3A_43 : memref<16x128xf32, #tpu.memory_space<hbm>>) target_semaphore(%run_scoped3A : memref<!tpu.dma_semaphore, #tpu.memory_space<semaphore_mem>>)
          %dma_wait3A = arith.constant 9984 : i32
          %dma_wait3A_47 = arith.constant 0 : i32
          %dma_wait3A_48 = tpu.memref_slice %arg8[%dma_wait3A, %dma_wait3A_47] : memref<10000x128xf32, #tpu.memory_space<hbm>> -> memref<16x128xf32, #tpu.memory_space<hbm>>
          %dma_wait3A_49 = arith.constant 9984 : i32
          %dma_wait3A_50 = arith.constant 0 : i32
          %dma_wait3A_51 = tpu.memref_slice %arg13[%dma_wait3A_49, %dma_wait3A_50] : memref<10240x128xf32, #tpu.memory_space<vmem_shared>> -> memref<16x128xf32, #tpu.memory_space<vmem_shared>>
          tpu.wait_dma2 semaphore(%run_scoped3A : memref<!tpu.dma_semaphore, #tpu.memory_space<semaphore_mem>>) src(%dma_wait3A_51 : memref<16x128xf32, #tpu.memory_space<vmem_shared>>) dst(%dma_wait3A_48 : memref<16x128xf32, #tpu.memory_space<hbm>>)
          tpu.yield
        }) : () -> ()
      } else {
      }
    } else {
    }
    return
  }
}

module attributes {stable_mosaic.version = 14 : i64} {
  func.func @_tc_pre_body(%arg0: memref<10000x128xf32, #tpu.memory_space<vmem>>, %arg1: memref<1x128xf32, #tpu.memory_space<vmem>>, %arg2: memref<1x128xf32, #tpu.memory_space<vmem>>, %arg3: memref<128x256xf32, #tpu.memory_space<vmem>>, %arg4: memref<10000x128xf32, #tpu.memory_space<vmem>>, %arg5: memref<10000x128xf32, #tpu.memory_space<vmem>>, %arg6: memref<10000x128xf32, #tpu.memory_space<vmem>>) attributes {dimension_semantics = [], scalar_prefetch = 0 : i64, scratch_operands = 0 : i64, tpu.core_type = #tpu.core_type<tc>} {
    %get3A = arith.constant 0 : index
    %get3A_0 = arith.constant 0 : index
    %get3A_1 = vector.load %arg0[%get3A, %get3A_0] : memref<10000x128xf32, #tpu.memory_space<vmem>>, vector<10000x128xf32>
    %reduce_sum3A = arith.constant dense<0.000000e+00> : vector<128xf32>
    %reduce_sum3A_2 = vector.multi_reduction <add>, %get3A_1, %reduce_sum3A [0] : vector<10000x128xf32> to vector<128xf32>
    %broadcast_in_dim3A = vector.shape_cast %reduce_sum3A_2 : vector<128xf32> to vector<1x128xf32>
    %div3A = arith.constant 1.000000e+04 : f32
    %div3A_3 = vector.broadcast %div3A : f32 to vector<1x128xf32>
    %div3A_4 = arith.divf %broadcast_in_dim3A, %div3A_3 : vector<1x128xf32>
    %sub3A = vector.broadcast %div3A_4 : vector<1x128xf32> to vector<10000x128xf32>
    %sub3A_5 = arith.subf %get3A_1, %sub3A : vector<10000x128xf32>
    %sub3A_6 = vector.broadcast %div3A_4 : vector<1x128xf32> to vector<10000x128xf32>
    %sub3A_7 = arith.subf %get3A_1, %sub3A_6 : vector<10000x128xf32>
    %mul3A = arith.mulf %sub3A_5, %sub3A_7 : vector<10000x128xf32>
    %reduce_sum3A_8 = arith.constant dense<0.000000e+00> : vector<128xf32>
    %reduce_sum3A_9 = vector.multi_reduction <add>, %mul3A, %reduce_sum3A_8 [0] : vector<10000x128xf32> to vector<128xf32>
    %broadcast_in_dim3A_10 = vector.shape_cast %reduce_sum3A_9 : vector<128xf32> to vector<1x128xf32>
    %div3A_11 = arith.constant 1.000000e+04 : f32
    %div3A_12 = vector.broadcast %div3A_11 : f32 to vector<1x128xf32>
    %div3A_13 = arith.divf %broadcast_in_dim3A_10, %div3A_12 : vector<1x128xf32>
    %sub3A_14 = vector.broadcast %div3A_4 : vector<1x128xf32> to vector<10000x128xf32>
    %sub3A_15 = arith.subf %get3A_1, %sub3A_14 : vector<10000x128xf32>
    %add3A = arith.constant 9.99999974E-6 : f32
    %add3A_16 = vector.broadcast %add3A : f32 to vector<1x128xf32>
    %add3A_17 = arith.addf %div3A_13, %add3A_16 : vector<1x128xf32>
    %sqrt3A = math.sqrt %add3A_17 : vector<1x128xf32>
    %div3A_18 = vector.broadcast %sqrt3A : vector<1x128xf32> to vector<10000x128xf32>
    %div3A_19 = arith.divf %sub3A_15, %div3A_18 : vector<10000x128xf32>
    %get3A_20 = arith.constant 0 : index
    %get3A_21 = arith.constant 0 : index
    %get3A_22 = vector.load %arg1[%get3A_20, %get3A_21] : memref<1x128xf32, #tpu.memory_space<vmem>>, vector<1x128xf32>
    %mul3A_23 = vector.broadcast %get3A_22 : vector<1x128xf32> to vector<10000x128xf32>
    %mul3A_24 = arith.mulf %div3A_19, %mul3A_23 : vector<10000x128xf32>
    %get3A_25 = arith.constant 0 : index
    %get3A_26 = arith.constant 0 : index
    %get3A_27 = vector.load %arg2[%get3A_25, %get3A_26] : memref<1x128xf32, #tpu.memory_space<vmem>>, vector<1x128xf32>
    %add3A_28 = vector.broadcast %get3A_27 : vector<1x128xf32> to vector<10000x128xf32>
    %add3A_29 = arith.addf %mul3A_24, %add3A_28 : vector<10000x128xf32>
    %get3A_30 = arith.constant 0 : index
    %get3A_31 = arith.constant 0 : index
    %get3A_32 = vector.load %arg4[%get3A_30, %get3A_31] : memref<10000x128xf32, #tpu.memory_space<vmem>>, vector<10000x128xf32>
    %slice3A = vector.extract_strided_slice %get3A_32 {offsets = [0, 0], sizes = [10000, 1], strides = [1, 1]} : vector<10000x128xf32> to vector<10000x1xf32>
    %max3A = arith.constant 1.000000e+00 : f32
    %max3A_33 = vector.broadcast %max3A : f32 to vector<10000x1xf32>
    %max3A_34 = arith.maximumf %slice3A, %max3A_33 : vector<10000x1xf32>
    %rsqrt3A = math.rsqrt %max3A_34 : vector<10000x1xf32>
    %get3A_35 = arith.constant 0 : index
    %get3A_36 = arith.constant 0 : index
    %get3A_37 = vector.load %arg3[%get3A_35, %get3A_36] : memref<128x256xf32, #tpu.memory_space<vmem>>, vector<128x256xf32>
    %dot_general3A = arith.constant dense<0.000000e+00> : vector<10000x256xf32>
    %dot_general3A_38 = tpu.matmul %add3A_29, %get3A_37, %dot_general3A {dimension_numbers = #tpu.dot_dimension_numbers<[1], [0], [0], [1], [0, 0, 1, 1], [], []>, transpose_lhs_hint = false} : vector<10000x128xf32>, vector<128x256xf32>, vector<10000x256xf32> -> vector<10000x256xf32>
    %mul3A_39 = vector.broadcast %rsqrt3A : vector<10000x1xf32> to vector<10000x256xf32>
    %mul3A_40 = arith.mulf %dot_general3A_38, %mul3A_39 : vector<10000x256xf32>
    %slice3A_41 = vector.extract_strided_slice %mul3A_40 {offsets = [0, 0], sizes = [10000, 128], strides = [1, 1]} : vector<10000x256xf32> to vector<10000x128xf32>
    %swap3A = arith.constant 0 : index
    %swap3A_42 = arith.constant 0 : index
    %swap3A_43 = vector.load %arg5[%swap3A, %swap3A_42] : memref<10000x128xf32, #tpu.memory_space<vmem>>, vector<10000x128xf32>
    tpu.vector_store %arg5[%swap3A, %swap3A_42], %slice3A_41 {strides = array<i32>} : memref<10000x128xf32, #tpu.memory_space<vmem>>, vector<10000x128xf32>,
    %slice3A_44 = vector.extract_strided_slice %mul3A_40 {offsets = [0, 128], sizes = [10000, 128], strides = [1, 1]} : vector<10000x256xf32> to vector<10000x128xf32>
    %swap3A_45 = arith.constant 0 : index
    %swap3A_46 = arith.constant 0 : index
    %swap3A_47 = vector.load %arg6[%swap3A_45, %swap3A_46] : memref<10000x128xf32, #tpu.memory_space<vmem>>, vector<10000x128xf32>
    tpu.vector_store %arg6[%swap3A_45, %swap3A_46], %slice3A_44 {strides = array<i32>} : memref<10000x128xf32, #tpu.memory_space<vmem>>, vector<10000x128xf32>,
    return
  }
}

module attributes {stable_mosaic.version = 14 : i64} {
  func.func @_tc_post_body(%arg0: memref<10000x128xf32, #tpu.memory_space<vmem>>, %arg1: memref<10000x128xf32, #tpu.memory_space<vmem>>, %arg2: memref<10000x128xf32, #tpu.memory_space<vmem>>, %arg3: memref<1x256xf32, #tpu.memory_space<vmem>>, %arg4: memref<1x256xf32, #tpu.memory_space<vmem>>, %arg5: memref<1x256xf32, #tpu.memory_space<vmem>>, %arg6: memref<256x5xf32, #tpu.memory_space<vmem>>, %arg7: memref<1x5xf32, #tpu.memory_space<vmem>>, %arg8: memref<10000x5xf32, #tpu.memory_space<vmem>>) attributes {dimension_semantics = [], scalar_prefetch = 0 : i64, scratch_operands = 0 : i64, tpu.core_type = #tpu.core_type<tc>} {
    %get3A = arith.constant 0 : index
    %get3A_0 = arith.constant 0 : index
    %get3A_1 = vector.load %arg2[%get3A, %get3A_0] : memref<10000x128xf32, #tpu.memory_space<vmem>>, vector<10000x128xf32>
    %slice3A = vector.extract_strided_slice %get3A_1 {offsets = [0, 0], sizes = [10000, 1], strides = [1, 1]} : vector<10000x128xf32> to vector<10000x1xf32>
    %max3A = arith.constant 1.000000e+00 : f32
    %max3A_2 = vector.broadcast %max3A : f32 to vector<10000x1xf32>
    %max3A_3 = arith.maximumf %slice3A, %max3A_2 : vector<10000x1xf32>
    %rsqrt3A = math.rsqrt %max3A_3 : vector<10000x1xf32>
    %get3A_4 = arith.constant 0 : index
    %get3A_5 = arith.constant 0 : index
    %get3A_6 = vector.load %arg3[%get3A_4, %get3A_5] : memref<1x256xf32, #tpu.memory_space<vmem>>, vector<1x256xf32>
    %get3A_7 = arith.constant 0 : index
    %get3A_8 = arith.constant 0 : index
    %get3A_9 = vector.load %arg4[%get3A_7, %get3A_8] : memref<1x256xf32, #tpu.memory_space<vmem>>, vector<1x256xf32>
    %get3A_10 = arith.constant 0 : index
    %get3A_11 = arith.constant 0 : index
    %get3A_12 = vector.load %arg5[%get3A_10, %get3A_11] : memref<1x256xf32, #tpu.memory_space<vmem>>, vector<1x256xf32>
    %get3A_13 = arith.constant 0 : index
    %get3A_14 = arith.constant 0 : index
    %get3A_15 = vector.load %arg0[%get3A_13, %get3A_14] : memref<10000x128xf32, #tpu.memory_space<vmem>>, vector<10000x128xf32>
    %mul3A = vector.broadcast %rsqrt3A : vector<10000x1xf32> to vector<10000x128xf32>
    %mul3A_16 = arith.mulf %get3A_15, %mul3A : vector<10000x128xf32>
    %slice3A_17 = vector.extract_strided_slice %get3A_6 {offsets = [0, 0], sizes = [1, 128], strides = [1, 1]} : vector<1x256xf32> to vector<1x128xf32>
    %add3A = vector.broadcast %slice3A_17 : vector<1x128xf32> to vector<10000x128xf32>
    %add3A_18 = arith.addf %mul3A_16, %add3A : vector<10000x128xf32>
    %reduce_sum3A = arith.constant dense<0.000000e+00> : vector<128xf32>
    %reduce_sum3A_19 = vector.multi_reduction <add>, %add3A_18, %reduce_sum3A [0] : vector<10000x128xf32> to vector<128xf32>
    %broadcast_in_dim3A = vector.shape_cast %reduce_sum3A_19 : vector<128xf32> to vector<1x128xf32>
    %div3A = arith.constant 1.000000e+04 : f32
    %div3A_20 = vector.broadcast %div3A : f32 to vector<1x128xf32>
    %div3A_21 = arith.divf %broadcast_in_dim3A, %div3A_20 : vector<1x128xf32>
    %sub3A = vector.broadcast %div3A_21 : vector<1x128xf32> to vector<10000x128xf32>
    %sub3A_22 = arith.subf %add3A_18, %sub3A : vector<10000x128xf32>
    %sub3A_23 = vector.broadcast %div3A_21 : vector<1x128xf32> to vector<10000x128xf32>
    %sub3A_24 = arith.subf %add3A_18, %sub3A_23 : vector<10000x128xf32>
    %mul3A_25 = arith.mulf %sub3A_22, %sub3A_24 : vector<10000x128xf32>
    %reduce_sum3A_26 = arith.constant dense<0.000000e+00> : vector<128xf32>
    %reduce_sum3A_27 = vector.multi_reduction <add>, %mul3A_25, %reduce_sum3A_26 [0] : vector<10000x128xf32> to vector<128xf32>
    %broadcast_in_dim3A_28 = vector.shape_cast %reduce_sum3A_27 : vector<128xf32> to vector<1x128xf32>
    %div3A_29 = arith.constant 1.000000e+04 : f32
    %div3A_30 = vector.broadcast %div3A_29 : f32 to vector<1x128xf32>
    %div3A_31 = arith.divf %broadcast_in_dim3A_28, %div3A_30 : vector<1x128xf32>
    %sub3A_32 = vector.broadcast %div3A_21 : vector<1x128xf32> to vector<10000x128xf32>
    %sub3A_33 = arith.subf %add3A_18, %sub3A_32 : vector<10000x128xf32>
    %add3A_34 = arith.constant 9.99999974E-6 : f32
    %add3A_35 = vector.broadcast %add3A_34 : f32 to vector<1x128xf32>
    %add3A_36 = arith.addf %div3A_31, %add3A_35 : vector<1x128xf32>
    %sqrt3A = math.sqrt %add3A_36 : vector<1x128xf32>
    %div3A_37 = vector.broadcast %sqrt3A : vector<1x128xf32> to vector<10000x128xf32>
    %div3A_38 = arith.divf %sub3A_33, %div3A_37 : vector<10000x128xf32>
    %slice3A_39 = vector.extract_strided_slice %get3A_9 {offsets = [0, 0], sizes = [1, 128], strides = [1, 1]} : vector<1x256xf32> to vector<1x128xf32>
    %mul3A_40 = vector.broadcast %slice3A_39 : vector<1x128xf32> to vector<10000x128xf32>
    %mul3A_41 = arith.mulf %div3A_38, %mul3A_40 : vector<10000x128xf32>
    %slice3A_42 = vector.extract_strided_slice %get3A_12 {offsets = [0, 0], sizes = [1, 128], strides = [1, 1]} : vector<1x256xf32> to vector<1x128xf32>
    %add3A_43 = vector.broadcast %slice3A_42 : vector<1x128xf32> to vector<10000x128xf32>
    %add3A_44 = arith.addf %mul3A_41, %add3A_43 : vector<10000x128xf32>
    %get3A_45 = arith.constant 0 : index
    %get3A_46 = arith.constant 0 : index
    %get3A_47 = vector.load %arg1[%get3A_45, %get3A_46] : memref<10000x128xf32, #tpu.memory_space<vmem>>, vector<10000x128xf32>
    %mul3A_48 = vector.broadcast %rsqrt3A : vector<10000x1xf32> to vector<10000x128xf32>
    %mul3A_49 = arith.mulf %get3A_47, %mul3A_48 : vector<10000x128xf32>
    %slice3A_50 = vector.extract_strided_slice %get3A_6 {offsets = [0, 128], sizes = [1, 128], strides = [1, 1]} : vector<1x256xf32> to vector<1x128xf32>
    %add3A_51 = vector.broadcast %slice3A_50 : vector<1x128xf32> to vector<10000x128xf32>
    %add3A_52 = arith.addf %mul3A_49, %add3A_51 : vector<10000x128xf32>
    %reduce_sum3A_53 = arith.constant dense<0.000000e+00> : vector<128xf32>
    %reduce_sum3A_54 = vector.multi_reduction <add>, %add3A_52, %reduce_sum3A_53 [0] : vector<10000x128xf32> to vector<128xf32>
    %broadcast_in_dim3A_55 = vector.shape_cast %reduce_sum3A_54 : vector<128xf32> to vector<1x128xf32>
    %div3A_56 = arith.constant 1.000000e+04 : f32
    %div3A_57 = vector.broadcast %div3A_56 : f32 to vector<1x128xf32>
    %div3A_58 = arith.divf %broadcast_in_dim3A_55, %div3A_57 : vector<1x128xf32>
    %sub3A_59 = vector.broadcast %div3A_58 : vector<1x128xf32> to vector<10000x128xf32>
    %sub3A_60 = arith.subf %add3A_52, %sub3A_59 : vector<10000x128xf32>
    %sub3A_61 = vector.broadcast %div3A_58 : vector<1x128xf32> to vector<10000x128xf32>
    %sub3A_62 = arith.subf %add3A_52, %sub3A_61 : vector<10000x128xf32>
    %mul3A_63 = arith.mulf %sub3A_60, %sub3A_62 : vector<10000x128xf32>
    %reduce_sum3A_64 = arith.constant dense<0.000000e+00> : vector<128xf32>
    %reduce_sum3A_65 = vector.multi_reduction <add>, %mul3A_63, %reduce_sum3A_64 [0] : vector<10000x128xf32> to vector<128xf32>
    %broadcast_in_dim3A_66 = vector.shape_cast %reduce_sum3A_65 : vector<128xf32> to vector<1x128xf32>
    %div3A_67 = arith.constant 1.000000e+04 : f32
    %div3A_68 = vector.broadcast %div3A_67 : f32 to vector<1x128xf32>
    %div3A_69 = arith.divf %broadcast_in_dim3A_66, %div3A_68 : vector<1x128xf32>
    %sub3A_70 = vector.broadcast %div3A_58 : vector<1x128xf32> to vector<10000x128xf32>
    %sub3A_71 = arith.subf %add3A_52, %sub3A_70 : vector<10000x128xf32>
    %add3A_72 = arith.constant 9.99999974E-6 : f32
    %add3A_73 = vector.broadcast %add3A_72 : f32 to vector<1x128xf32>
    %add3A_74 = arith.addf %div3A_69, %add3A_73 : vector<1x128xf32>
    %sqrt3A_75 = math.sqrt %add3A_74 : vector<1x128xf32>
    %div3A_76 = vector.broadcast %sqrt3A_75 : vector<1x128xf32> to vector<10000x128xf32>
    %div3A_77 = arith.divf %sub3A_71, %div3A_76 : vector<10000x128xf32>
    %slice3A_78 = vector.extract_strided_slice %get3A_9 {offsets = [0, 128], sizes = [1, 128], strides = [1, 1]} : vector<1x256xf32> to vector<1x128xf32>
    %mul3A_79 = vector.broadcast %slice3A_78 : vector<1x128xf32> to vector<10000x128xf32>
    %mul3A_80 = arith.mulf %div3A_77, %mul3A_79 : vector<10000x128xf32>
    %slice3A_81 = vector.extract_strided_slice %get3A_12 {offsets = [0, 128], sizes = [1, 128], strides = [1, 1]} : vector<1x256xf32> to vector<1x128xf32>
    %add3A_82 = vector.broadcast %slice3A_81 : vector<1x128xf32> to vector<10000x128xf32>
    %add3A_83 = arith.addf %mul3A_80, %add3A_82 : vector<10000x128xf32>
    %get3A_84 = arith.constant 0 : index
    %get3A_85 = arith.constant 0 : index
    %get3A_86 = vector.load %arg6[%get3A_84, %get3A_85] : memref<256x5xf32, #tpu.memory_space<vmem>>, vector<256x5xf32>
    %slice3A_87 = vector.extract_strided_slice %get3A_86 {offsets = [0, 0], sizes = [128, 5], strides = [1, 1]} : vector<256x5xf32> to vector<128x5xf32>
    %dot_general3A = arith.constant dense<0.000000e+00> : vector<10000x5xf32>
    %dot_general3A_88 = tpu.matmul %add3A_44, %slice3A_87, %dot_general3A {dimension_numbers = #tpu.dot_dimension_numbers<[1], [0], [0], [1], [0, 0, 1, 1], [], []>, transpose_lhs_hint = false} : vector<10000x128xf32>, vector<128x5xf32>, vector<10000x5xf32> -> vector<10000x5xf32>
    %slice3A_89 = vector.extract_strided_slice %get3A_86 {offsets = [128, 0], sizes = [128, 5], strides = [1, 1]} : vector<256x5xf32> to vector<128x5xf32>
    %dot_general3A_90 = arith.constant dense<0.000000e+00> : vector<10000x5xf32>
    %dot_general3A_91 = tpu.matmul %add3A_83, %slice3A_89, %dot_general3A_90 {dimension_numbers = #tpu.dot_dimension_numbers<[1], [0], [0], [1], [0, 0, 1, 1], [], []>, transpose_lhs_hint = false} : vector<10000x128xf32>, vector<128x5xf32>, vector<10000x5xf32> -> vector<10000x5xf32>
    %add3A_92 = arith.addf %dot_general3A_88, %dot_general3A_91 : vector<10000x5xf32>
    %get3A_93 = arith.constant 0 : index
    %get3A_94 = arith.constant 0 : index
    %get3A_95 = vector.load %arg7[%get3A_93, %get3A_94] : memref<1x5xf32, #tpu.memory_space<vmem>>, vector<1x5xf32>
    %add3A_96 = vector.broadcast %get3A_95 : vector<1x5xf32> to vector<10000x5xf32>
    %add3A_97 = arith.addf %add3A_92, %add3A_96 : vector<10000x5xf32>
    %logistic3A = arith.negf %add3A_97 : vector<10000x5xf32>
    %logistic3A_98 = math.exp %logistic3A : vector<10000x5xf32>
    %logistic3A_99 = arith.constant 1.000000e+00 : f32
    %logistic3A_100 = vector.broadcast %logistic3A_99 : f32 to vector<10000x5xf32>
    %logistic3A_101 = arith.addf %logistic3A_100, %logistic3A_98 : vector<10000x5xf32>
    %logistic3A_102 = arith.divf %logistic3A_100, %logistic3A_101 : vector<10000x5xf32>
    %swap3A = arith.constant 0 : index
    %swap3A_103 = arith.constant 0 : index
    %swap3A_104 = vector.load %arg8[%swap3A, %swap3A_103] : memref<10000x5xf32, #tpu.memory_space<vmem>>, vector<10000x5xf32>
    tpu.vector_store %arg8[%swap3A, %swap3A_103], %logistic3A_102 {strides = array<i32>} : memref<10000x5xf32, #tpu.memory_space<vmem>>, vector<10000x5xf32>,
    return
  }
}

module attributes {stable_mosaic.version = 14 : i64} {
  func.func @_tc_mid_body(%arg0: memref<10000x128xf32, #tpu.memory_space<vmem>>, %arg1: memref<10000x128xf32, #tpu.memory_space<vmem>>, %arg2: memref<10000x128xf32, #tpu.memory_space<vmem>>, %arg3: memref<1x256xf32, #tpu.memory_space<vmem>>, %arg4: memref<256x256xf32, #tpu.memory_space<vmem>>, %arg5: memref<10000x128xf32, #tpu.memory_space<vmem>>, %arg6: memref<10000x128xf32, #tpu.memory_space<vmem>>) attributes {dimension_semantics = [], scalar_prefetch = 0 : i64, scratch_operands = 0 : i64, tpu.core_type = #tpu.core_type<tc>} {
    %get3A = arith.constant 0 : index
    %get3A_0 = arith.constant 0 : index
    %get3A_1 = vector.load %arg2[%get3A, %get3A_0] : memref<10000x128xf32, #tpu.memory_space<vmem>>, vector<10000x128xf32>
    %slice3A = vector.extract_strided_slice %get3A_1 {offsets = [0, 0], sizes = [10000, 1], strides = [1, 1]} : vector<10000x128xf32> to vector<10000x1xf32>
    %max3A = arith.constant 1.000000e+00 : f32
    %max3A_2 = vector.broadcast %max3A : f32 to vector<10000x1xf32>
    %max3A_3 = arith.maximumf %slice3A, %max3A_2 : vector<10000x1xf32>
    %rsqrt3A = math.rsqrt %max3A_3 : vector<10000x1xf32>
    %get3A_4 = arith.constant 0 : index
    %get3A_5 = arith.constant 0 : index
    %get3A_6 = vector.load %arg3[%get3A_4, %get3A_5] : memref<1x256xf32, #tpu.memory_space<vmem>>, vector<1x256xf32>
    %get3A_7 = arith.constant 0 : index
    %get3A_8 = arith.constant 0 : index
    %get3A_9 = vector.load %arg0[%get3A_7, %get3A_8] : memref<10000x128xf32, #tpu.memory_space<vmem>>, vector<10000x128xf32>
    %mul3A = vector.broadcast %rsqrt3A : vector<10000x1xf32> to vector<10000x128xf32>
    %mul3A_10 = arith.mulf %get3A_9, %mul3A : vector<10000x128xf32>
    %slice3A_11 = vector.extract_strided_slice %get3A_6 {offsets = [0, 0], sizes = [1, 128], strides = [1, 1]} : vector<1x256xf32> to vector<1x128xf32>
    %add3A = vector.broadcast %slice3A_11 : vector<1x128xf32> to vector<10000x128xf32>
    %add3A_12 = arith.addf %mul3A_10, %add3A : vector<10000x128xf32>
    %get3A_13 = arith.constant 0 : index
    %get3A_14 = arith.constant 0 : index
    %get3A_15 = vector.load %arg1[%get3A_13, %get3A_14] : memref<10000x128xf32, #tpu.memory_space<vmem>>, vector<10000x128xf32>
    %mul3A_16 = vector.broadcast %rsqrt3A : vector<10000x1xf32> to vector<10000x128xf32>
    %mul3A_17 = arith.mulf %get3A_15, %mul3A_16 : vector<10000x128xf32>
    %slice3A_18 = vector.extract_strided_slice %get3A_6 {offsets = [0, 128], sizes = [1, 128], strides = [1, 1]} : vector<1x256xf32> to vector<1x128xf32>
    %add3A_19 = vector.broadcast %slice3A_18 : vector<1x128xf32> to vector<10000x128xf32>
    %add3A_20 = arith.addf %mul3A_17, %add3A_19 : vector<10000x128xf32>
    %get3A_21 = arith.constant 0 : index
    %get3A_22 = arith.constant 0 : index
    %get3A_23 = vector.load %arg4[%get3A_21, %get3A_22] : memref<256x256xf32, #tpu.memory_space<vmem>>, vector<256x256xf32>
    %slice3A_24 = vector.extract_strided_slice %get3A_23 {offsets = [0, 0], sizes = [128, 256], strides = [1, 1]} : vector<256x256xf32> to vector<128x256xf32>
    %dot_general3A = arith.constant dense<0.000000e+00> : vector<10000x256xf32>
    %dot_general3A_25 = tpu.matmul %add3A_12, %slice3A_24, %dot_general3A {dimension_numbers = #tpu.dot_dimension_numbers<[1], [0], [0], [1], [0, 0, 1, 1], [], []>, transpose_lhs_hint = false} : vector<10000x128xf32>, vector<128x256xf32>, vector<10000x256xf32> -> vector<10000x256xf32>
    %slice3A_26 = vector.extract_strided_slice %get3A_23 {offsets = [128, 0], sizes = [128, 256], strides = [1, 1]} : vector<256x256xf32> to vector<128x256xf32>
    %dot_general3A_27 = arith.constant dense<0.000000e+00> : vector<10000x256xf32>
    %dot_general3A_28 = tpu.matmul %add3A_20, %slice3A_26, %dot_general3A_27 {dimension_numbers = #tpu.dot_dimension_numbers<[1], [0], [0], [1], [0, 0, 1, 1], [], []>, transpose_lhs_hint = false} : vector<10000x128xf32>, vector<128x256xf32>, vector<10000x256xf32> -> vector<10000x256xf32>
    %add3A_29 = arith.addf %dot_general3A_25, %dot_general3A_28 : vector<10000x256xf32>
    %mul3A_30 = vector.broadcast %rsqrt3A : vector<10000x1xf32> to vector<10000x256xf32>
    %mul3A_31 = arith.mulf %add3A_29, %mul3A_30 : vector<10000x256xf32>
    %slice3A_32 = vector.extract_strided_slice %mul3A_31 {offsets = [0, 0], sizes = [10000, 128], strides = [1, 1]} : vector<10000x256xf32> to vector<10000x128xf32>
    %swap3A = arith.constant 0 : index
    %swap3A_33 = arith.constant 0 : index
    %swap3A_34 = vector.load %arg5[%swap3A, %swap3A_33] : memref<10000x128xf32, #tpu.memory_space<vmem>>, vector<10000x128xf32>
    tpu.vector_store %arg5[%swap3A, %swap3A_33], %slice3A_32 {strides = array<i32>} : memref<10000x128xf32, #tpu.memory_space<vmem>>, vector<10000x128xf32>,
    %slice3A_35 = vector.extract_strided_slice %mul3A_31 {offsets = [0, 128], sizes = [10000, 128], strides = [1, 1]} : vector<10000x256xf32> to vector<10000x128xf32>
    %swap3A_36 = arith.constant 0 : index
    %swap3A_37 = arith.constant 0 : index
    %swap3A_38 = vector.load %arg6[%swap3A_36, %swap3A_37] : memref<10000x128xf32, #tpu.memory_space<vmem>>, vector<10000x128xf32>
    tpu.vector_store %arg6[%swap3A_36, %swap3A_37], %slice3A_35 {strides = array<i32>} : memref<10000x128xf32, #tpu.memory_space<vmem>>, vector<10000x128xf32>,
    return
  }
}

</mosaic_0001>

<sc_bundles>
// kernel: kernel.12.cloned.1.call-start
scs
__scs_entry_jumppad:
0x0: {  	(pc) =	sbr.rel $0x88, $3  }
0x1: {  	(tag) =	ssettag $0x0;
	lr =	simm.s32 $0x1  }
0x2: {  	[smem:$0x3F91] =	sst lr;
	_ =	strace $0xD0000000  }
0x3: {  	_ = 	snop  }
0x4: {  	_ = 	snop  }
0x5: {  	_ = 	snop  }
0x6: {  	_ = 	snop  }
0x7: {  	_ = 	snop  }
__scs_overlays_trampoline_lowered:
0x8: {  	[smem:$0x3FA0] =	sst s0  }
0x9: {  	[smem:$0x3FA1] =	sst s1  }
0xa: {  	[smem:$0x3FA2] =	sst s2  }
0xb: {  	[smem:$0x3FA3] =	sst s3  }
0xc: {  	[smem:$0x3FA4] =	sst s4  }
0xd: {  	[smem:$0x3FA5] =	sst s5  }
0xe: {  	[smem:$0x3FA6] =	sst s6  }
0xf: {  	[smem:$0x3FA7] =	sst s7  }
0x10: {  	[smem:$0x3FA8] =	sst s8  }
0x11: {  	[smem:$0x3FA9] =	sst s9;
	s0 =	simm.s32 @!p0 $0x0  }
0x12: {  	s1 =	sld [smem:$0x3F8F];
	s0 =	simm.s32 @p0 $0x1  }
0x13: {  	[smem:$0x3FAA] =	sst s0;
	s0 =	simm.s32 @!p1 $0x0  }
0x14: {  	s2 =	sld [smem:$0x3F8E];
	s0 =	simm.s32 @p1 $0x1  }
0x15: {  	[smem:$0x3FAB] =	sst s0;
	s0 =	simm.s32 @!p2 $0x0  }
0x16: {  	s3 =	sld [smem:$0x3FDB];
	s0 =	simm.s32 @p2 $0x1  }
0x17: {  	s4 =	simm.s32 $0x1BF5;
	[smem:$0x3FAD] =	sst s0  }
0x18: {  	s0 =	sld [smem:$0x3F90];
	_ =	swait.ge [sflag:s4], $0x0  }
0x19: {  	s7 =	sld [smem:$0x3F91]  }
0x1a: {  	s8 =	sadd.s32 $0xFFFFE003, lr  }
0x1b: {  	s9 =	sadd.s32 $0xFFFFFEF7, lr;
	s5 =	simm.s32 $0xFFFFFFFF;
	p2 =	slt.u32 s8, $0xFFFFF086  }
0x1c: {  	p1 =	slt.u32 s9, $0xF7A;
	s5 =	simm.s32 @!p2 $0x0  }
0x1d: {  	s5 =	simm.s32 @p1 $0x1;
	p0 =	seq.s32 s7, s2  }
0x1e: {  	s7 =	smul.u32 @!p0 $0xF7A, s2;
	p2 =	seq.s32 @!p0 s5, $0x0  }
0x1f: {  	s9 =	smul.u32 $0xF7A, s1;
	s8 =	simm.s32 @!p0 $0x1BF5;
	p2 =	por !p2, p0  }
0x20: {  	[sflag:s8] =	ssyncset.s32 @!p0 $0xFFFFF086;
	s6 =	sadd.s32 @!p0 s3, s7;
	s7 =	simm.s32 @!p0 $0x108  }
0x21: {  	s3 =	sadd.s32 s3, s9;
	s6 =	sadd.s32 @!p0 $0x88, s6;
	s7 =	simm.s32 @p2 $0x1082  }
0x22: {  	[simem:s7], [sflag:s8] =	dma.local @!p0 [hbm:s6], $0xF7A  }
0x23: {  	s9 =	sor.u32 $0xD0000000, s2;
	s6 =	simm.s32 $0x108;
	_ =	swait.ge @!p0 [sflag:s8], $0x0  }
0x24: {  	s3 =	sadd.s32 $0x88, s3;
	s6 =	simm.s32 @!p1 $0x1082;
	[sflag:s4] =	ssyncset.s32 $0xFFFFF086  }
0x25: {  	[simem:s6], [sflag:s4] =	dma.local [hbm:s3], $0xF7A  }
0x26: {  	[smem:$0x3F91] =	sst s1;
	(tag) =	ssettag s2;
	_ =	strace s9  }
0x27: {  	s1 =	sld [smem:$0x3FA1]  }
0x28: {  	s2 =	sld [smem:$0x3FA2]  }
0x29: {  	s4 =	sld [smem:$0x3FA4]  }
0x2a: {  	p0 =	seq.s32 s5, $0x0;
	s5 =	sld [smem:$0x3FA5]  }
0x2b: {  	s6 =	sld [smem:$0x3FA6]  }
0x2c: {  	s7 =	sld [smem:$0x3FA7]  }
0x2d: {  	s3 =	simm.s32 $0x108;
	s8 =	sld [smem:$0x3FA8]  }
0x2e: {  	s3 =	simm.s32 @!p0 $0x1082;
	s9 =	sld [smem:$0x3FA9]  }
0x2f: {  	lr =	sadd.s32 s0, s3;
	s0 =	sld [smem:$0x3FA0]  }
0x30: {  	s3 =	sld [smem:$0x3FA3]  }
0x31: {  	[smem:$0x3FAC] =	sst s10  }
0x32: {  	s10 =	sld [smem:$0x3FAA];
	_ =	sdelay $0x3  }
0x33: {  	p0 =	seq.s32 s10, $0x1;
	s10 =	sld [smem:$0x3FAC];
	_ =	sdelay $0x3  }
0x34: {  	[smem:$0x3FAC] =	sst s10  }
0x35: {  	s10 =	sld [smem:$0x3FAB];
	_ =	sdelay $0x3  }
0x36: {  	p1 =	seq.s32 s10, $0x1;
	s10 =	sld [smem:$0x3FAC];
	_ =	sdelay $0x3  }
0x37: {  	[smem:$0x3FAC] =	sst s10  }
0x38: {  	s10 =	sld [smem:$0x3FAD]  }
0x39: {  	_ = 	snop;
	(pc) =	sbr.ind lr, $3  }
0x3a: {  	_ = 	snop  }
0x3b: {  	_ = 	snop  }
0x3c: {  	p2 =	seq.s32 s10, $0x1;
	s10 =	sld [smem:$0x3FAC]  }
0x3d: {  	_ =	shalt  }
0x3e: {  	_ =	shalt  }
0x3f: {  	_ =	shalt  }
0x40: {  	_ =	shalt  }
0x41: {  	_ =	shalt  }
0x42: {  	_ =	shalt  }
0x43: {  	_ =	shalt  }
0x44: {  	_ =	shalt  }
0x45: {  	_ =	shalt  }
0x46: {  	_ =	shalt  }
0x47: {  	_ =	shalt  }
0x48: {  	_ =	shalt  }
0x49: {  	_ =	shalt  }
0x4a: {  	_ =	shalt  }
0x4b: {  	_ =	shalt  }
0x4c: {  	_ =	shalt  }
0x4d: {  	_ =	shalt  }
0x4e: {  	_ =	shalt  }
0x4f: {  	_ =	shalt  }
0x50: {  	_ =	shalt  }
0x51: {  	_ =	shalt  }
0x52: {  	_ =	shalt  }
0x53: {  	_ =	shalt  }
0x54: {  	_ =	shalt  }
0x55: {  	_ =	shalt  }
0x56: {  	_ =	shalt  }
0x57: {  	_ =	shalt  }
0x58: {  	_ =	shalt  }
0x59: {  	_ =	shalt  }
0x5a: {  	_ =	shalt  }
0x5b: {  	_ =	shalt  }
0x5c: {  	_ =	shalt  }
0x5d: {  	_ =	shalt  }
0x5e: {  	_ =	shalt  }
0x5f: {  	_ =	shalt  }
0x60: {  	_ =	shalt  }
0x61: {  	_ =	shalt  }
0x62: {  	_ =	shalt  }
0x63: {  	_ =	shalt  }
0x64: {  	_ =	shalt  }
0x65: {  	_ =	shalt  }
0x66: {  	_ =	shalt  }
0x67: {  	_ =	shalt  }
0x68: {  	_ =	shalt  }
0x69: {  	_ =	shalt  }
0x6a: {  	_ =	shalt  }
0x6b: {  	_ =	shalt  }
0x6c: {  	_ =	shalt  }
0x6d: {  	_ =	shalt  }
0x6e: {  	_ =	shalt  }
0x6f: {  	_ =	shalt  }
0x70: {  	_ =	shalt  }
0x71: {  	_ =	shalt  }
0x72: {  	_ =	shalt  }
0x73: {  	_ =	shalt  }
0x74: {  	_ =	shalt  }
0x75: {  	_ =	shalt  }
0x76: {  	_ =	shalt  }
0x77: {  	_ =	shalt  }
0x78: {  	_ =	shalt  }
0x79: {  	_ =	shalt  }
0x7a: {  	_ =	shalt  }
0x7b: {  	_ =	shalt  }
0x7c: {  	_ =	shalt  }
0x7d: {  	_ =	shalt  }
0x7e: {  	_ =	shalt  }
0x7f: {  	_ =	shalt  }
0x80: {  	_ =	shalt  }
0x81: {  	_ =	shalt  }
0x82: {  	_ =	shalt  }
0x83: {  	_ =	shalt  }
0x84: {  	_ =	shalt  }
0x85: {  	_ =	shalt  }
0x86: {  	_ =	shalt  }
0x87: {  	_ =	shalt  }
.Lfunc_end0:
.L_simem_size_0:
called_computation_lowered:
.L_overlay_start_0:
0x88: {  	s2 =	sld [smem:$0x3FD9]  }
0x89: {  	s3 =	sld [smem:$0x3FFE];
	_ =	sdelay $0x1  }
0x8a: {  	s1 =	srdreg.scid  }
0x8b: {  	s0 =	sand.u32 $0x1, s1  }
0x8c: {  	s17 =	sshll.u32 s0, $0xA;
	s2 =	sadd.s32 s3, s2  }
0x8d: {  	s2 =	sadd.s32 s2, s17  }
0x8e: {  	[smem:$0x3FB8] =	sst s2  }
0x8f: {  	_ = 	snop  }
0x90: {  	s2 =	sld [smem:$0x3FD0];
	(tm) =	ssettm $0x1  }
0x91: {  	s18 =	sld [smem:$0x3FFB];
	_ =	sdelay $0x3  }
0x92: {  	_ =	strace s18  }
0x93: {  	s3 =	sld [smem:$0x3FFC];
	_ =	sdelay $0x3  }
0x94: {  	_ =	strace s3  }
0x95: {  	s3 =	sld [smem:$0x3FFD];
	_ =	sdelay $0x3  }
0x96: {  	_ =	strace s3  }
0x97: {  	_ =	strace $0x8FFFFFFF  }
0x98: {  	s19 =	sld [smem:$0x3FDB];
	_ =	sdelay $0x1  }
0x99: {  	s4 =	simm.s32 $_scs_section_size  }
0x9a: {  	s5 =	simm.s32 $_size__tile_overlayer_lowered;
	s6 =	simm.s32 $_tile_overlayer_lowered  }
0x9b: {  	s22 =	simm.s32 $0x1BFF;
	s21 =	sshll.u32 s6, $0x1;
	s3 =	sadd.s32 s4, s19  }
0x9c: {  	s7 =	simm.s32 $0x0;
	s20 =	sshll.u32 s5, $0x1;
	s5 =	sadd.s32 s21, s3  }
0x9d: {  	[timem:s7], [sflag:s22] =	dma.local [hbm:s5], s20  }
0x9e: {  	_ =	swait.ge [sflag:s22], s20  }
0x9f: {  	s4 =	ssub.s32 $0x0, s20;
	[sflag:s22] =	ssyncset.done $0x0  }
0xa0: {  	[sflag:s22] =	ssyncadd.s32 s4;
	_ =	sdelay $0x1  }
0xa1: {  	s23 =	simm.s32 $0x1B8B  }
0xa2: {  	_ =	swait.ge [sflag:s23], $0x1  }
0xa3: {  	[sflag:s23] =	ssyncset.done $0x0  }
0xa4: {  	s25 =	simm.s32 $0x1B8E;
	s24 =	sld [smem:$0x3FFE];
	[sflag:s23] =	ssyncadd.s32 $0xFFFFFFFF  }
0xa5: {  	s26 =	simm.s32 $execute0_lowered;
	[smem:$0x3FD2] =	sst s25  }
0xa6: {  	s5 =	sshll.u32 s26, $0x1;
	_ =	strace $0x80000046;
	[dreg:$0x1] =	wrdreg $0xFFFFFFFF  }
0xa7: {  	s28 =	simm.s32 $_size_execute0_lowered;
	s3 =	sadd.s32 s3, s5;
	[dreg:$0x0] =	wrdreg $0x0  }
0xa8: {  	s5 =	sshll.u32 s28, $0x1;
	[dreg:$0x2] =	wrdreg s3  }
0xa9: {  	[dreg:$0x3] =	wrdreg s5  }
0xaa: {  	[dreg:$0x4] =	wrdreg $0xC0  }
0xab: {  	_ =	task [dreg:s7], $0x5FFFF  }
0xac: {  	[dreg:$0x1] =	wrdreg $0xFFFFFFFF  }
0xad: {  	[dreg:$0x0] =	wrdreg $0x60  }
0xae: {  	[dreg:$0x2] =	wrdreg s24  }
0xaf: {  	[dreg:$0x3] =	wrdreg s2  }
0xb0: {  	[dreg:$0x4] =	wrdreg $0x40800  }
0xb1: {  	[dreg:$0x5] =	wrdreg $0x9  }
0xb2: {  	_ =	task.clear_ibuf [dreg:s7], $0x6FFFF;
	_ =	strace $0x90000046  }
0xb3: {  	s29 =	simm.s32 $0x9;
	_ =	strace $0x80000048  }
0xb4: {  	_ =	swait.ge [sflag:s29], $0x1  }
0xb5: {  	[sflag:s29] =	ssyncadd.s32 $0xFFFFFFFF  }
0xb6: {  	_ =	strace $0x90000048  }
0xb7: {  	_ =	sfence  }
0xb8: {  	s30 =	sld [smem:$0x0];
	_ =	sdelay $0x2  }
0xb9: {  	s31 =	sshll.u32 s1, $0xD;
	s1 =	sshrl.u32 s1, $0x2  }
0xba: {  	s3 =	sand.u32 $0x4000, s31;
	s1 =	sadd.s32 s1, s30  }
0xbb: {  	s0 =	sor.u32 s3, s0;
	s1 =	sshll.u32 s1, $0x11  }
0xbc: {  	s0 =	sor.u32 s1, s0  }
0xbd: {  	s0 =	sadd.s32 $0x8F2B, s0  }
0xbe: {  	[sflag:s0] =	ssyncadd.remote.s32 $0x1  }
0xbf: {  	_ =	sfence.sel $0xFFFF  }
0xc0: {  	[dreg:$0x0] =	wrdreg $0xFFFFFFFF;
	(pc) =	sbr.abs _section_cstart, $3  }
0xc1: {  	[dreg:$0x1] =	wrdreg $0xFFFFFFFF  }
0xc2: {  	_ =	task.clear_ibuf [dreg:s7], $0x2FFFF;
	_ =	strace $0x9FFFFFFF  }
0xc3: {  	(tm) =	ssettm $0x7FFFFFFF  }
tec
execute0_lowered:
.L_overlay_start_1:
0x0: {  	(tag) =	ssettag $0x1  }
0x1: {  	s1 =	srdreg.scid  }
0x2: {  	s1 =	sand.u32 $0x1, s1  }
0x3: {  	p0 =	seq.s32 s1, $0x1  }
.Ltmp0:
0x4: {  	s6 =	rddreg [dreg:$0x0];
	(pc) =	sbr.rel @p0 .LBB2_4-.Ltmp0, $4  }
0x5: {  	s5 =	rddreg [dreg:$0x1]  }
0x6: {  	s2 =	rddreg [dreg:$0x2];
	s3 =	simm.s32 $0x0  }
0x7: {  	[smem:$0x7FF] =	sst s3  }
0x8: {  	s0 =	rddreg [dreg:$0x3];
	_ =	strace $0x80000047;
	s1 =	stileid.u32  }
0x9: {  	s4 =	simm.s32 $0x80  }
0xa: {  	[tilespmem:s4], [sflag:$0x1] =	stream.linear.gather [hbm4b:s5+s3], $0x4000, $0x38;
	[tilespmem:$0x18080] =	vst v63  }
0xb: {  	s7 =	smul.u32 $0x50000, s1;
	s5 =	simm.s32 $0x1  }
0xc: {  	_ =	swait.ge [sflag:s5], $0x4000  }
0xd: {  	s7 =	sshrl.u32 s7, $0x2;
	[sflag:s5] =	ssyncset.done $0x0  }
0xe: {  	s7 =	sadd.s32 s7, s2;
	[sflag:s5] =	ssyncadd.s32 $0xFFFFC000  }
0xf: {  	[spmem:s7] =	stream.linear.scatter [tilespmem:s4], [sflag:$0x1], $0x4000, $0x38;
	[tilespmem:$0x18080] =	vst v63  }
0x10: {  	_ =	swait.ge [sflag:s5], $0x4000  }
0x11: {  	[sflag:s5] =	ssyncset.done $0x0  }
0x12: {  	s8 =	sadd.s32 $0x4000, s7;
	[sflag:s5] =	ssyncadd.s32 $0xFFFFC000  }
0x13: {  	[spmem:s8] =	stream.linear.scatter [tilespmem:s4], [sflag:$0x1], $0x4000, $0x38;
	[tilespmem:$0x18080] =	vst v63  }
0x14: {  	_ =	swait.ge [sflag:s5], $0x4000  }
0x15: {  	[sflag:s5] =	ssyncset.done $0x0  }
0x16: {  	s25 =	sadd.s32 $0x8000, s7;
	[sflag:s5] =	ssyncadd.s32 $0xFFFFC000  }
0x17: {  	[spmem:s25] =	stream.linear.scatter [tilespmem:s4], [sflag:$0x1], $0x4000, $0x38;
	[tilespmem:$0x18080] =	vst v63  }
0x18: {  	_ =	swait.ge [sflag:s5], $0x4000  }
0x19: {  	[sflag:s5] =	ssyncset.done $0x0  }
0x1a: {  	s26 =	sadd.s32 $0xC000, s7;
	[sflag:s5] =	ssyncadd.s32 $0xFFFFC000  }
0x1b: {  	[spmem:s26] =	stream.linear.scatter [tilespmem:s4], [sflag:$0x1], $0x4000, $0x38;
	[tilespmem:$0x18080] =	vst v63  }
0x1c: {  	_ =	swait.ge [sflag:s5], $0x4000  }
0x1d: {  	[sflag:s5] =	ssyncset.done $0x0  }
0x1e: {  	s7 =	sadd.s32 $0x10000, s7;
	[sflag:s5] =	ssyncadd.s32 $0xFFFFC000  }
0x1f: {  	[spmem:s7] =	stream.linear.scatter [tilespmem:s4], [sflag:$0x1], $0x4000, $0x38;
	[tilespmem:$0x18080] =	vst v63  }
0x20: {  	_ =	swait.ge [sflag:s5], $0x4000  }
0x21: {  	[sflag:s5] =	ssyncset.done $0x0  }
0x22: {  	[sflag:s5] =	ssyncadd.s32 $0xFFFFC000  }
0x23: {  	s28 =	sadd.s32 $0x11400, s6;
	s29 =	smul.u32 $0xA20, s1;
	[bflag:$0x0] =	sbarrier.arrive $0xFFFF  }
0x24: {  	[tilespmem:s4], [sflag:$0x1] =	stream.linear.gather [hbm4b:s28+s3], $0x4000, $0x38;
	[tilespmem:$0x18080] =	vst v63  }
0x25: {  	s30 =	sadd.s32 $0x7200, s6;
	_ =	swait.ge [sflag:s5], $0x4000  }
0x26: {  	s10 =	sadd.s32 s29, s30;
	[sflag:s5] =	ssyncset.done $0x0  }
0x27: {  	s9 =	smul.u32 $0x2700, s1;
	s8 =	sadd.s32 $0x0, s10;
	[sflag:s5] =	ssyncadd.s32 $0xFFFFC000  }
0x28: {  	[tilespmem:s3], [sflag:$0x1] =	stream.linear.gather [hbm4b:s8+s3], $0x80, $0x38;
	[tilespmem:$0x18080] =	vst v63  }
0x29: {  	s31 =	smul.u32 $0x4E000, s1;
	_ =	swait.ge [sflag:s5], $0x80  }
0x2a: {  	s11 =	simm.s32 $0x10;
	s12 =	simm.s32 $0x20;
	[sflag:s5] =	ssyncset.done $0x0  }
0x2b: {  	s9 =	sadd.s32 s9, s6;
	s6 =	sadd.s32 $0x38C00, s6;
	[sflag:s5] =	ssyncadd.s32 $0xFFFFFF80  }
0x2c: {  	[spmem:s2] =	stream.indirect.scatter.add.f32 [tilespmem:s4], [sflag:$0x1], $0x80, s3, s4, $0xb8;
	[tilespmem:$0x18080] =	vst v63  }
0x2d: {  	s9 =	sadd.s32 $0x11C00, s9;
	s7 =	sshrl.u32 s31, $0x2;
	_ =	swait.ge [sflag:s5], $0x4000  }
0x2e: {  	s8 =	sadd.s32 s7, s2;
	s7 =	sadd.s32 $0x138000, s2;
	[sflag:s5] =	ssyncset.done $0x0  }
.LBB2_2:
0x2f: {  	s13 =	sadd.s32 s11, s10  }
0x30: {  	[sflag:s5] =	ssyncadd.s32 $0xFFFFC000;
	s11 =	smov.u32 s12;
	s14 =	sadd.s32 $0x10, s12  }
0x31: {  	[tilespmem:s3], [sflag:$0x1] =	stream.linear.gather [hbm4b:s13+s3], $0x80, $0x38;
	[tilespmem:$0x18080] =	vst v63  }
0x32: {  	p0 =	sne.s32 s12, $0xA10;
	_ =	swait.ge [sflag:s5], $0x80  }
.Ltmp1:
0x33: {  	[sflag:s5] =	ssyncset.done $0x0;
	(pc) =	sbr.rel @p0 .LBB2_2-.Ltmp1, $4  }
0x34: {  	[sflag:s5] =	ssyncadd.s32 $0xFFFFFF80  }
0x35: {  	[spmem:s2] =	stream.indirect.scatter.add.f32 [tilespmem:s4], [sflag:$0x1], $0x80, s3, s4, $0xb8;
	[tilespmem:$0x18080] =	vst v63  }
0x36: {  	_ =	swait.ge [sflag:s5], $0x4000  }
0x37: {  	s12 =	smov.u32 s14;
	[sflag:s5] =	ssyncset.done $0x0  }
0x38: {  	s10 =	sadd.s32 s11, s10;
	[sflag:s5] =	ssyncadd.s32 $0xFFFFC000  }
0x39: {  	[tilespmem:s3], [sflag:$0x1] =	stream.linear.gather [hbm4b:s10+s3], $0x80, $0x38;
	[tilespmem:$0x18080] =	vst v63  }
0x3a: {  	_ =	swait.ge [sflag:s5], $0x80  }
0x3b: {  	[sflag:s5] =	ssyncset.done $0x0  }
0x3c: {  	[sflag:s5] =	ssyncadd.s32 $0xFFFFFF80  }
0x3d: {  	[spmem:s2] =	stream.indirect.scatter.add.f32 [tilespmem:s4], [sflag:$0x1], $0x80, s3, s4, $0xb8;
	[tilespmem:$0x18080] =	vst v63  }
0x3e: {  	_ =	swait.ge [sflag:s5], $0x4000  }
0x3f: {  	[sflag:s5] =	ssyncset.done $0x0  }
0x40: {  	s29 =	sshll.u32 s1, $0x6;
	s30 =	sshrl.u32 s8, $0x3;
	[sflag:s5] =	ssyncadd.s32 $0xFFFFC000  }
0x41: {  	s31 =	simm.s32 $0x1;
	s2 =	sor.u32 $0x1C01, s29;
	[bflag:$0x0] =	sbarrier.arrive $0xFFFF  }
0x42: {  	[hbm:s9], [sflag:s2] =	dma.local [spmem:s30], $0x2700  }
0x43: {  	_ =	swait.ge [sflag:s31], $0x2700  }
0x44: {  	p0 =	sne.s32 s1, $0x0;
	[sflag:s31] =	ssyncset.done $0x0  }
0x45: {  	s3 =	sshrl.u32 @!p0 s7, $0x3;
	[sflag:s31] =	ssyncadd.s32 $0xFFFFD900  }
0x46: {  	[hbm:s6], [sflag:s2] =	dma.local @!p0 [spmem:s3], $0x100  }
0x47: {  	s2 =	simm.s32 @!p0 $0x1  }
0x48: {  	_ =	swait.ge @!p0 [sflag:s2], $0x100  }
0x49: {  	[sflag:s2] =	ssyncset.done @!p0 $0x0  }
0x4a: {  	[sflag:s2] =	ssyncadd.s32 @!p0 $0xFFFFFF00  }
.LBB2_4:
0x4b: {  	_ =	sfence.sel $0x180000  }
0x4c: {  	[bflag:$0x0] =	sbarrier.arrive $0xFFFF  }
0x4d: {  	p0 =	sne.s32 s1, $0x0;
	_ =	strace $0x90000047  }
0x4e: {  	s0 =	sadd.s32 @!p0 $0x100000, s0;
	[bflag:$0x2] =	sbarrier.arrive $0xFFFF  }
0x4f: {  	[sflag:s0] =	ssyncadd.tile.s32 @!p0 $0x1;
	_ =	shalt  }
.Lfunc_end2:
_tile_overlayer_lowered:
.L_overlay_start_2:
0x50: {  	(tag) =	ssettag $0x2  }
0x51: {  	s0 =	rddreg [dreg:$0x0];
	s2 =	stileid.u32  }
0x52: {  	s1 =	rddreg [dreg:$0x1];
	p0 =	sne.s32 s2, $0x0  }
0x53: {  	s3 =	rddreg [dreg:$0x2];
	[bflag:$0x3] =	sbarrier.arrive $0xFFFF;
	s2 =	simm.s32 @!p0 $0x1C01  }
0x54: {  	[timem:s3], [sflag:s2] =	dma.local @!p0 [hbm:s0], s1  }
0x55: {  	s0 =	simm.s32 @!p0 $0x1  }
0x56: {  	_ =	swait.ge @!p0 [sflag:s0], s1  }
0x57: {  	s1 =	ssub.s32 @!p0 $0x0, s1;
	[sflag:s0] =	ssyncset.done @!p0 $0x0  }
0x58: {  	[sflag:s0] =	ssyncadd.s32 @!p0 s1  }
0x59: {  	[bflag:$0x3] =	sbarrier.arrive $0xFFFF  }
0x5a: {  	_ =	shalt  }

// kernel: kernel.15.cloned.1.call-start
scs
__scs_entry_jumppad:
0x0: {  	(pc) =	sbr.rel $0x88, $3  }
0x1: {  	(tag) =	ssettag $0x0;
	lr =	simm.s32 $0x1  }
0x2: {  	[smem:$0x3F91] =	sst lr;
	_ =	strace $0xD0000000  }
0x3: {  	_ = 	snop  }
0x4: {  	_ = 	snop  }
0x5: {  	_ = 	snop  }
0x6: {  	_ = 	snop  }
0x7: {  	_ = 	snop  }
__scs_overlays_trampoline_lowered:
0x8: {  	[smem:$0x3FA0] =	sst s0  }
0x9: {  	[smem:$0x3FA1] =	sst s1  }
0xa: {  	[smem:$0x3FA2] =	sst s2  }
0xb: {  	[smem:$0x3FA3] =	sst s3  }
0xc: {  	[smem:$0x3FA4] =	sst s4  }
0xd: {  	[smem:$0x3FA5] =	sst s5  }
0xe: {  	[smem:$0x3FA6] =	sst s6  }
0xf: {  	[smem:$0x3FA7] =	sst s7  }
0x10: {  	[smem:$0x3FA8] =	sst s8  }
0x11: {  	[smem:$0x3FA9] =	sst s9;
	s0 =	simm.s32 @!p0 $0x0  }
0x12: {  	s1 =	sld [smem:$0x3F8F];
	s0 =	simm.s32 @p0 $0x1  }
0x13: {  	[smem:$0x3FAA] =	sst s0;
	s0 =	simm.s32 @!p1 $0x0  }
0x14: {  	s2 =	sld [smem:$0x3F8E];
	s0 =	simm.s32 @p1 $0x1  }
0x15: {  	[smem:$0x3FAB] =	sst s0;
	s0 =	simm.s32 @!p2 $0x0  }
0x16: {  	s3 =	sld [smem:$0x3FDB];
	s0 =	simm.s32 @p2 $0x1  }
0x17: {  	s4 =	simm.s32 $0x1BF5;
	[smem:$0x3FAD] =	sst s0  }
0x18: {  	s0 =	sld [smem:$0x3F90];
	_ =	swait.ge [sflag:s4], $0x0  }
0x19: {  	s7 =	sld [smem:$0x3F91]  }
0x1a: {  	s8 =	sadd.s32 $0xFFFFE003, lr  }
0x1b: {  	s9 =	sadd.s32 $0xFFFFFEF7, lr;
	s5 =	simm.s32 $0xFFFFFFFF;
	p2 =	slt.u32 s8, $0xFFFFF086  }
0x1c: {  	p1 =	slt.u32 s9, $0xF7A;
	s5 =	simm.s32 @!p2 $0x0  }
0x1d: {  	s5 =	simm.s32 @p1 $0x1;
	p0 =	seq.s32 s7, s2  }
0x1e: {  	s7 =	smul.u32 @!p0 $0xF7A, s2;
	p2 =	seq.s32 @!p0 s5, $0x0  }
0x1f: {  	s9 =	smul.u32 $0xF7A, s1;
	s8 =	simm.s32 @!p0 $0x1BF5;
	p2 =	por !p2, p0  }
0x20: {  	[sflag:s8] =	ssyncset.s32 @!p0 $0xFFFFF086;
	s6 =	sadd.s32 @!p0 s3, s7;
	s7 =	simm.s32 @!p0 $0x108  }
0x21: {  	s3 =	sadd.s32 s3, s9;
	s6 =	sadd.s32 @!p0 $0x88, s6;
	s7 =	simm.s32 @p2 $0x1082  }
0x22: {  	[simem:s7], [sflag:s8] =	dma.local @!p0 [hbm:s6], $0xF7A  }
0x23: {  	s9 =	sor.u32 $0xD0000000, s2;
	s6 =	simm.s32 $0x108;
	_ =	swait.ge @!p0 [sflag:s8], $0x0  }
0x24: {  	s3 =	sadd.s32 $0x88, s3;
	s6 =	simm.s32 @!p1 $0x1082;
	[sflag:s4] =	ssyncset.s32 $0xFFFFF086  }
0x25: {  	[simem:s6], [sflag:s4] =	dma.local [hbm:s3], $0xF7A  }
0x26: {  	[smem:$0x3F91] =	sst s1;
	(tag) =	ssettag s2;
	_ =	strace s9  }
0x27: {  	s1 =	sld [smem:$0x3FA1]  }
0x28: {  	s2 =	sld [smem:$0x3FA2]  }
0x29: {  	s4 =	sld [smem:$0x3FA4]  }
0x2a: {  	p0 =	seq.s32 s5, $0x0;
	s5 =	sld [smem:$0x3FA5]  }
0x2b: {  	s6 =	sld [smem:$0x3FA6]  }
0x2c: {  	s7 =	sld [smem:$0x3FA7]  }
0x2d: {  	s3 =	simm.s32 $0x108;
	s8 =	sld [smem:$0x3FA8]  }
0x2e: {  	s3 =	simm.s32 @!p0 $0x1082;
	s9 =	sld [smem:$0x3FA9]  }
0x2f: {  	lr =	sadd.s32 s0, s3;
	s0 =	sld [smem:$0x3FA0]  }
0x30: {  	s3 =	sld [smem:$0x3FA3]  }
0x31: {  	[smem:$0x3FAC] =	sst s10  }
0x32: {  	s10 =	sld [smem:$0x3FAA];
	_ =	sdelay $0x3  }
0x33: {  	p0 =	seq.s32 s10, $0x1;
	s10 =	sld [smem:$0x3FAC];
	_ =	sdelay $0x3  }
0x34: {  	[smem:$0x3FAC] =	sst s10  }
0x35: {  	s10 =	sld [smem:$0x3FAB];
	_ =	sdelay $0x3  }
0x36: {  	p1 =	seq.s32 s10, $0x1;
	s10 =	sld [smem:$0x3FAC];
	_ =	sdelay $0x3  }
0x37: {  	[smem:$0x3FAC] =	sst s10  }
0x38: {  	s10 =	sld [smem:$0x3FAD]  }
0x39: {  	_ = 	snop;
	(pc) =	sbr.ind lr, $3  }
0x3a: {  	_ = 	snop  }
0x3b: {  	_ = 	snop  }
0x3c: {  	p2 =	seq.s32 s10, $0x1;
	s10 =	sld [smem:$0x3FAC]  }
0x3d: {  	_ =	shalt  }
0x3e: {  	_ =	shalt  }
0x3f: {  	_ =	shalt  }
0x40: {  	_ =	shalt  }
0x41: {  	_ =	shalt  }
0x42: {  	_ =	shalt  }
0x43: {  	_ =	shalt  }
0x44: {  	_ =	shalt  }
0x45: {  	_ =	shalt  }
0x46: {  	_ =	shalt  }
0x47: {  	_ =	shalt  }
0x48: {  	_ =	shalt  }
0x49: {  	_ =	shalt  }
0x4a: {  	_ =	shalt  }
0x4b: {  	_ =	shalt  }
0x4c: {  	_ =	shalt  }
0x4d: {  	_ =	shalt  }
0x4e: {  	_ =	shalt  }
0x4f: {  	_ =	shalt  }
0x50: {  	_ =	shalt  }
0x51: {  	_ =	shalt  }
0x52: {  	_ =	shalt  }
0x53: {  	_ =	shalt  }
0x54: {  	_ =	shalt  }
0x55: {  	_ =	shalt  }
0x56: {  	_ =	shalt  }
0x57: {  	_ =	shalt  }
0x58: {  	_ =	shalt  }
0x59: {  	_ =	shalt  }
0x5a: {  	_ =	shalt  }
0x5b: {  	_ =	shalt  }
0x5c: {  	_ =	shalt  }
0x5d: {  	_ =	shalt  }
0x5e: {  	_ =	shalt  }
0x5f: {  	_ =	shalt  }
0x60: {  	_ =	shalt  }
0x61: {  	_ =	shalt  }
0x62: {  	_ =	shalt  }
0x63: {  	_ =	shalt  }
0x64: {  	_ =	shalt  }
0x65: {  	_ =	shalt  }
0x66: {  	_ =	shalt  }
0x67: {  	_ =	shalt  }
0x68: {  	_ =	shalt  }
0x69: {  	_ =	shalt  }
0x6a: {  	_ =	shalt  }
0x6b: {  	_ =	shalt  }
0x6c: {  	_ =	shalt  }
0x6d: {  	_ =	shalt  }
0x6e: {  	_ =	shalt  }
0x6f: {  	_ =	shalt  }
0x70: {  	_ =	shalt  }
0x71: {  	_ =	shalt  }
0x72: {  	_ =	shalt  }
0x73: {  	_ =	shalt  }
0x74: {  	_ =	shalt  }
0x75: {  	_ =	shalt  }
0x76: {  	_ =	shalt  }
0x77: {  	_ =	shalt  }
0x78: {  	_ =	shalt  }
0x79: {  	_ =	shalt  }
0x7a: {  	_ =	shalt  }
0x7b: {  	_ =	shalt  }
0x7c: {  	_ =	shalt  }
0x7d: {  	_ =	shalt  }
0x7e: {  	_ =	shalt  }
0x7f: {  	_ =	shalt  }
0x80: {  	_ =	shalt  }
0x81: {  	_ =	shalt  }
0x82: {  	_ =	shalt  }
0x83: {  	_ =	shalt  }
0x84: {  	_ =	shalt  }
0x85: {  	_ =	shalt  }
0x86: {  	_ =	shalt  }
0x87: {  	_ =	shalt  }
.Lfunc_end0:
.L_simem_size_0:
called_computation.1_lowered:
.L_overlay_start_0:
0x88: {  	s2 =	sld [smem:$0x3FD9]  }
0x89: {  	s3 =	sld [smem:$0x3FFE];
	_ =	sdelay $0x1  }
0x8a: {  	s1 =	srdreg.scid  }
0x8b: {  	s0 =	sand.u32 $0x1, s1  }
0x8c: {  	s17 =	sshll.u32 s0, $0xA;
	s2 =	sadd.s32 s3, s2  }
0x8d: {  	s2 =	sadd.s32 s2, s17  }
0x8e: {  	[smem:$0x3FB8] =	sst s2  }
0x8f: {  	_ = 	snop  }
0x90: {  	s2 =	sld [smem:$0x3FD0];
	(tm) =	ssettm $0x1  }
0x91: {  	s18 =	sld [smem:$0x3FFB];
	_ =	sdelay $0x3  }
0x92: {  	_ =	strace s18  }
0x93: {  	s3 =	sld [smem:$0x3FFC];
	_ =	sdelay $0x3  }
0x94: {  	_ =	strace s3  }
0x95: {  	s3 =	sld [smem:$0x3FFD];
	_ =	sdelay $0x3  }
0x96: {  	_ =	strace s3  }
0x97: {  	_ =	strace $0x8FFFFFFF  }
0x98: {  	s19 =	sld [smem:$0x3FDB];
	_ =	sdelay $0x1  }
0x99: {  	s4 =	simm.s32 $_scs_section_size  }
0x9a: {  	s5 =	simm.s32 $_size__tile_overlayer_lowered;
	s6 =	simm.s32 $_tile_overlayer_lowered  }
0x9b: {  	s22 =	simm.s32 $0x1BFF;
	s21 =	sshll.u32 s6, $0x1;
	s3 =	sadd.s32 s4, s19  }
0x9c: {  	s7 =	simm.s32 $0x0;
	s20 =	sshll.u32 s5, $0x1;
	s5 =	sadd.s32 s21, s3  }
0x9d: {  	[timem:s7], [sflag:s22] =	dma.local [hbm:s5], s20  }
0x9e: {  	_ =	swait.ge [sflag:s22], s20  }
0x9f: {  	s4 =	ssub.s32 $0x0, s20;
	[sflag:s22] =	ssyncset.done $0x0  }
0xa0: {  	[sflag:s22] =	ssyncadd.s32 s4;
	_ =	sdelay $0x1  }
0xa1: {  	s23 =	simm.s32 $0x1B8B  }
0xa2: {  	_ =	swait.ge [sflag:s23], $0x1  }
0xa3: {  	[sflag:s23] =	ssyncset.done $0x0  }
0xa4: {  	s25 =	simm.s32 $0x1B8E;
	s24 =	sld [smem:$0x3FFE];
	[sflag:s23] =	ssyncadd.s32 $0xFFFFFFFF  }
0xa5: {  	s26 =	simm.s32 $execute0_lowered;
	[smem:$0x3FD2] =	sst s25  }
0xa6: {  	s5 =	sshll.u32 s26, $0x1;
	_ =	strace $0x80000049;
	[dreg:$0x1] =	wrdreg $0xFFFFFFFF  }
0xa7: {  	s28 =	simm.s32 $_size_execute0_lowered;
	s3 =	sadd.s32 s3, s5;
	[dreg:$0x0] =	wrdreg $0x0  }
0xa8: {  	s5 =	sshll.u32 s28, $0x1;
	[dreg:$0x2] =	wrdreg s3  }
0xa9: {  	[dreg:$0x3] =	wrdreg s5  }
0xaa: {  	[dreg:$0x4] =	wrdreg $0xC0  }
0xab: {  	_ =	task [dreg:s7], $0x5FFFF  }
0xac: {  	[dreg:$0x1] =	wrdreg $0xFFFFFFFF  }
0xad: {  	[dreg:$0x0] =	wrdreg $0x60  }
0xae: {  	[dreg:$0x2] =	wrdreg s24  }
0xaf: {  	[dreg:$0x3] =	wrdreg s2  }
0xb0: {  	[dreg:$0x4] =	wrdreg $0x81000  }
0xb1: {  	[dreg:$0x5] =	wrdreg $0x9  }
0xb2: {  	_ =	task.clear_ibuf [dreg:s7], $0x6FFFF;
	_ =	strace $0x90000049  }
0xb3: {  	s29 =	simm.s32 $0x9;
	_ =	strace $0x8000004B  }
0xb4: {  	_ =	swait.ge [sflag:s29], $0x1  }
0xb5: {  	[sflag:s29] =	ssyncadd.s32 $0xFFFFFFFF  }
0xb6: {  	_ =	strace $0x9000004B  }
0xb7: {  	_ =	sfence  }
0xb8: {  	s30 =	sld [smem:$0x0];
	_ =	sdelay $0x2  }
0xb9: {  	s31 =	sshll.u32 s1, $0xD;
	s1 =	sshrl.u32 s1, $0x2  }
0xba: {  	s3 =	sand.u32 $0x4000, s31;
	s1 =	sadd.s32 s1, s30  }
0xbb: {  	s0 =	sor.u32 s3, s0;
	s1 =	sshll.u32 s1, $0x11  }
0xbc: {  	s0 =	sor.u32 s1, s0  }
0xbd: {  	s0 =	sadd.s32 $0x8F2B, s0  }
0xbe: {  	[sflag:s0] =	ssyncadd.remote.s32 $0x1  }
0xbf: {  	_ =	sfence.sel $0xFFFF  }
0xc0: {  	[dreg:$0x0] =	wrdreg $0xFFFFFFFF;
	(pc) =	sbr.abs _section_cstart, $3  }
0xc1: {  	[dreg:$0x1] =	wrdreg $0xFFFFFFFF  }
0xc2: {  	_ =	task.clear_ibuf [dreg:s7], $0x2FFFF;
	_ =	strace $0x9FFFFFFF  }
0xc3: {  	(tm) =	ssettm $0x7FFFFFFF  }
tec
execute0_lowered:
.L_overlay_start_1:
0x0: {  	(tag) =	ssettag $0x1  }
0x1: {  	s8 =	rddreg [dreg:$0x0]  }
0x2: {  	s1 =	rddreg [dreg:$0x1]  }
0x3: {  	s2 =	rddreg [dreg:$0x2];
	s3 =	stileid.u32  }
0x4: {  	s4 =	simm.s32 $0x0;
	s9 =	srdreg.scid;
	s20 =	simm.s32 $0x4100  }
0x5: {  	s21 =	simm.s32 $0x2;
	s22 =	simm.s32 $0x80;
	s23 =	simm.s32 $0x100  }
0x6: {  	s24 =	simm.s32 $0x1;
	s26 =	simm.s32 $0x0;
	s5 =	smul.u32 $0xA20, s3  }
0x7: {  	[smem:$0x7FF] =	sst s4;
	s10 =	smul.u32 $0x50000, s3;
	s6 =	sadd.s32 $0x6A200, s8  }
0x8: {  	s7 =	sadd.s32 $0x91400, s8;
	s14 =	sand.u32 $0x1, s9;
	s13 =	smul.u32 $0x4E000, s3  }
0x9: {  	s16 =	smul.u32 $0x2700, s3;
	s25 =	sadd.s32 $0x138000, s2;
	p1 =	sne.s32 s3, $0x0  }
0xa: {  	p2 =	seq.s32 s3, $0x0;
	_ =	strace $0x8000004A;
	s11 =	ssub.s32 $0x2, s14  }
0xb: {  	p0 =	seq.s32 s14, $0x1;
	s25 =	sshrl.u32 s25, $0x3;
	s19 =	sadd.s32 s5, s8  }
0xc: {  	s5 =	sadd.s32 $0x43000, s8;
	s8 =	sadd.s32 $0xB8600, s8;
	s30 =	sshrl.u32 s10, $0x2  }
.Ltmp0:
0xd: {  	s31 =	sshrl.u32 s11, $0x1;
	s15 =	sshrl.u32 s13, $0x2;
	(pc) =	sbr.rel .LBB2_1-.Ltmp0, $4  }
0xe: {  	s9 =	sadd.s32 s30, s2;
	s17 =	ssub.s32 s11, s31;
	s14 =	sadd.s32 s15, s2  }
0xf: {  	s15 =	sadd.s32 s7, s16;
	s16 =	sadd.s32 s8, s16;
	s18 =	sadd.s32 $0x7200, s19  }
0x10: {  	s19 =	sadd.s32 $0x38E00, s19;
	s10 =	sadd.s32 $0x4000, s9;
	s11 =	sadd.s32 $0x8000, s9  }
0x11: {  	s12 =	sadd.s32 $0xC000, s9;
	s13 =	sadd.s32 $0x10000, s9;
	s17 =	smax.u32 s17, $0x1  }
.LBB2_8:
0x12: {  	s0 =	sadd.s32 $0x27000, s29  }
0x13: {  	[hbm:s0], [sflag:s28] =	dma.local [spmem:s25], $0x100  }
0x14: {  	_ =	swait.ge [sflag:s21], $0x100  }
0x15: {  	[sflag:s21] =	ssyncset.done $0x0  }
0x16: {  	[sflag:s21] =	ssyncadd.s32 $0xFFFFFF00  }
.LBB2_9:
0x17: {  	s26 =	sadd.s32 $0x1, s26  }
0x18: {  	p3 =	sne.s32 s26, s17  }
.Ltmp1:
0x19: {  	_ = 	snop;
	(pc) =	sbr.rel @!p3 .LBB2_10-.Ltmp1, $1  }
0x1a: {  	_ =	sdelay $0x3  }
.LBB2_1:
0x1b: {  	[tilespmem:s20], [sflag:$0x2] =	stream.linear.gather [hbm4b:s1+s4], $0x4000, $0x38;
	[tilespmem:$0x1C100] =	vst v63  }
0x1c: {  	_ =	swait.ge [sflag:s21], $0x4000  }
0x1d: {  	[sflag:s21] =	ssyncset.done $0x0  }
0x1e: {  	[sflag:s21] =	ssyncadd.s32 $0xFFFFC000  }
0x1f: {  	[spmem:s9] =	stream.linear.scatter [tilespmem:s20], [sflag:$0x2], $0x4000, $0x38;
	[tilespmem:$0x1C100] =	vst v63  }
0x20: {  	_ =	swait.ge [sflag:s21], $0x4000  }
0x21: {  	[sflag:s21] =	ssyncset.done $0x0  }
0x22: {  	[sflag:s21] =	ssyncadd.s32 $0xFFFFC000  }
0x23: {  	[spmem:s10] =	stream.linear.scatter [tilespmem:s20], [sflag:$0x2], $0x4000, $0x38;
	[tilespmem:$0x1C100] =	vst v63  }
0x24: {  	_ =	swait.ge [sflag:s21], $0x4000  }
0x25: {  	[sflag:s21] =	ssyncset.done $0x0  }
0x26: {  	[sflag:s21] =	ssyncadd.s32 $0xFFFFC000  }
0x27: {  	[spmem:s11] =	stream.linear.scatter [tilespmem:s20], [sflag:$0x2], $0x4000, $0x38;
	[tilespmem:$0x1C100] =	vst v63  }
0x28: {  	_ =	swait.ge [sflag:s21], $0x4000  }
0x29: {  	[sflag:s21] =	ssyncset.done $0x0  }
0x2a: {  	[sflag:s21] =	ssyncadd.s32 $0xFFFFC000  }
0x2b: {  	[spmem:s12] =	stream.linear.scatter [tilespmem:s20], [sflag:$0x2], $0x4000, $0x38;
	[tilespmem:$0x1C100] =	vst v63  }
0x2c: {  	_ =	swait.ge [sflag:s21], $0x4000  }
0x2d: {  	[sflag:s21] =	ssyncset.done $0x0  }
0x2e: {  	[sflag:s21] =	ssyncadd.s32 $0xFFFFC000  }
0x2f: {  	[spmem:s13] =	stream.linear.scatter [tilespmem:s20], [sflag:$0x2], $0x4000, $0x38;
	[tilespmem:$0x1C100] =	vst v63  }
.Ltmp2:
0x30: {  	_ =	swait.ge [sflag:s21], $0x4000;
	(pc) =	sbr.rel @!p0 .LBB2_2-.Ltmp2, $3  }
0x31: {  	[sflag:s21] =	ssyncset.done $0x0  }
0x32: {  	[sflag:s21] =	ssyncadd.s32 $0xFFFFC000  }
0x33: {  	[bflag:$0x0] =	sbarrier.arrive $0xFFFF;
	_ =	sdelay $0x1  }
0x34: {  	s0 =	sadd.s32 $0x0, s19  }
0x35: {  	[tilespmem:s4], [sflag:$0x2] =	stream.linear.gather [hbm4b:s0+s4], $0x80, $0x38;
	[tilespmem:$0x1C100] =	vst v63  }
0x36: {  	_ =	swait.ge [sflag:s21], $0x80  }
0x37: {  	[sflag:s21] =	ssyncset.done $0x0  }
0x38: {  	s31 =	sadd.s32 $0x0, s18;
	[sflag:s21] =	ssyncadd.s32 $0xFFFFFF80  }
0x39: {  	[tilespmem:s22], [sflag:$0x2] =	stream.linear.gather [hbm4b:s31+s4], $0x80, $0x38;
	[tilespmem:$0x1C100] =	vst v63  }
0x3a: {  	_ =	swait.ge [sflag:s21], $0x80  }
0x3b: {  	[sflag:s21] =	ssyncset.done $0x0  }
0x3c: {  	[sflag:s21] =	ssyncadd.s32 $0xFFFFFF80  }
0x3d: {  	[tilespmem:s23], [sflag:$0x1] =	stream.indirect.gather [hbm4b:s6+s22], $0x80, s4, s22, $0xb8;
	[tilespmem:$0x1C100] =	vst v63  }
0x3e: {  	_ =	swait.ge [sflag:s24], $0x4000  }
0x3f: {  	[sflag:s24] =	ssyncset.done $0x0  }
0x40: {  	[sflag:s24] =	ssyncadd.s32 $0xFFFFC000  }
0x41: {  	[spmem:s2] =	stream.indirect.scatter.add.f32 [tilespmem:s23], [sflag:$0x2], $0x80, s22, s22, $0xb8;
	[tilespmem:$0x1C100] =	vst v63  }
0x42: {  	_ =	swait.ge [sflag:s21], $0x4000  }
0x43: {  	s28 =	simm.s32 $0x10;
	s29 =	simm.s32 $0x20;
	[sflag:s21] =	ssyncset.done $0x0  }
.LBB2_6:
0x44: {  	s0 =	sadd.s32 s28, s19  }
0x45: {  	[sflag:s21] =	ssyncadd.s32 $0xFFFFC000;
	s30 =	smov.u32 s29;
	s31 =	sadd.s32 $0x10, s29  }
0x46: {  	[tilespmem:s4], [sflag:$0x2] =	stream.linear.gather [hbm4b:s0+s4], $0x80, $0x38;
	[tilespmem:$0x1C100] =	vst v63  }
0x47: {  	p3 =	sne.s32 s29, $0xA10;
	_ =	swait.ge [sflag:s21], $0x80  }
0x48: {  	[sflag:s21] =	ssyncset.done $0x0  }
0x49: {  	s0 =	sadd.s32 s28, s18;
	s28 =	smov.u32 s30;
	[sflag:s21] =	ssyncadd.s32 $0xFFFFFF80  }
0x4a: {  	[tilespmem:s22], [sflag:$0x2] =	stream.linear.gather [hbm4b:s0+s4], $0x80, $0x38;
	[tilespmem:$0x1C100] =	vst v63  }
0x4b: {  	_ =	swait.ge [sflag:s21], $0x80  }
0x4c: {  	[sflag:s21] =	ssyncset.done $0x0  }
0x4d: {  	[sflag:s21] =	ssyncadd.s32 $0xFFFFFF80  }
0x4e: {  	[tilespmem:s23], [sflag:$0x1] =	stream.indirect.gather [hbm4b:s6+s22], $0x80, s4, s22, $0xb8;
	[tilespmem:$0x1C100] =	vst v63  }
0x4f: {  	_ =	swait.ge [sflag:s24], $0x4000  }
.Ltmp3:
0x50: {  	[sflag:s24] =	ssyncset.done $0x0;
	(pc) =	sbr.rel @p3 .LBB2_6-.Ltmp3, $4  }
0x51: {  	[sflag:s24] =	ssyncadd.s32 $0xFFFFC000  }
0x52: {  	[spmem:s2] =	stream.indirect.scatter.add.f32 [tilespmem:s23], [sflag:$0x2], $0x80, s22, s22, $0xb8;
	[tilespmem:$0x1C100] =	vst v63  }
0x53: {  	_ =	swait.ge [sflag:s21], $0x4000  }
0x54: {  	s29 =	smov.u32 s31;
	[sflag:s21] =	ssyncset.done $0x0  }
0x55: {  	s0 =	sadd.s32 s28, s19;
	[sflag:s21] =	ssyncadd.s32 $0xFFFFC000  }
0x56: {  	[tilespmem:s4], [sflag:$0x2] =	stream.linear.gather [hbm4b:s0+s4], $0x80, $0x38;
	[tilespmem:$0x1C100] =	vst v63  }
0x57: {  	_ =	swait.ge [sflag:s21], $0x80  }
0x58: {  	[sflag:s21] =	ssyncset.done $0x0  }
0x59: {  	s31 =	sadd.s32 s28, s18;
	[sflag:s21] =	ssyncadd.s32 $0xFFFFFF80  }
0x5a: {  	[tilespmem:s22], [sflag:$0x2] =	stream.linear.gather [hbm4b:s31+s4], $0x80, $0x38;
	[tilespmem:$0x1C100] =	vst v63  }
0x5b: {  	_ =	swait.ge [sflag:s21], $0x80  }
0x5c: {  	[sflag:s21] =	ssyncset.done $0x0  }
0x5d: {  	[sflag:s21] =	ssyncadd.s32 $0xFFFFFF80  }
0x5e: {  	[tilespmem:s23], [sflag:$0x1] =	stream.indirect.gather [hbm4b:s6+s22], $0x80, s4, s22, $0xb8;
	[tilespmem:$0x1C100] =	vst v63  }
0x5f: {  	_ =	swait.ge [sflag:s24], $0x4000  }
0x60: {  	[sflag:s24] =	ssyncset.done $0x0  }
0x61: {  	[sflag:s24] =	ssyncadd.s32 $0xFFFFC000  }
0x62: {  	[spmem:s2] =	stream.indirect.scatter.add.f32 [tilespmem:s23], [sflag:$0x2], $0x80, s22, s22, $0xb8;
	[tilespmem:$0x1C100] =	vst v63  }
0x63: {  	_ =	swait.ge [sflag:s21], $0x4000  }
0x64: {  	[sflag:s21] =	ssyncset.done $0x0  }
0x65: {  	s30 =	sshll.u32 s3, $0x6;
	[sflag:s21] =	ssyncadd.s32 $0xFFFFC000  }
0x66: {  	s28 =	sor.u32 $0x1C02, s30;
	s31 =	sshrl.u32 s14, $0x3;
	[bflag:$0x0] =	sbarrier.arrive $0xFFFF  }
0x67: {  	[hbm:s16], [sflag:s28] =	dma.local [spmem:s31], $0x2700  }
.Ltmp4:
0x68: {  	_ = 	snop;
	(pc) =	sbr.rel @p1 .LBB2_9-.Ltmp4, $4  }
.Ltmp5:
0x69: {  	_ = 	snop;
	(pc) =	sbr.rel @!p1 .LBB2_8-.Ltmp5, $4  }
0x6a: {  	_ =	swait.ge [sflag:s21], $0x2700  }
0x6b: {  	[sflag:s21] =	ssyncset.done $0x0  }
0x6c: {  	s29 =	smov.u32 s8;
	[sflag:s21] =	ssyncadd.s32 $0xFFFFD900  }
0x6d: {  	_ = 	snop  }
.LBB2_2:
0x6e: {  	s28 =	sadd.s32 $0x0, s19  }
0x6f: {  	[tilespmem:s4], [sflag:$0x2] =	stream.linear.gather [hbm4b:s28+s4], $0x80, $0x38;
	[tilespmem:$0x1C100] =	vst v63  }
0x70: {  	_ =	swait.ge [sflag:s21], $0x80  }
0x71: {  	[sflag:s21] =	ssyncset.done $0x0  }
0x72: {  	s28 =	sadd.s32 $0x0, s18;
	[sflag:s21] =	ssyncadd.s32 $0xFFFFFF80  }
0x73: {  	[tilespmem:s22], [sflag:$0x2] =	stream.linear.gather [hbm4b:s28+s4], $0x80, $0x38;
	[tilespmem:$0x1C100] =	vst v63  }
0x74: {  	_ =	swait.ge [sflag:s21], $0x80  }
0x75: {  	[sflag:s21] =	ssyncset.done $0x0  }
0x76: {  	[sflag:s21] =	ssyncadd.s32 $0xFFFFFF80  }
0x77: {  	[tilespmem:s23], [sflag:$0x1] =	stream.indirect.gather [hbm4b:s5+s22], $0x80, s4, s22, $0xb8;
	[tilespmem:$0x1C100] =	vst v63  }
0x78: {  	_ =	swait.ge [sflag:s24], $0x4000  }
0x79: {  	[sflag:s24] =	ssyncset.done $0x0  }
0x7a: {  	[sflag:s24] =	ssyncadd.s32 $0xFFFFC000  }
0x7b: {  	[spmem:s2] =	stream.indirect.scatter.add.f32 [tilespmem:s23], [sflag:$0x2], $0x80, s22, s22, $0xb8;
	[tilespmem:$0x1C100] =	vst v63  }
0x7c: {  	_ =	swait.ge [sflag:s21], $0x4000  }
0x7d: {  	s29 =	simm.s32 $0x20;
	s28 =	simm.s32 $0x10;
	[sflag:s21] =	ssyncset.done $0x0  }
.LBB2_3:
0x7e: {  	s30 =	sadd.s32 s28, s19  }
0x7f: {  	[sflag:s21] =	ssyncadd.s32 $0xFFFFC000;
	s31 =	smov.u32 s29;
	s0 =	sadd.s32 $0x10, s29  }
0x80: {  	[tilespmem:s4], [sflag:$0x2] =	stream.linear.gather [hbm4b:s30+s4], $0x80, $0x38;
	[tilespmem:$0x1C100] =	vst v63  }
0x81: {  	p3 =	sne.s32 s29, $0xA10;
	_ =	swait.ge [sflag:s21], $0x80  }
0x82: {  	[sflag:s21] =	ssyncset.done $0x0  }
0x83: {  	s29 =	sadd.s32 s28, s18;
	s28 =	smov.u32 s31;
	[sflag:s21] =	ssyncadd.s32 $0xFFFFFF80  }
0x84: {  	[tilespmem:s22], [sflag:$0x2] =	stream.linear.gather [hbm4b:s29+s4], $0x80, $0x38;
	[tilespmem:$0x1C100] =	vst v63  }
0x85: {  	_ =	swait.ge [sflag:s21], $0x80  }
0x86: {  	[sflag:s21] =	ssyncset.done $0x0  }
0x87: {  	[sflag:s21] =	ssyncadd.s32 $0xFFFFFF80  }
0x88: {  	[tilespmem:s23], [sflag:$0x1] =	stream.indirect.gather [hbm4b:s5+s22], $0x80, s4, s22, $0xb8;
	[tilespmem:$0x1C100] =	vst v63  }
0x89: {  	_ =	swait.ge [sflag:s24], $0x4000  }
.Ltmp6:
0x8a: {  	[sflag:s24] =	ssyncset.done $0x0;
	(pc) =	sbr.rel @p3 .LBB2_3-.Ltmp6, $4  }
0x8b: {  	[sflag:s24] =	ssyncadd.s32 $0xFFFFC000  }
0x8c: {  	[spmem:s2] =	stream.indirect.scatter.add.f32 [tilespmem:s23], [sflag:$0x2], $0x80, s22, s22, $0xb8;
	[tilespmem:$0x1C100] =	vst v63  }
0x8d: {  	_ =	swait.ge [sflag:s21], $0x4000  }
0x8e: {  	s29 =	smov.u32 s0;
	[sflag:s21] =	ssyncset.done $0x0  }
0x8f: {  	s0 =	sadd.s32 s28, s19;
	[sflag:s21] =	ssyncadd.s32 $0xFFFFC000  }
0x90: {  	[tilespmem:s4], [sflag:$0x2] =	stream.linear.gather [hbm4b:s0+s4], $0x80, $0x38;
	[tilespmem:$0x1C100] =	vst v63  }
0x91: {  	_ =	swait.ge [sflag:s21], $0x80  }
0x92: {  	[sflag:s21] =	ssyncset.done $0x0  }
0x93: {  	s31 =	sadd.s32 s28, s18;
	[sflag:s21] =	ssyncadd.s32 $0xFFFFFF80  }
0x94: {  	[tilespmem:s22], [sflag:$0x2] =	stream.linear.gather [hbm4b:s31+s4], $0x80, $0x38;
	[tilespmem:$0x1C100] =	vst v63  }
0x95: {  	_ =	swait.ge [sflag:s21], $0x80  }
0x96: {  	[sflag:s21] =	ssyncset.done $0x0  }
0x97: {  	[sflag:s21] =	ssyncadd.s32 $0xFFFFFF80  }
0x98: {  	[tilespmem:s23], [sflag:$0x1] =	stream.indirect.gather [hbm4b:s5+s22], $0x80, s4, s22, $0xb8;
	[tilespmem:$0x1C100] =	vst v63  }
0x99: {  	_ =	swait.ge [sflag:s24], $0x4000  }
0x9a: {  	[sflag:s24] =	ssyncset.done $0x0  }
0x9b: {  	[sflag:s24] =	ssyncadd.s32 $0xFFFFC000  }
0x9c: {  	[spmem:s2] =	stream.indirect.scatter.add.f32 [tilespmem:s23], [sflag:$0x2], $0x80, s22, s22, $0xb8;
	[tilespmem:$0x1C100] =	vst v63  }
0x9d: {  	_ =	swait.ge [sflag:s21], $0x4000  }
0x9e: {  	[sflag:s21] =	ssyncset.done $0x0  }
0x9f: {  	s30 =	sshll.u32 s3, $0x6;
	[sflag:s21] =	ssyncadd.s32 $0xFFFFC000  }
0xa0: {  	s28 =	sor.u32 $0x1C02, s30;
	s31 =	sshrl.u32 s14, $0x3;
	[bflag:$0x0] =	sbarrier.arrive $0xFFFF  }
0xa1: {  	[hbm:s15], [sflag:s28] =	dma.local [spmem:s31], $0x2700  }
.Ltmp7:
0xa2: {  	_ = 	snop;
	(pc) =	sbr.rel @!p2 .LBB2_9-.Ltmp7, $4  }
.Ltmp8:
0xa3: {  	_ = 	snop;
	(pc) =	sbr.rel @p2 .LBB2_8-.Ltmp8, $4  }
0xa4: {  	_ =	swait.ge [sflag:s21], $0x2700  }
0xa5: {  	[sflag:s21] =	ssyncset.done $0x0  }
0xa6: {  	s29 =	smov.u32 s7;
	[sflag:s21] =	ssyncadd.s32 $0xFFFFD900  }
0xa7: {  	_ = 	snop  }
.LBB2_10:
0xa8: {  	_ =	sfence.sel $0x180000  }
0xa9: {  	[bflag:$0x0] =	sbarrier.arrive $0xFFFF  }
0xaa: {  	_ =	strace $0x9000004A  }
0xab: {  	[bflag:$0x2] =	sbarrier.arrive $0xFFFF  }
0xac: {  	s0 =	rddreg [dreg:$0x3]  }
0xad: {  	s0 =	sadd.s32 @!p1 $0x100000, s0  }
0xae: {  	[sflag:s0] =	ssyncadd.tile.s32 @!p1 $0x1;
	_ =	shalt  }
.Lfunc_end2:
_tile_overlayer_lowered:
.L_overlay_start_2:
0xaf: {  	(tag) =	ssettag $0x2  }
0xb0: {  	s0 =	rddreg [dreg:$0x0];
	s2 =	stileid.u32  }
0xb1: {  	s1 =	rddreg [dreg:$0x1];
	p0 =	sne.s32 s2, $0x0  }
0xb2: {  	s3 =	rddreg [dreg:$0x2];
	[bflag:$0x3] =	sbarrier.arrive $0xFFFF;
	s2 =	simm.s32 @!p0 $0x1C02  }
0xb3: {  	[timem:s3], [sflag:s2] =	dma.local @!p0 [hbm:s0], s1  }
0xb4: {  	s0 =	simm.s32 @!p0 $0x2  }
0xb5: {  	_ =	swait.ge @!p0 [sflag:s0], s1  }
0xb6: {  	s1 =	ssub.s32 @!p0 $0x0, s1;
	[sflag:s0] =	ssyncset.done @!p0 $0x0  }
0xb7: {  	[sflag:s0] =	ssyncadd.s32 @!p0 s1  }
0xb8: {  	[bflag:$0x3] =	sbarrier.arrive $0xFFFF  }
0xb9: {  	_ =	shalt  }

// kernel: kernel.18.cloned.1.call-start
scs
__scs_entry_jumppad:
0x0: {  	(pc) =	sbr.rel $0x88, $3  }
0x1: {  	(tag) =	ssettag $0x0;
	lr =	simm.s32 $0x1  }
0x2: {  	[smem:$0x3F91] =	sst lr;
	_ =	strace $0xD0000000  }
0x3: {  	_ = 	snop  }
0x4: {  	_ = 	snop  }
0x5: {  	_ = 	snop  }
0x6: {  	_ = 	snop  }
0x7: {  	_ = 	snop  }
__scs_overlays_trampoline_lowered:
0x8: {  	[smem:$0x3FA0] =	sst s0  }
0x9: {  	[smem:$0x3FA1] =	sst s1  }
0xa: {  	[smem:$0x3FA2] =	sst s2  }
0xb: {  	[smem:$0x3FA3] =	sst s3  }
0xc: {  	[smem:$0x3FA4] =	sst s4  }
0xd: {  	[smem:$0x3FA5] =	sst s5  }
0xe: {  	[smem:$0x3FA6] =	sst s6  }
0xf: {  	[smem:$0x3FA7] =	sst s7  }
0x10: {  	[smem:$0x3FA8] =	sst s8  }
0x11: {  	[smem:$0x3FA9] =	sst s9;
	s0 =	simm.s32 @!p0 $0x0  }
0x12: {  	s1 =	sld [smem:$0x3F8F];
	s0 =	simm.s32 @p0 $0x1  }
0x13: {  	[smem:$0x3FAA] =	sst s0;
	s0 =	simm.s32 @!p1 $0x0  }
0x14: {  	s2 =	sld [smem:$0x3F8E];
	s0 =	simm.s32 @p1 $0x1  }
0x15: {  	[smem:$0x3FAB] =	sst s0;
	s0 =	simm.s32 @!p2 $0x0  }
0x16: {  	s3 =	sld [smem:$0x3FDB];
	s0 =	simm.s32 @p2 $0x1  }
0x17: {  	s4 =	simm.s32 $0x1BF5;
	[smem:$0x3FAD] =	sst s0  }
0x18: {  	s0 =	sld [smem:$0x3F90];
	_ =	swait.ge [sflag:s4], $0x0  }
0x19: {  	s7 =	sld [smem:$0x3F91]  }
0x1a: {  	s8 =	sadd.s32 $0xFFFFE003, lr  }
0x1b: {  	s9 =	sadd.s32 $0xFFFFFEF7, lr;
	s5 =	simm.s32 $0xFFFFFFFF;
	p2 =	slt.u32 s8, $0xFFFFF086  }
0x1c: {  	p1 =	slt.u32 s9, $0xF7A;
	s5 =	simm.s32 @!p2 $0x0  }
0x1d: {  	s5 =	simm.s32 @p1 $0x1;
	p0 =	seq.s32 s7, s2  }
0x1e: {  	s7 =	smul.u32 @!p0 $0xF7A, s2;
	p2 =	seq.s32 @!p0 s5, $0x0  }
0x1f: {  	s9 =	smul.u32 $0xF7A, s1;
	s8 =	simm.s32 @!p0 $0x1BF5;
	p2 =	por !p2, p0  }
0x20: {  	[sflag:s8] =	ssyncset.s32 @!p0 $0xFFFFF086;
	s6 =	sadd.s32 @!p0 s3, s7;
	s7 =	simm.s32 @!p0 $0x108  }
0x21: {  	s3 =	sadd.s32 s3, s9;
	s6 =	sadd.s32 @!p0 $0x88, s6;
	s7 =	simm.s32 @p2 $0x1082  }
0x22: {  	[simem:s7], [sflag:s8] =	dma.local @!p0 [hbm:s6], $0xF7A  }
0x23: {  	s9 =	sor.u32 $0xD0000000, s2;
	s6 =	simm.s32 $0x108;
	_ =	swait.ge @!p0 [sflag:s8], $0x0  }
0x24: {  	s3 =	sadd.s32 $0x88, s3;
	s6 =	simm.s32 @!p1 $0x1082;
	[sflag:s4] =	ssyncset.s32 $0xFFFFF086  }
0x25: {  	[simem:s6], [sflag:s4] =	dma.local [hbm:s3], $0xF7A  }
0x26: {  	[smem:$0x3F91] =	sst s1;
	(tag) =	ssettag s2;
	_ =	strace s9  }
0x27: {  	s1 =	sld [smem:$0x3FA1]  }
0x28: {  	s2 =	sld [smem:$0x3FA2]  }
0x29: {  	s4 =	sld [smem:$0x3FA4]  }
0x2a: {  	p0 =	seq.s32 s5, $0x0;
	s5 =	sld [smem:$0x3FA5]  }
0x2b: {  	s6 =	sld [smem:$0x3FA6]  }
0x2c: {  	s7 =	sld [smem:$0x3FA7]  }
0x2d: {  	s3 =	simm.s32 $0x108;
	s8 =	sld [smem:$0x3FA8]  }
0x2e: {  	s3 =	simm.s32 @!p0 $0x1082;
	s9 =	sld [smem:$0x3FA9]  }
0x2f: {  	lr =	sadd.s32 s0, s3;
	s0 =	sld [smem:$0x3FA0]  }
0x30: {  	s3 =	sld [smem:$0x3FA3]  }
0x31: {  	[smem:$0x3FAC] =	sst s10  }
0x32: {  	s10 =	sld [smem:$0x3FAA];
	_ =	sdelay $0x3  }
0x33: {  	p0 =	seq.s32 s10, $0x1;
	s10 =	sld [smem:$0x3FAC];
	_ =	sdelay $0x3  }
0x34: {  	[smem:$0x3FAC] =	sst s10  }
0x35: {  	s10 =	sld [smem:$0x3FAB];
	_ =	sdelay $0x3  }
0x36: {  	p1 =	seq.s32 s10, $0x1;
	s10 =	sld [smem:$0x3FAC];
	_ =	sdelay $0x3  }
0x37: {  	[smem:$0x3FAC] =	sst s10  }
0x38: {  	s10 =	sld [smem:$0x3FAD]  }
0x39: {  	_ = 	snop;
	(pc) =	sbr.ind lr, $3  }
0x3a: {  	_ = 	snop  }
0x3b: {  	_ = 	snop  }
0x3c: {  	p2 =	seq.s32 s10, $0x1;
	s10 =	sld [smem:$0x3FAC]  }
0x3d: {  	_ =	shalt  }
0x3e: {  	_ =	shalt  }
0x3f: {  	_ =	shalt  }
0x40: {  	_ =	shalt  }
0x41: {  	_ =	shalt  }
0x42: {  	_ =	shalt  }
0x43: {  	_ =	shalt  }
0x44: {  	_ =	shalt  }
0x45: {  	_ =	shalt  }
0x46: {  	_ =	shalt  }
0x47: {  	_ =	shalt  }
0x48: {  	_ =	shalt  }
0x49: {  	_ =	shalt  }
0x4a: {  	_ =	shalt  }
0x4b: {  	_ =	shalt  }
0x4c: {  	_ =	shalt  }
0x4d: {  	_ =	shalt  }
0x4e: {  	_ =	shalt  }
0x4f: {  	_ =	shalt  }
0x50: {  	_ =	shalt  }
0x51: {  	_ =	shalt  }
0x52: {  	_ =	shalt  }
0x53: {  	_ =	shalt  }
0x54: {  	_ =	shalt  }
0x55: {  	_ =	shalt  }
0x56: {  	_ =	shalt  }
0x57: {  	_ =	shalt  }
0x58: {  	_ =	shalt  }
0x59: {  	_ =	shalt  }
0x5a: {  	_ =	shalt  }
0x5b: {  	_ =	shalt  }
0x5c: {  	_ =	shalt  }
0x5d: {  	_ =	shalt  }
0x5e: {  	_ =	shalt  }
0x5f: {  	_ =	shalt  }
0x60: {  	_ =	shalt  }
0x61: {  	_ =	shalt  }
0x62: {  	_ =	shalt  }
0x63: {  	_ =	shalt  }
0x64: {  	_ =	shalt  }
0x65: {  	_ =	shalt  }
0x66: {  	_ =	shalt  }
0x67: {  	_ =	shalt  }
0x68: {  	_ =	shalt  }
0x69: {  	_ =	shalt  }
0x6a: {  	_ =	shalt  }
0x6b: {  	_ =	shalt  }
0x6c: {  	_ =	shalt  }
0x6d: {  	_ =	shalt  }
0x6e: {  	_ =	shalt  }
0x6f: {  	_ =	shalt  }
0x70: {  	_ =	shalt  }
0x71: {  	_ =	shalt  }
0x72: {  	_ =	shalt  }
0x73: {  	_ =	shalt  }
0x74: {  	_ =	shalt  }
0x75: {  	_ =	shalt  }
0x76: {  	_ =	shalt  }
0x77: {  	_ =	shalt  }
0x78: {  	_ =	shalt  }
0x79: {  	_ =	shalt  }
0x7a: {  	_ =	shalt  }
0x7b: {  	_ =	shalt  }
0x7c: {  	_ =	shalt  }
0x7d: {  	_ =	shalt  }
0x7e: {  	_ =	shalt  }
0x7f: {  	_ =	shalt  }
0x80: {  	_ =	shalt  }
0x81: {  	_ =	shalt  }
0x82: {  	_ =	shalt  }
0x83: {  	_ =	shalt  }
0x84: {  	_ =	shalt  }
0x85: {  	_ =	shalt  }
0x86: {  	_ =	shalt  }
0x87: {  	_ =	shalt  }
.Lfunc_end0:
.L_simem_size_0:
called_computation.2_lowered:
.L_overlay_start_0:
0x88: {  	s2 =	sld [smem:$0x3FD9]  }
0x89: {  	s3 =	sld [smem:$0x3FFE];
	_ =	sdelay $0x1  }
0x8a: {  	s1 =	srdreg.scid  }
0x8b: {  	s0 =	sand.u32 $0x1, s1  }
0x8c: {  	s17 =	sshll.u32 s0, $0xA;
	s2 =	sadd.s32 s3, s2  }
0x8d: {  	s2 =	sadd.s32 s2, s17  }
0x8e: {  	[smem:$0x3FB8] =	sst s2  }
0x8f: {  	_ = 	snop  }
0x90: {  	s2 =	sld [smem:$0x3FD0];
	(tm) =	ssettm $0x1  }
0x91: {  	s18 =	sld [smem:$0x3FFB];
	_ =	sdelay $0x3  }
0x92: {  	_ =	strace s18  }
0x93: {  	s3 =	sld [smem:$0x3FFC];
	_ =	sdelay $0x3  }
0x94: {  	_ =	strace s3  }
0x95: {  	s3 =	sld [smem:$0x3FFD];
	_ =	sdelay $0x3  }
0x96: {  	_ =	strace s3  }
0x97: {  	_ =	strace $0x8FFFFFFF  }
0x98: {  	s19 =	sld [smem:$0x3FDB];
	_ =	sdelay $0x1  }
0x99: {  	s4 =	simm.s32 $_scs_section_size  }
0x9a: {  	s5 =	simm.s32 $_size__tile_overlayer_lowered;
	s6 =	simm.s32 $_tile_overlayer_lowered  }
0x9b: {  	s22 =	simm.s32 $0x1BFF;
	s21 =	sshll.u32 s6, $0x1;
	s3 =	sadd.s32 s4, s19  }
0x9c: {  	s7 =	simm.s32 $0x0;
	s20 =	sshll.u32 s5, $0x1;
	s5 =	sadd.s32 s21, s3  }
0x9d: {  	[timem:s7], [sflag:s22] =	dma.local [hbm:s5], s20  }
0x9e: {  	_ =	swait.ge [sflag:s22], s20  }
0x9f: {  	s4 =	ssub.s32 $0x0, s20;
	[sflag:s22] =	ssyncset.done $0x0  }
0xa0: {  	[sflag:s22] =	ssyncadd.s32 s4;
	_ =	sdelay $0x1  }
0xa1: {  	s23 =	simm.s32 $0x1B8B  }
0xa2: {  	_ =	swait.ge [sflag:s23], $0x1  }
0xa3: {  	[sflag:s23] =	ssyncset.done $0x0  }
0xa4: {  	s25 =	simm.s32 $0x1B8E;
	s24 =	sld [smem:$0x3FFE];
	[sflag:s23] =	ssyncadd.s32 $0xFFFFFFFF  }
0xa5: {  	s26 =	simm.s32 $execute0_lowered;
	[smem:$0x3FD2] =	sst s25  }
0xa6: {  	s5 =	sshll.u32 s26, $0x1;
	_ =	strace $0x8000004C;
	[dreg:$0x1] =	wrdreg $0xFFFFFFFF  }
0xa7: {  	s28 =	simm.s32 $_size_execute0_lowered;
	s3 =	sadd.s32 s3, s5;
	[dreg:$0x0] =	wrdreg $0x0  }
0xa8: {  	s5 =	sshll.u32 s28, $0x1;
	[dreg:$0x2] =	wrdreg s3  }
0xa9: {  	[dreg:$0x3] =	wrdreg s5  }
0xaa: {  	[dreg:$0x4] =	wrdreg $0xC0  }
0xab: {  	_ =	task [dreg:s7], $0x5FFFF  }
0xac: {  	[dreg:$0x1] =	wrdreg $0xFFFFFFFF  }
0xad: {  	[dreg:$0x0] =	wrdreg $0x60  }
0xae: {  	[dreg:$0x2] =	wrdreg s24  }
0xaf: {  	[dreg:$0x3] =	wrdreg s2  }
0xb0: {  	[dreg:$0x4] =	wrdreg $0x81000  }
0xb1: {  	[dreg:$0x5] =	wrdreg $0x9  }
0xb2: {  	_ =	task.clear_ibuf [dreg:s7], $0x6FFFF;
	_ =	strace $0x9000004C  }
0xb3: {  	s29 =	simm.s32 $0x9;
	_ =	strace $0x8000004E  }
0xb4: {  	_ =	swait.ge [sflag:s29], $0x1  }
0xb5: {  	[sflag:s29] =	ssyncadd.s32 $0xFFFFFFFF  }
0xb6: {  	_ =	strace $0x9000004E  }
0xb7: {  	_ =	sfence  }
0xb8: {  	s30 =	sld [smem:$0x0];
	_ =	sdelay $0x2  }
0xb9: {  	s31 =	sshll.u32 s1, $0xD;
	s1 =	sshrl.u32 s1, $0x2  }
0xba: {  	s3 =	sand.u32 $0x4000, s31;
	s1 =	sadd.s32 s1, s30  }
0xbb: {  	s0 =	sor.u32 s3, s0;
	s1 =	sshll.u32 s1, $0x11  }
0xbc: {  	s0 =	sor.u32 s1, s0  }
0xbd: {  	s0 =	sadd.s32 $0x8F2B, s0  }
0xbe: {  	[sflag:s0] =	ssyncadd.remote.s32 $0x1  }
0xbf: {  	_ =	sfence.sel $0xFFFF  }
0xc0: {  	[dreg:$0x0] =	wrdreg $0xFFFFFFFF;
	(pc) =	sbr.abs _section_cstart, $3  }
0xc1: {  	[dreg:$0x1] =	wrdreg $0xFFFFFFFF  }
0xc2: {  	_ =	task.clear_ibuf [dreg:s7], $0x2FFFF;
	_ =	strace $0x9FFFFFFF  }
0xc3: {  	(tm) =	ssettm $0x7FFFFFFF  }
tec
execute0_lowered:
.L_overlay_start_1:
0x0: {  	(tag) =	ssettag $0x1  }
0x1: {  	s8 =	rddreg [dreg:$0x0]  }
0x2: {  	s1 =	rddreg [dreg:$0x1]  }
0x3: {  	s2 =	rddreg [dreg:$0x2];
	s3 =	stileid.u32  }
0x4: {  	s4 =	simm.s32 $0x0;
	s9 =	srdreg.scid;
	s20 =	simm.s32 $0x4100  }
0x5: {  	s21 =	simm.s32 $0x2;
	s22 =	simm.s32 $0x80;
	s23 =	simm.s32 $0x100  }
0x6: {  	s24 =	simm.s32 $0x1;
	s26 =	simm.s32 $0x0;
	s5 =	smul.u32 $0xA20, s3  }
0x7: {  	[smem:$0x7FF] =	sst s4;
	s10 =	smul.u32 $0x50000, s3;
	s6 =	sadd.s32 $0x6A200, s8  }
0x8: {  	s7 =	sadd.s32 $0x91400, s8;
	s14 =	sand.u32 $0x1, s9;
	s13 =	smul.u32 $0x4E000, s3  }
0x9: {  	s16 =	smul.u32 $0x2700, s3;
	s25 =	sadd.s32 $0x138000, s2;
	p1 =	sne.s32 s3, $0x0  }
0xa: {  	p2 =	seq.s32 s3, $0x0;
	_ =	strace $0x8000004D;
	s11 =	ssub.s32 $0x2, s14  }
0xb: {  	p0 =	seq.s32 s14, $0x1;
	s25 =	sshrl.u32 s25, $0x3;
	s19 =	sadd.s32 s5, s8  }
0xc: {  	s5 =	sadd.s32 $0x43000, s8;
	s8 =	sadd.s32 $0xB8600, s8;
	s30 =	sshrl.u32 s10, $0x2  }
.Ltmp0:
0xd: {  	s31 =	sshrl.u32 s11, $0x1;
	s15 =	sshrl.u32 s13, $0x2;
	(pc) =	sbr.rel .LBB2_1-.Ltmp0, $4  }
0xe: {  	s9 =	sadd.s32 s30, s2;
	s17 =	ssub.s32 s11, s31;
	s14 =	sadd.s32 s15, s2  }
0xf: {  	s15 =	sadd.s32 s7, s16;
	s16 =	sadd.s32 s8, s16;
	s18 =	sadd.s32 $0x7200, s19  }
0x10: {  	s19 =	sadd.s32 $0x38E00, s19;
	s10 =	sadd.s32 $0x4000, s9;
	s11 =	sadd.s32 $0x8000, s9  }
0x11: {  	s12 =	sadd.s32 $0xC000, s9;
	s13 =	sadd.s32 $0x10000, s9;
	s17 =	smax.u32 s17, $0x1  }
.LBB2_8:
0x12: {  	s0 =	sadd.s32 $0x27000, s29  }
0x13: {  	[hbm:s0], [sflag:s28] =	dma.local [spmem:s25], $0x100  }
0x14: {  	_ =	swait.ge [sflag:s21], $0x100  }
0x15: {  	[sflag:s21] =	ssyncset.done $0x0  }
0x16: {  	[sflag:s21] =	ssyncadd.s32 $0xFFFFFF00  }
.LBB2_9:
0x17: {  	s26 =	sadd.s32 $0x1, s26  }
0x18: {  	p3 =	sne.s32 s26, s17  }
.Ltmp1:
0x19: {  	_ = 	snop;
	(pc) =	sbr.rel @!p3 .LBB2_10-.Ltmp1, $1  }
0x1a: {  	_ =	sdelay $0x3  }
.LBB2_1:
0x1b: {  	[tilespmem:s20], [sflag:$0x2] =	stream.linear.gather [hbm4b:s1+s4], $0x4000, $0x38;
	[tilespmem:$0x1C100] =	vst v63  }
0x1c: {  	_ =	swait.ge [sflag:s21], $0x4000  }
0x1d: {  	[sflag:s21] =	ssyncset.done $0x0  }
0x1e: {  	[sflag:s21] =	ssyncadd.s32 $0xFFFFC000  }
0x1f: {  	[spmem:s9] =	stream.linear.scatter [tilespmem:s20], [sflag:$0x2], $0x4000, $0x38;
	[tilespmem:$0x1C100] =	vst v63  }
0x20: {  	_ =	swait.ge [sflag:s21], $0x4000  }
0x21: {  	[sflag:s21] =	ssyncset.done $0x0  }
0x22: {  	[sflag:s21] =	ssyncadd.s32 $0xFFFFC000  }
0x23: {  	[spmem:s10] =	stream.linear.scatter [tilespmem:s20], [sflag:$0x2], $0x4000, $0x38;
	[tilespmem:$0x1C100] =	vst v63  }
0x24: {  	_ =	swait.ge [sflag:s21], $0x4000  }
0x25: {  	[sflag:s21] =	ssyncset.done $0x0  }
0x26: {  	[sflag:s21] =	ssyncadd.s32 $0xFFFFC000  }
0x27: {  	[spmem:s11] =	stream.linear.scatter [tilespmem:s20], [sflag:$0x2], $0x4000, $0x38;
	[tilespmem:$0x1C100] =	vst v63  }
0x28: {  	_ =	swait.ge [sflag:s21], $0x4000  }
0x29: {  	[sflag:s21] =	ssyncset.done $0x0  }
0x2a: {  	[sflag:s21] =	ssyncadd.s32 $0xFFFFC000  }
0x2b: {  	[spmem:s12] =	stream.linear.scatter [tilespmem:s20], [sflag:$0x2], $0x4000, $0x38;
	[tilespmem:$0x1C100] =	vst v63  }
0x2c: {  	_ =	swait.ge [sflag:s21], $0x4000  }
0x2d: {  	[sflag:s21] =	ssyncset.done $0x0  }
0x2e: {  	[sflag:s21] =	ssyncadd.s32 $0xFFFFC000  }
0x2f: {  	[spmem:s13] =	stream.linear.scatter [tilespmem:s20], [sflag:$0x2], $0x4000, $0x38;
	[tilespmem:$0x1C100] =	vst v63  }
.Ltmp2:
0x30: {  	_ =	swait.ge [sflag:s21], $0x4000;
	(pc) =	sbr.rel @!p0 .LBB2_2-.Ltmp2, $3  }
0x31: {  	[sflag:s21] =	ssyncset.done $0x0  }
0x32: {  	[sflag:s21] =	ssyncadd.s32 $0xFFFFC000  }
0x33: {  	[bflag:$0x0] =	sbarrier.arrive $0xFFFF;
	_ =	sdelay $0x1  }
0x34: {  	s0 =	sadd.s32 $0x0, s19  }
0x35: {  	[tilespmem:s4], [sflag:$0x2] =	stream.linear.gather [hbm4b:s0+s4], $0x80, $0x38;
	[tilespmem:$0x1C100] =	vst v63  }
0x36: {  	_ =	swait.ge [sflag:s21], $0x80  }
0x37: {  	[sflag:s21] =	ssyncset.done $0x0  }
0x38: {  	s31 =	sadd.s32 $0x0, s18;
	[sflag:s21] =	ssyncadd.s32 $0xFFFFFF80  }
0x39: {  	[tilespmem:s22], [sflag:$0x2] =	stream.linear.gather [hbm4b:s31+s4], $0x80, $0x38;
	[tilespmem:$0x1C100] =	vst v63  }
0x3a: {  	_ =	swait.ge [sflag:s21], $0x80  }
0x3b: {  	[sflag:s21] =	ssyncset.done $0x0  }
0x3c: {  	[sflag:s21] =	ssyncadd.s32 $0xFFFFFF80  }
0x3d: {  	[tilespmem:s23], [sflag:$0x1] =	stream.indirect.gather [hbm4b:s6+s22], $0x80, s4, s22, $0xb8;
	[tilespmem:$0x1C100] =	vst v63  }
0x3e: {  	_ =	swait.ge [sflag:s24], $0x4000  }
0x3f: {  	[sflag:s24] =	ssyncset.done $0x0  }
0x40: {  	[sflag:s24] =	ssyncadd.s32 $0xFFFFC000  }
0x41: {  	[spmem:s2] =	stream.indirect.scatter.add.f32 [tilespmem:s23], [sflag:$0x2], $0x80, s22, s22, $0xb8;
	[tilespmem:$0x1C100] =	vst v63  }
0x42: {  	_ =	swait.ge [sflag:s21], $0x4000  }
0x43: {  	s28 =	simm.s32 $0x10;
	s29 =	simm.s32 $0x20;
	[sflag:s21] =	ssyncset.done $0x0  }
.LBB2_6:
0x44: {  	s0 =	sadd.s32 s28, s19  }
0x45: {  	[sflag:s21] =	ssyncadd.s32 $0xFFFFC000;
	s30 =	smov.u32 s29;
	s31 =	sadd.s32 $0x10, s29  }
0x46: {  	[tilespmem:s4], [sflag:$0x2] =	stream.linear.gather [hbm4b:s0+s4], $0x80, $0x38;
	[tilespmem:$0x1C100] =	vst v63  }
0x47: {  	p3 =	sne.s32 s29, $0xA10;
	_ =	swait.ge [sflag:s21], $0x80  }
0x48: {  	[sflag:s21] =	ssyncset.done $0x0  }
0x49: {  	s0 =	sadd.s32 s28, s18;
	s28 =	smov.u32 s30;
	[sflag:s21] =	ssyncadd.s32 $0xFFFFFF80  }
0x4a: {  	[tilespmem:s22], [sflag:$0x2] =	stream.linear.gather [hbm4b:s0+s4], $0x80, $0x38;
	[tilespmem:$0x1C100] =	vst v63  }
0x4b: {  	_ =	swait.ge [sflag:s21], $0x80  }
0x4c: {  	[sflag:s21] =	ssyncset.done $0x0  }
0x4d: {  	[sflag:s21] =	ssyncadd.s32 $0xFFFFFF80  }
0x4e: {  	[tilespmem:s23], [sflag:$0x1] =	stream.indirect.gather [hbm4b:s6+s22], $0x80, s4, s22, $0xb8;
	[tilespmem:$0x1C100] =	vst v63  }
0x4f: {  	_ =	swait.ge [sflag:s24], $0x4000  }
.Ltmp3:
0x50: {  	[sflag:s24] =	ssyncset.done $0x0;
	(pc) =	sbr.rel @p3 .LBB2_6-.Ltmp3, $4  }
0x51: {  	[sflag:s24] =	ssyncadd.s32 $0xFFFFC000  }
0x52: {  	[spmem:s2] =	stream.indirect.scatter.add.f32 [tilespmem:s23], [sflag:$0x2], $0x80, s22, s22, $0xb8;
	[tilespmem:$0x1C100] =	vst v63  }
0x53: {  	_ =	swait.ge [sflag:s21], $0x4000  }
0x54: {  	s29 =	smov.u32 s31;
	[sflag:s21] =	ssyncset.done $0x0  }
0x55: {  	s0 =	sadd.s32 s28, s19;
	[sflag:s21] =	ssyncadd.s32 $0xFFFFC000  }
0x56: {  	[tilespmem:s4], [sflag:$0x2] =	stream.linear.gather [hbm4b:s0+s4], $0x80, $0x38;
	[tilespmem:$0x1C100] =	vst v63  }
0x57: {  	_ =	swait.ge [sflag:s21], $0x80  }
0x58: {  	[sflag:s21] =	ssyncset.done $0x0  }
0x59: {  	s31 =	sadd.s32 s28, s18;
	[sflag:s21] =	ssyncadd.s32 $0xFFFFFF80  }
0x5a: {  	[tilespmem:s22], [sflag:$0x2] =	stream.linear.gather [hbm4b:s31+s4], $0x80, $0x38;
	[tilespmem:$0x1C100] =	vst v63  }
0x5b: {  	_ =	swait.ge [sflag:s21], $0x80  }
0x5c: {  	[sflag:s21] =	ssyncset.done $0x0  }
0x5d: {  	[sflag:s21] =	ssyncadd.s32 $0xFFFFFF80  }
0x5e: {  	[tilespmem:s23], [sflag:$0x1] =	stream.indirect.gather [hbm4b:s6+s22], $0x80, s4, s22, $0xb8;
	[tilespmem:$0x1C100] =	vst v63  }
0x5f: {  	_ =	swait.ge [sflag:s24], $0x4000  }
0x60: {  	[sflag:s24] =	ssyncset.done $0x0  }
0x61: {  	[sflag:s24] =	ssyncadd.s32 $0xFFFFC000  }
0x62: {  	[spmem:s2] =	stream.indirect.scatter.add.f32 [tilespmem:s23], [sflag:$0x2], $0x80, s22, s22, $0xb8;
	[tilespmem:$0x1C100] =	vst v63  }
0x63: {  	_ =	swait.ge [sflag:s21], $0x4000  }
0x64: {  	[sflag:s21] =	ssyncset.done $0x0  }
0x65: {  	s30 =	sshll.u32 s3, $0x6;
	[sflag:s21] =	ssyncadd.s32 $0xFFFFC000  }
0x66: {  	s28 =	sor.u32 $0x1C02, s30;
	s31 =	sshrl.u32 s14, $0x3;
	[bflag:$0x0] =	sbarrier.arrive $0xFFFF  }
0x67: {  	[hbm:s16], [sflag:s28] =	dma.local [spmem:s31], $0x2700  }
.Ltmp4:
0x68: {  	_ = 	snop;
	(pc) =	sbr.rel @p1 .LBB2_9-.Ltmp4, $4  }
.Ltmp5:
0x69: {  	_ = 	snop;
	(pc) =	sbr.rel @!p1 .LBB2_8-.Ltmp5, $4  }
0x6a: {  	_ =	swait.ge [sflag:s21], $0x2700  }
0x6b: {  	[sflag:s21] =	ssyncset.done $0x0  }
0x6c: {  	s29 =	smov.u32 s8;
	[sflag:s21] =	ssyncadd.s32 $0xFFFFD900  }
0x6d: {  	_ = 	snop  }
.LBB2_2:
0x6e: {  	s28 =	sadd.s32 $0x0, s19  }
0x6f: {  	[tilespmem:s4], [sflag:$0x2] =	stream.linear.gather [hbm4b:s28+s4], $0x80, $0x38;
	[tilespmem:$0x1C100] =	vst v63  }
0x70: {  	_ =	swait.ge [sflag:s21], $0x80  }
0x71: {  	[sflag:s21] =	ssyncset.done $0x0  }
0x72: {  	s28 =	sadd.s32 $0x0, s18;
	[sflag:s21] =	ssyncadd.s32 $0xFFFFFF80  }
0x73: {  	[tilespmem:s22], [sflag:$0x2] =	stream.linear.gather [hbm4b:s28+s4], $0x80, $0x38;
	[tilespmem:$0x1C100] =	vst v63  }
0x74: {  	_ =	swait.ge [sflag:s21], $0x80  }
0x75: {  	[sflag:s21] =	ssyncset.done $0x0  }
0x76: {  	[sflag:s21] =	ssyncadd.s32 $0xFFFFFF80  }
0x77: {  	[tilespmem:s23], [sflag:$0x1] =	stream.indirect.gather [hbm4b:s5+s22], $0x80, s4, s22, $0xb8;
	[tilespmem:$0x1C100] =	vst v63  }
0x78: {  	_ =	swait.ge [sflag:s24], $0x4000  }
0x79: {  	[sflag:s24] =	ssyncset.done $0x0  }
0x7a: {  	[sflag:s24] =	ssyncadd.s32 $0xFFFFC000  }
0x7b: {  	[spmem:s2] =	stream.indirect.scatter.add.f32 [tilespmem:s23], [sflag:$0x2], $0x80, s22, s22, $0xb8;
	[tilespmem:$0x1C100] =	vst v63  }
0x7c: {  	_ =	swait.ge [sflag:s21], $0x4000  }
0x7d: {  	s29 =	simm.s32 $0x20;
	s28 =	simm.s32 $0x10;
	[sflag:s21] =	ssyncset.done $0x0  }
.LBB2_3:
0x7e: {  	s30 =	sadd.s32 s28, s19  }
0x7f: {  	[sflag:s21] =	ssyncadd.s32 $0xFFFFC000;
	s31 =	smov.u32 s29;
	s0 =	sadd.s32 $0x10, s29  }
0x80: {  	[tilespmem:s4], [sflag:$0x2] =	stream.linear.gather [hbm4b:s30+s4], $0x80, $0x38;
	[tilespmem:$0x1C100] =	vst v63  }
0x81: {  	p3 =	sne.s32 s29, $0xA10;
	_ =	swait.ge [sflag:s21], $0x80  }
0x82: {  	[sflag:s21] =	ssyncset.done $0x0  }
0x83: {  	s29 =	sadd.s32 s28, s18;
	s28 =	smov.u32 s31;
	[sflag:s21] =	ssyncadd.s32 $0xFFFFFF80  }
0x84: {  	[tilespmem:s22], [sflag:$0x2] =	stream.linear.gather [hbm4b:s29+s4], $0x80, $0x38;
	[tilespmem:$0x1C100] =	vst v63  }
0x85: {  	_ =	swait.ge [sflag:s21], $0x80  }
0x86: {  	[sflag:s21] =	ssyncset.done $0x0  }
0x87: {  	[sflag:s21] =	ssyncadd.s32 $0xFFFFFF80  }
0x88: {  	[tilespmem:s23], [sflag:$0x1] =	stream.indirect.gather [hbm4b:s5+s22], $0x80, s4, s22, $0xb8;
	[tilespmem:$0x1C100] =	vst v63  }
0x89: {  	_ =	swait.ge [sflag:s24], $0x4000  }
.Ltmp6:
0x8a: {  	[sflag:s24] =	ssyncset.done $0x0;
	(pc) =	sbr.rel @p3 .LBB2_3-.Ltmp6, $4  }
0x8b: {  	[sflag:s24] =	ssyncadd.s32 $0xFFFFC000  }
0x8c: {  	[spmem:s2] =	stream.indirect.scatter.add.f32 [tilespmem:s23], [sflag:$0x2], $0x80, s22, s22, $0xb8;
	[tilespmem:$0x1C100] =	vst v63  }
0x8d: {  	_ =	swait.ge [sflag:s21], $0x4000  }
0x8e: {  	s29 =	smov.u32 s0;
	[sflag:s21] =	ssyncset.done $0x0  }
0x8f: {  	s0 =	sadd.s32 s28, s19;
	[sflag:s21] =	ssyncadd.s32 $0xFFFFC000  }
0x90: {  	[tilespmem:s4], [sflag:$0x2] =	stream.linear.gather [hbm4b:s0+s4], $0x80, $0x38;
	[tilespmem:$0x1C100] =	vst v63  }
0x91: {  	_ =	swait.ge [sflag:s21], $0x80  }
0x92: {  	[sflag:s21] =	ssyncset.done $0x0  }
0x93: {  	s31 =	sadd.s32 s28, s18;
	[sflag:s21] =	ssyncadd.s32 $0xFFFFFF80  }
0x94: {  	[tilespmem:s22], [sflag:$0x2] =	stream.linear.gather [hbm4b:s31+s4], $0x80, $0x38;
	[tilespmem:$0x1C100] =	vst v63  }
0x95: {  	_ =	swait.ge [sflag:s21], $0x80  }
0x96: {  	[sflag:s21] =	ssyncset.done $0x0  }
0x97: {  	[sflag:s21] =	ssyncadd.s32 $0xFFFFFF80  }
0x98: {  	[tilespmem:s23], [sflag:$0x1] =	stream.indirect.gather [hbm4b:s5+s22], $0x80, s4, s22, $0xb8;
	[tilespmem:$0x1C100] =	vst v63  }
0x99: {  	_ =	swait.ge [sflag:s24], $0x4000  }
0x9a: {  	[sflag:s24] =	ssyncset.done $0x0  }
0x9b: {  	[sflag:s24] =	ssyncadd.s32 $0xFFFFC000  }
0x9c: {  	[spmem:s2] =	stream.indirect.scatter.add.f32 [tilespmem:s23], [sflag:$0x2], $0x80, s22, s22, $0xb8;
	[tilespmem:$0x1C100] =	vst v63  }
0x9d: {  	_ =	swait.ge [sflag:s21], $0x4000  }
0x9e: {  	[sflag:s21] =	ssyncset.done $0x0  }
0x9f: {  	s30 =	sshll.u32 s3, $0x6;
	[sflag:s21] =	ssyncadd.s32 $0xFFFFC000  }
0xa0: {  	s28 =	sor.u32 $0x1C02, s30;
	s31 =	sshrl.u32 s14, $0x3;
	[bflag:$0x0] =	sbarrier.arrive $0xFFFF  }
0xa1: {  	[hbm:s15], [sflag:s28] =	dma.local [spmem:s31], $0x2700  }
.Ltmp7:
0xa2: {  	_ = 	snop;
	(pc) =	sbr.rel @!p2 .LBB2_9-.Ltmp7, $4  }
.Ltmp8:
0xa3: {  	_ = 	snop;
	(pc) =	sbr.rel @p2 .LBB2_8-.Ltmp8, $4  }
0xa4: {  	_ =	swait.ge [sflag:s21], $0x2700  }
0xa5: {  	[sflag:s21] =	ssyncset.done $0x0  }
0xa6: {  	s29 =	smov.u32 s7;
	[sflag:s21] =	ssyncadd.s32 $0xFFFFD900  }
0xa7: {  	_ = 	snop  }
.LBB2_10:
0xa8: {  	_ =	sfence.sel $0x180000  }
0xa9: {  	[bflag:$0x0] =	sbarrier.arrive $0xFFFF  }
0xaa: {  	_ =	strace $0x9000004D  }
0xab: {  	[bflag:$0x2] =	sbarrier.arrive $0xFFFF  }
0xac: {  	s0 =	rddreg [dreg:$0x3]  }
0xad: {  	s0 =	sadd.s32 @!p1 $0x100000, s0  }
0xae: {  	[sflag:s0] =	ssyncadd.tile.s32 @!p1 $0x1;
	_ =	shalt  }
.Lfunc_end2:
_tile_overlayer_lowered:
.L_overlay_start_2:
0xaf: {  	(tag) =	ssettag $0x2  }
0xb0: {  	s0 =	rddreg [dreg:$0x0];
	s2 =	stileid.u32  }
0xb1: {  	s1 =	rddreg [dreg:$0x1];
	p0 =	sne.s32 s2, $0x0  }
0xb2: {  	s3 =	rddreg [dreg:$0x2];
	[bflag:$0x3] =	sbarrier.arrive $0xFFFF;
	s2 =	simm.s32 @!p0 $0x1C02  }
0xb3: {  	[timem:s3], [sflag:s2] =	dma.local @!p0 [hbm:s0], s1  }
0xb4: {  	s0 =	simm.s32 @!p0 $0x2  }
0xb5: {  	_ =	swait.ge @!p0 [sflag:s0], s1  }
0xb6: {  	s1 =	ssub.s32 @!p0 $0x0, s1;
	[sflag:s0] =	ssyncset.done @!p0 $0x0  }
0xb7: {  	[sflag:s0] =	ssyncadd.s32 @!p0 s1  }
0xb8: {  	[bflag:$0x3] =	sbarrier.arrive $0xFFFF  }
0xb9: {  	_ =	shalt  }

// kernel: kernel.21.cloned.1.call-start
scs
__scs_entry_jumppad:
0x0: {  	(pc) =	sbr.rel $0x88, $3  }
0x1: {  	(tag) =	ssettag $0x0;
	lr =	simm.s32 $0x1  }
0x2: {  	[smem:$0x3F91] =	sst lr;
	_ =	strace $0xD0000000  }
0x3: {  	_ = 	snop  }
0x4: {  	_ = 	snop  }
0x5: {  	_ = 	snop  }
0x6: {  	_ = 	snop  }
0x7: {  	_ = 	snop  }
__scs_overlays_trampoline_lowered:
0x8: {  	[smem:$0x3FA0] =	sst s0  }
0x9: {  	[smem:$0x3FA1] =	sst s1  }
0xa: {  	[smem:$0x3FA2] =	sst s2  }
0xb: {  	[smem:$0x3FA3] =	sst s3  }
0xc: {  	[smem:$0x3FA4] =	sst s4  }
0xd: {  	[smem:$0x3FA5] =	sst s5  }
0xe: {  	[smem:$0x3FA6] =	sst s6  }
0xf: {  	[smem:$0x3FA7] =	sst s7  }
0x10: {  	[smem:$0x3FA8] =	sst s8  }
0x11: {  	[smem:$0x3FA9] =	sst s9;
	s0 =	simm.s32 @!p0 $0x0  }
0x12: {  	s1 =	sld [smem:$0x3F8F];
	s0 =	simm.s32 @p0 $0x1  }
0x13: {  	[smem:$0x3FAA] =	sst s0;
	s0 =	simm.s32 @!p1 $0x0  }
0x14: {  	s2 =	sld [smem:$0x3F8E];
	s0 =	simm.s32 @p1 $0x1  }
0x15: {  	[smem:$0x3FAB] =	sst s0;
	s0 =	simm.s32 @!p2 $0x0  }
0x16: {  	s3 =	sld [smem:$0x3FDB];
	s0 =	simm.s32 @p2 $0x1  }
0x17: {  	s4 =	simm.s32 $0x1BF5;
	[smem:$0x3FAD] =	sst s0  }
0x18: {  	s0 =	sld [smem:$0x3F90];
	_ =	swait.ge [sflag:s4], $0x0  }
0x19: {  	s7 =	sld [smem:$0x3F91]  }
0x1a: {  	s8 =	sadd.s32 $0xFFFFE003, lr  }
0x1b: {  	s9 =	sadd.s32 $0xFFFFFEF7, lr;
	s5 =	simm.s32 $0xFFFFFFFF;
	p2 =	slt.u32 s8, $0xFFFFF086  }
0x1c: {  	p1 =	slt.u32 s9, $0xF7A;
	s5 =	simm.s32 @!p2 $0x0  }
0x1d: {  	s5 =	simm.s32 @p1 $0x1;
	p0 =	seq.s32 s7, s2  }
0x1e: {  	s7 =	smul.u32 @!p0 $0xF7A, s2;
	p2 =	seq.s32 @!p0 s5, $0x0  }
0x1f: {  	s9 =	smul.u32 $0xF7A, s1;
	s8 =	simm.s32 @!p0 $0x1BF5;
	p2 =	por !p2, p0  }
0x20: {  	[sflag:s8] =	ssyncset.s32 @!p0 $0xFFFFF086;
	s6 =	sadd.s32 @!p0 s3, s7;
	s7 =	simm.s32 @!p0 $0x108  }
0x21: {  	s3 =	sadd.s32 s3, s9;
	s6 =	sadd.s32 @!p0 $0x88, s6;
	s7 =	simm.s32 @p2 $0x1082  }
0x22: {  	[simem:s7], [sflag:s8] =	dma.local @!p0 [hbm:s6], $0xF7A  }
0x23: {  	s9 =	sor.u32 $0xD0000000, s2;
	s6 =	simm.s32 $0x108;
	_ =	swait.ge @!p0 [sflag:s8], $0x0  }
0x24: {  	s3 =	sadd.s32 $0x88, s3;
	s6 =	simm.s32 @!p1 $0x1082;
	[sflag:s4] =	ssyncset.s32 $0xFFFFF086  }
0x25: {  	[simem:s6], [sflag:s4] =	dma.local [hbm:s3], $0xF7A  }
0x26: {  	[smem:$0x3F91] =	sst s1;
	(tag) =	ssettag s2;
	_ =	strace s9  }
0x27: {  	s1 =	sld [smem:$0x3FA1]  }
0x28: {  	s2 =	sld [smem:$0x3FA2]  }
0x29: {  	s4 =	sld [smem:$0x3FA4]  }
0x2a: {  	p0 =	seq.s32 s5, $0x0;
	s5 =	sld [smem:$0x3FA5]  }
0x2b: {  	s6 =	sld [smem:$0x3FA6]  }
0x2c: {  	s7 =	sld [smem:$0x3FA7]  }
0x2d: {  	s3 =	simm.s32 $0x108;
	s8 =	sld [smem:$0x3FA8]  }
0x2e: {  	s3 =	simm.s32 @!p0 $0x1082;
	s9 =	sld [smem:$0x3FA9]  }
0x2f: {  	lr =	sadd.s32 s0, s3;
	s0 =	sld [smem:$0x3FA0]  }
0x30: {  	s3 =	sld [smem:$0x3FA3]  }
0x31: {  	[smem:$0x3FAC] =	sst s10  }
0x32: {  	s10 =	sld [smem:$0x3FAA];
	_ =	sdelay $0x3  }
0x33: {  	p0 =	seq.s32 s10, $0x1;
	s10 =	sld [smem:$0x3FAC];
	_ =	sdelay $0x3  }
0x34: {  	[smem:$0x3FAC] =	sst s10  }
0x35: {  	s10 =	sld [smem:$0x3FAB];
	_ =	sdelay $0x3  }
0x36: {  	p1 =	seq.s32 s10, $0x1;
	s10 =	sld [smem:$0x3FAC];
	_ =	sdelay $0x3  }
0x37: {  	[smem:$0x3FAC] =	sst s10  }
0x38: {  	s10 =	sld [smem:$0x3FAD]  }
0x39: {  	_ = 	snop;
	(pc) =	sbr.ind lr, $3  }
0x3a: {  	_ = 	snop  }
0x3b: {  	_ = 	snop  }
0x3c: {  	p2 =	seq.s32 s10, $0x1;
	s10 =	sld [smem:$0x3FAC]  }
0x3d: {  	_ =	shalt  }
0x3e: {  	_ =	shalt  }
0x3f: {  	_ =	shalt  }
0x40: {  	_ =	shalt  }
0x41: {  	_ =	shalt  }
0x42: {  	_ =	shalt  }
0x43: {  	_ =	shalt  }
0x44: {  	_ =	shalt  }
0x45: {  	_ =	shalt  }
0x46: {  	_ =	shalt  }
0x47: {  	_ =	shalt  }
0x48: {  	_ =	shalt  }
0x49: {  	_ =	shalt  }
0x4a: {  	_ =	shalt  }
0x4b: {  	_ =	shalt  }
0x4c: {  	_ =	shalt  }
0x4d: {  	_ =	shalt  }
0x4e: {  	_ =	shalt  }
0x4f: {  	_ =	shalt  }
0x50: {  	_ =	shalt  }
0x51: {  	_ =	shalt  }
0x52: {  	_ =	shalt  }
0x53: {  	_ =	shalt  }
0x54: {  	_ =	shalt  }
0x55: {  	_ =	shalt  }
0x56: {  	_ =	shalt  }
0x57: {  	_ =	shalt  }
0x58: {  	_ =	shalt  }
0x59: {  	_ =	shalt  }
0x5a: {  	_ =	shalt  }
0x5b: {  	_ =	shalt  }
0x5c: {  	_ =	shalt  }
0x5d: {  	_ =	shalt  }
0x5e: {  	_ =	shalt  }
0x5f: {  	_ =	shalt  }
0x60: {  	_ =	shalt  }
0x61: {  	_ =	shalt  }
0x62: {  	_ =	shalt  }
0x63: {  	_ =	shalt  }
0x64: {  	_ =	shalt  }
0x65: {  	_ =	shalt  }
0x66: {  	_ =	shalt  }
0x67: {  	_ =	shalt  }
0x68: {  	_ =	shalt  }
0x69: {  	_ =	shalt  }
0x6a: {  	_ =	shalt  }
0x6b: {  	_ =	shalt  }
0x6c: {  	_ =	shalt  }
0x6d: {  	_ =	shalt  }
0x6e: {  	_ =	shalt  }
0x6f: {  	_ =	shalt  }
0x70: {  	_ =	shalt  }
0x71: {  	_ =	shalt  }
0x72: {  	_ =	shalt  }
0x73: {  	_ =	shalt  }
0x74: {  	_ =	shalt  }
0x75: {  	_ =	shalt  }
0x76: {  	_ =	shalt  }
0x77: {  	_ =	shalt  }
0x78: {  	_ =	shalt  }
0x79: {  	_ =	shalt  }
0x7a: {  	_ =	shalt  }
0x7b: {  	_ =	shalt  }
0x7c: {  	_ =	shalt  }
0x7d: {  	_ =	shalt  }
0x7e: {  	_ =	shalt  }
0x7f: {  	_ =	shalt  }
0x80: {  	_ =	shalt  }
0x81: {  	_ =	shalt  }
0x82: {  	_ =	shalt  }
0x83: {  	_ =	shalt  }
0x84: {  	_ =	shalt  }
0x85: {  	_ =	shalt  }
0x86: {  	_ =	shalt  }
0x87: {  	_ =	shalt  }
.Lfunc_end0:
.L_simem_size_0:
called_computation.3_lowered:
.L_overlay_start_0:
0x88: {  	s2 =	sld [smem:$0x3FD9]  }
0x89: {  	s3 =	sld [smem:$0x3FFE];
	_ =	sdelay $0x1  }
0x8a: {  	s1 =	srdreg.scid  }
0x8b: {  	s0 =	sand.u32 $0x1, s1  }
0x8c: {  	s17 =	sshll.u32 s0, $0xA;
	s2 =	sadd.s32 s3, s2  }
0x8d: {  	s2 =	sadd.s32 s2, s17  }
0x8e: {  	[smem:$0x3FB8] =	sst s2  }
0x8f: {  	_ = 	snop  }
0x90: {  	s2 =	sld [smem:$0x3FD0];
	(tm) =	ssettm $0x1  }
0x91: {  	s18 =	sld [smem:$0x3FFB];
	_ =	sdelay $0x3  }
0x92: {  	_ =	strace s18  }
0x93: {  	s3 =	sld [smem:$0x3FFC];
	_ =	sdelay $0x3  }
0x94: {  	_ =	strace s3  }
0x95: {  	s3 =	sld [smem:$0x3FFD];
	_ =	sdelay $0x3  }
0x96: {  	_ =	strace s3  }
0x97: {  	_ =	strace $0x8FFFFFFF  }
0x98: {  	s19 =	sld [smem:$0x3FDB];
	_ =	sdelay $0x1  }
0x99: {  	s4 =	simm.s32 $_scs_section_size  }
0x9a: {  	s5 =	simm.s32 $_size__tile_overlayer_lowered;
	s6 =	simm.s32 $_tile_overlayer_lowered  }
0x9b: {  	s22 =	simm.s32 $0x1BFF;
	s21 =	sshll.u32 s6, $0x1;
	s3 =	sadd.s32 s4, s19  }
0x9c: {  	s7 =	simm.s32 $0x0;
	s20 =	sshll.u32 s5, $0x1;
	s5 =	sadd.s32 s21, s3  }
0x9d: {  	[timem:s7], [sflag:s22] =	dma.local [hbm:s5], s20  }
0x9e: {  	_ =	swait.ge [sflag:s22], s20  }
0x9f: {  	s4 =	ssub.s32 $0x0, s20;
	[sflag:s22] =	ssyncset.done $0x0  }
0xa0: {  	[sflag:s22] =	ssyncadd.s32 s4;
	_ =	sdelay $0x1  }
0xa1: {  	s23 =	simm.s32 $0x1B8B  }
0xa2: {  	_ =	swait.ge [sflag:s23], $0x1  }
0xa3: {  	[sflag:s23] =	ssyncset.done $0x0  }
0xa4: {  	s25 =	simm.s32 $0x1B8E;
	s24 =	sld [smem:$0x3FFE];
	[sflag:s23] =	ssyncadd.s32 $0xFFFFFFFF  }
0xa5: {  	s26 =	simm.s32 $execute0_lowered;
	[smem:$0x3FD2] =	sst s25  }
0xa6: {  	s5 =	sshll.u32 s26, $0x1;
	_ =	strace $0x8000004F;
	[dreg:$0x1] =	wrdreg $0xFFFFFFFF  }
0xa7: {  	s28 =	simm.s32 $_size_execute0_lowered;
	s3 =	sadd.s32 s3, s5;
	[dreg:$0x0] =	wrdreg $0x0  }
0xa8: {  	s5 =	sshll.u32 s28, $0x1;
	[dreg:$0x2] =	wrdreg s3  }
0xa9: {  	[dreg:$0x3] =	wrdreg s5  }
0xaa: {  	[dreg:$0x4] =	wrdreg $0xC0  }
0xab: {  	_ =	task [dreg:s7], $0x5FFFF  }
0xac: {  	[dreg:$0x1] =	wrdreg $0xFFFFFFFF  }
0xad: {  	[dreg:$0x0] =	wrdreg $0x60  }
0xae: {  	[dreg:$0x2] =	wrdreg s24  }
0xaf: {  	[dreg:$0x3] =	wrdreg s2  }
0xb0: {  	[dreg:$0x4] =	wrdreg $0x81000  }
0xb1: {  	[dreg:$0x5] =	wrdreg $0x9  }
0xb2: {  	_ =	task.clear_ibuf [dreg:s7], $0x6FFFF;
	_ =	strace $0x9000004F  }
0xb3: {  	s29 =	simm.s32 $0x9;
	_ =	strace $0x80000051  }
0xb4: {  	_ =	swait.ge [sflag:s29], $0x1  }
0xb5: {  	[sflag:s29] =	ssyncadd.s32 $0xFFFFFFFF  }
0xb6: {  	_ =	strace $0x90000051  }
0xb7: {  	_ =	sfence  }
0xb8: {  	s30 =	sld [smem:$0x0];
	_ =	sdelay $0x2  }
0xb9: {  	s31 =	sshll.u32 s1, $0xD;
	s1 =	sshrl.u32 s1, $0x2  }
0xba: {  	s3 =	sand.u32 $0x4000, s31;
	s1 =	sadd.s32 s1, s30  }
0xbb: {  	s0 =	sor.u32 s3, s0;
	s1 =	sshll.u32 s1, $0x11  }
0xbc: {  	s0 =	sor.u32 s1, s0  }
0xbd: {  	s0 =	sadd.s32 $0x8F2B, s0  }
0xbe: {  	[sflag:s0] =	ssyncadd.remote.s32 $0x1  }
0xbf: {  	_ =	sfence.sel $0xFFFF  }
0xc0: {  	[dreg:$0x0] =	wrdreg $0xFFFFFFFF;
	(pc) =	sbr.abs _section_cstart, $3  }
0xc1: {  	[dreg:$0x1] =	wrdreg $0xFFFFFFFF  }
0xc2: {  	_ =	task.clear_ibuf [dreg:s7], $0x2FFFF;
	_ =	strace $0x9FFFFFFF  }
0xc3: {  	(tm) =	ssettm $0x7FFFFFFF  }
tec
execute0_lowered:
.L_overlay_start_1:
0x0: {  	(tag) =	ssettag $0x1  }
0x1: {  	s8 =	rddreg [dreg:$0x0]  }
0x2: {  	s1 =	rddreg [dreg:$0x1]  }
0x3: {  	s2 =	rddreg [dreg:$0x2];
	s3 =	stileid.u32  }
0x4: {  	s4 =	simm.s32 $0x0;
	s9 =	srdreg.scid;
	s20 =	simm.s32 $0x4100  }
0x5: {  	s21 =	simm.s32 $0x2;
	s22 =	simm.s32 $0x80;
	s23 =	simm.s32 $0x100  }
0x6: {  	s24 =	simm.s32 $0x1;
	s26 =	simm.s32 $0x0;
	s5 =	smul.u32 $0xA20, s3  }
0x7: {  	[smem:$0x7FF] =	sst s4;
	s10 =	smul.u32 $0x50000, s3;
	s6 =	sadd.s32 $0x6A200, s8  }
0x8: {  	s7 =	sadd.s32 $0x91400, s8;
	s14 =	sand.u32 $0x1, s9;
	s13 =	smul.u32 $0x4E000, s3  }
0x9: {  	s16 =	smul.u32 $0x2700, s3;
	s25 =	sadd.s32 $0x138000, s2;
	p1 =	sne.s32 s3, $0x0  }
0xa: {  	p2 =	seq.s32 s3, $0x0;
	_ =	strace $0x80000050;
	s11 =	ssub.s32 $0x2, s14  }
0xb: {  	p0 =	seq.s32 s14, $0x1;
	s25 =	sshrl.u32 s25, $0x3;
	s19 =	sadd.s32 s5, s8  }
0xc: {  	s5 =	sadd.s32 $0x43000, s8;
	s8 =	sadd.s32 $0xB8600, s8;
	s30 =	sshrl.u32 s10, $0x2  }
.Ltmp0:
0xd: {  	s31 =	sshrl.u32 s11, $0x1;
	s15 =	sshrl.u32 s13, $0x2;
	(pc) =	sbr.rel .LBB2_1-.Ltmp0, $4  }
0xe: {  	s9 =	sadd.s32 s30, s2;
	s17 =	ssub.s32 s11, s31;
	s14 =	sadd.s32 s15, s2  }
0xf: {  	s15 =	sadd.s32 s7, s16;
	s16 =	sadd.s32 s8, s16;
	s18 =	sadd.s32 $0x7200, s19  }
0x10: {  	s19 =	sadd.s32 $0x38E00, s19;
	s10 =	sadd.s32 $0x4000, s9;
	s11 =	sadd.s32 $0x8000, s9  }
0x11: {  	s12 =	sadd.s32 $0xC000, s9;
	s13 =	sadd.s32 $0x10000, s9;
	s17 =	smax.u32 s17, $0x1  }
.LBB2_8:
0x12: {  	s0 =	sadd.s32 $0x27000, s29  }
0x13: {  	[hbm:s0], [sflag:s28] =	dma.local [spmem:s25], $0x100  }
0x14: {  	_ =	swait.ge [sflag:s21], $0x100  }
0x15: {  	[sflag:s21] =	ssyncset.done $0x0  }
0x16: {  	[sflag:s21] =	ssyncadd.s32 $0xFFFFFF00  }
.LBB2_9:
0x17: {  	s26 =	sadd.s32 $0x1, s26  }
0x18: {  	p3 =	sne.s32 s26, s17  }
.Ltmp1:
0x19: {  	_ = 	snop;
	(pc) =	sbr.rel @!p3 .LBB2_10-.Ltmp1, $1  }
0x1a: {  	_ =	sdelay $0x3  }
.LBB2_1:
0x1b: {  	[tilespmem:s20], [sflag:$0x2] =	stream.linear.gather [hbm4b:s1+s4], $0x4000, $0x38;
	[tilespmem:$0x1C100] =	vst v63  }
0x1c: {  	_ =	swait.ge [sflag:s21], $0x4000  }
0x1d: {  	[sflag:s21] =	ssyncset.done $0x0  }
0x1e: {  	[sflag:s21] =	ssyncadd.s32 $0xFFFFC000  }
0x1f: {  	[spmem:s9] =	stream.linear.scatter [tilespmem:s20], [sflag:$0x2], $0x4000, $0x38;
	[tilespmem:$0x1C100] =	vst v63  }
0x20: {  	_ =	swait.ge [sflag:s21], $0x4000  }
0x21: {  	[sflag:s21] =	ssyncset.done $0x0  }
0x22: {  	[sflag:s21] =	ssyncadd.s32 $0xFFFFC000  }
0x23: {  	[spmem:s10] =	stream.linear.scatter [tilespmem:s20], [sflag:$0x2], $0x4000, $0x38;
	[tilespmem:$0x1C100] =	vst v63  }
0x24: {  	_ =	swait.ge [sflag:s21], $0x4000  }
0x25: {  	[sflag:s21] =	ssyncset.done $0x0  }
0x26: {  	[sflag:s21] =	ssyncadd.s32 $0xFFFFC000  }
0x27: {  	[spmem:s11] =	stream.linear.scatter [tilespmem:s20], [sflag:$0x2], $0x4000, $0x38;
	[tilespmem:$0x1C100] =	vst v63  }
0x28: {  	_ =	swait.ge [sflag:s21], $0x4000  }
0x29: {  	[sflag:s21] =	ssyncset.done $0x0  }
0x2a: {  	[sflag:s21] =	ssyncadd.s32 $0xFFFFC000  }
0x2b: {  	[spmem:s12] =	stream.linear.scatter [tilespmem:s20], [sflag:$0x2], $0x4000, $0x38;
	[tilespmem:$0x1C100] =	vst v63  }
0x2c: {  	_ =	swait.ge [sflag:s21], $0x4000  }
0x2d: {  	[sflag:s21] =	ssyncset.done $0x0  }
0x2e: {  	[sflag:s21] =	ssyncadd.s32 $0xFFFFC000  }
0x2f: {  	[spmem:s13] =	stream.linear.scatter [tilespmem:s20], [sflag:$0x2], $0x4000, $0x38;
	[tilespmem:$0x1C100] =	vst v63  }
.Ltmp2:
0x30: {  	_ =	swait.ge [sflag:s21], $0x4000;
	(pc) =	sbr.rel @!p0 .LBB2_2-.Ltmp2, $3  }
0x31: {  	[sflag:s21] =	ssyncset.done $0x0  }
0x32: {  	[sflag:s21] =	ssyncadd.s32 $0xFFFFC000  }
0x33: {  	[bflag:$0x0] =	sbarrier.arrive $0xFFFF;
	_ =	sdelay $0x1  }
0x34: {  	s0 =	sadd.s32 $0x0, s19  }
0x35: {  	[tilespmem:s4], [sflag:$0x2] =	stream.linear.gather [hbm4b:s0+s4], $0x80, $0x38;
	[tilespmem:$0x1C100] =	vst v63  }
0x36: {  	_ =	swait.ge [sflag:s21], $0x80  }
0x37: {  	[sflag:s21] =	ssyncset.done $0x0  }
0x38: {  	s31 =	sadd.s32 $0x0, s18;
	[sflag:s21] =	ssyncadd.s32 $0xFFFFFF80  }
0x39: {  	[tilespmem:s22], [sflag:$0x2] =	stream.linear.gather [hbm4b:s31+s4], $0x80, $0x38;
	[tilespmem:$0x1C100] =	vst v63  }
0x3a: {  	_ =	swait.ge [sflag:s21], $0x80  }
0x3b: {  	[sflag:s21] =	ssyncset.done $0x0  }
0x3c: {  	[sflag:s21] =	ssyncadd.s32 $0xFFFFFF80  }
0x3d: {  	[tilespmem:s23], [sflag:$0x1] =	stream.indirect.gather [hbm4b:s6+s22], $0x80, s4, s22, $0xb8;
	[tilespmem:$0x1C100] =	vst v63  }
0x3e: {  	_ =	swait.ge [sflag:s24], $0x4000  }
0x3f: {  	[sflag:s24] =	ssyncset.done $0x0  }
0x40: {  	[sflag:s24] =	ssyncadd.s32 $0xFFFFC000  }
0x41: {  	[spmem:s2] =	stream.indirect.scatter.add.f32 [tilespmem:s23], [sflag:$0x2], $0x80, s22, s22, $0xb8;
	[tilespmem:$0x1C100] =	vst v63  }
0x42: {  	_ =	swait.ge [sflag:s21], $0x4000  }
0x43: {  	s28 =	simm.s32 $0x10;
	s29 =	simm.s32 $0x20;
	[sflag:s21] =	ssyncset.done $0x0  }
.LBB2_6:
0x44: {  	s0 =	sadd.s32 s28, s19  }
0x45: {  	[sflag:s21] =	ssyncadd.s32 $0xFFFFC000;
	s30 =	smov.u32 s29;
	s31 =	sadd.s32 $0x10, s29  }
0x46: {  	[tilespmem:s4], [sflag:$0x2] =	stream.linear.gather [hbm4b:s0+s4], $0x80, $0x38;
	[tilespmem:$0x1C100] =	vst v63  }
0x47: {  	p3 =	sne.s32 s29, $0xA10;
	_ =	swait.ge [sflag:s21], $0x80  }
0x48: {  	[sflag:s21] =	ssyncset.done $0x0  }
0x49: {  	s0 =	sadd.s32 s28, s18;
	s28 =	smov.u32 s30;
	[sflag:s21] =	ssyncadd.s32 $0xFFFFFF80  }
0x4a: {  	[tilespmem:s22], [sflag:$0x2] =	stream.linear.gather [hbm4b:s0+s4], $0x80, $0x38;
	[tilespmem:$0x1C100] =	vst v63  }
0x4b: {  	_ =	swait.ge [sflag:s21], $0x80  }
0x4c: {  	[sflag:s21] =	ssyncset.done $0x0  }
0x4d: {  	[sflag:s21] =	ssyncadd.s32 $0xFFFFFF80  }
0x4e: {  	[tilespmem:s23], [sflag:$0x1] =	stream.indirect.gather [hbm4b:s6+s22], $0x80, s4, s22, $0xb8;
	[tilespmem:$0x1C100] =	vst v63  }
0x4f: {  	_ =	swait.ge [sflag:s24], $0x4000  }
.Ltmp3:
0x50: {  	[sflag:s24] =	ssyncset.done $0x0;
	(pc) =	sbr.rel @p3 .LBB2_6-.Ltmp3, $4  }
0x51: {  	[sflag:s24] =	ssyncadd.s32 $0xFFFFC000  }
0x52: {  	[spmem:s2] =	stream.indirect.scatter.add.f32 [tilespmem:s23], [sflag:$0x2], $0x80, s22, s22, $0xb8;
	[tilespmem:$0x1C100] =	vst v63  }
0x53: {  	_ =	swait.ge [sflag:s21], $0x4000  }
0x54: {  	s29 =	smov.u32 s31;
	[sflag:s21] =	ssyncset.done $0x0  }
0x55: {  	s0 =	sadd.s32 s28, s19;
	[sflag:s21] =	ssyncadd.s32 $0xFFFFC000  }
0x56: {  	[tilespmem:s4], [sflag:$0x2] =	stream.linear.gather [hbm4b:s0+s4], $0x80, $0x38;
	[tilespmem:$0x1C100] =	vst v63  }
0x57: {  	_ =	swait.ge [sflag:s21], $0x80  }
0x58: {  	[sflag:s21] =	ssyncset.done $0x0  }
0x59: {  	s31 =	sadd.s32 s28, s18;
	[sflag:s21] =	ssyncadd.s32 $0xFFFFFF80  }
0x5a: {  	[tilespmem:s22], [sflag:$0x2] =	stream.linear.gather [hbm4b:s31+s4], $0x80, $0x38;
	[tilespmem:$0x1C100] =	vst v63  }
0x5b: {  	_ =	swait.ge [sflag:s21], $0x80  }
0x5c: {  	[sflag:s21] =	ssyncset.done $0x0  }
0x5d: {  	[sflag:s21] =	ssyncadd.s32 $0xFFFFFF80  }
0x5e: {  	[tilespmem:s23], [sflag:$0x1] =	stream.indirect.gather [hbm4b:s6+s22], $0x80, s4, s22, $0xb8;
	[tilespmem:$0x1C100] =	vst v63  }
0x5f: {  	_ =	swait.ge [sflag:s24], $0x4000  }
0x60: {  	[sflag:s24] =	ssyncset.done $0x0  }
0x61: {  	[sflag:s24] =	ssyncadd.s32 $0xFFFFC000  }
0x62: {  	[spmem:s2] =	stream.indirect.scatter.add.f32 [tilespmem:s23], [sflag:$0x2], $0x80, s22, s22, $0xb8;
	[tilespmem:$0x1C100] =	vst v63  }
0x63: {  	_ =	swait.ge [sflag:s21], $0x4000  }
0x64: {  	[sflag:s21] =	ssyncset.done $0x0  }
0x65: {  	s30 =	sshll.u32 s3, $0x6;
	[sflag:s21] =	ssyncadd.s32 $0xFFFFC000  }
0x66: {  	s28 =	sor.u32 $0x1C02, s30;
	s31 =	sshrl.u32 s14, $0x3;
	[bflag:$0x0] =	sbarrier.arrive $0xFFFF  }
0x67: {  	[hbm:s16], [sflag:s28] =	dma.local [spmem:s31], $0x2700  }
.Ltmp4:
0x68: {  	_ = 	snop;
	(pc) =	sbr.rel @p1 .LBB2_9-.Ltmp4, $4  }
.Ltmp5:
0x69: {  	_ = 	snop;
	(pc) =	sbr.rel @!p1 .LBB2_8-.Ltmp5, $4  }
0x6a: {  	_ =	swait.ge [sflag:s21], $0x2700  }
0x6b: {  	[sflag:s21] =	ssyncset.done $0x0  }
0x6c: {  	s29 =	smov.u32 s8;
	[sflag:s21] =	ssyncadd.s32 $0xFFFFD900  }
0x6d: {  	_ = 	snop  }
.LBB2_2:
0x6e: {  	s28 =	sadd.s32 $0x0, s19  }
0x6f: {  	[tilespmem:s4], [sflag:$0x2] =	stream.linear.gather [hbm4b:s28+s4], $0x80, $0x38;
	[tilespmem:$0x1C100] =	vst v63  }
0x70: {  	_ =	swait.ge [sflag:s21], $0x80  }
0x71: {  	[sflag:s21] =	ssyncset.done $0x0  }
0x72: {  	s28 =	sadd.s32 $0x0, s18;
	[sflag:s21] =	ssyncadd.s32 $0xFFFFFF80  }
0x73: {  	[tilespmem:s22], [sflag:$0x2] =	stream.linear.gather [hbm4b:s28+s4], $0x80, $0x38;
	[tilespmem:$0x1C100] =	vst v63  }
0x74: {  	_ =	swait.ge [sflag:s21], $0x80  }
0x75: {  	[sflag:s21] =	ssyncset.done $0x0  }
0x76: {  	[sflag:s21] =	ssyncadd.s32 $0xFFFFFF80  }
0x77: {  	[tilespmem:s23], [sflag:$0x1] =	stream.indirect.gather [hbm4b:s5+s22], $0x80, s4, s22, $0xb8;
	[tilespmem:$0x1C100] =	vst v63  }
0x78: {  	_ =	swait.ge [sflag:s24], $0x4000  }
0x79: {  	[sflag:s24] =	ssyncset.done $0x0  }
0x7a: {  	[sflag:s24] =	ssyncadd.s32 $0xFFFFC000  }
0x7b: {  	[spmem:s2] =	stream.indirect.scatter.add.f32 [tilespmem:s23], [sflag:$0x2], $0x80, s22, s22, $0xb8;
	[tilespmem:$0x1C100] =	vst v63  }
0x7c: {  	_ =	swait.ge [sflag:s21], $0x4000  }
0x7d: {  	s29 =	simm.s32 $0x20;
	s28 =	simm.s32 $0x10;
	[sflag:s21] =	ssyncset.done $0x0  }
.LBB2_3:
0x7e: {  	s30 =	sadd.s32 s28, s19  }
0x7f: {  	[sflag:s21] =	ssyncadd.s32 $0xFFFFC000;
	s31 =	smov.u32 s29;
	s0 =	sadd.s32 $0x10, s29  }
0x80: {  	[tilespmem:s4], [sflag:$0x2] =	stream.linear.gather [hbm4b:s30+s4], $0x80, $0x38;
	[tilespmem:$0x1C100] =	vst v63  }
0x81: {  	p3 =	sne.s32 s29, $0xA10;
	_ =	swait.ge [sflag:s21], $0x80  }
0x82: {  	[sflag:s21] =	ssyncset.done $0x0  }
0x83: {  	s29 =	sadd.s32 s28, s18;
	s28 =	smov.u32 s31;
	[sflag:s21] =	ssyncadd.s32 $0xFFFFFF80  }
0x84: {  	[tilespmem:s22], [sflag:$0x2] =	stream.linear.gather [hbm4b:s29+s4], $0x80, $0x38;
	[tilespmem:$0x1C100] =	vst v63  }
0x85: {  	_ =	swait.ge [sflag:s21], $0x80  }
0x86: {  	[sflag:s21] =	ssyncset.done $0x0  }
0x87: {  	[sflag:s21] =	ssyncadd.s32 $0xFFFFFF80  }
0x88: {  	[tilespmem:s23], [sflag:$0x1] =	stream.indirect.gather [hbm4b:s5+s22], $0x80, s4, s22, $0xb8;
	[tilespmem:$0x1C100] =	vst v63  }
0x89: {  	_ =	swait.ge [sflag:s24], $0x4000  }
.Ltmp6:
0x8a: {  	[sflag:s24] =	ssyncset.done $0x0;
	(pc) =	sbr.rel @p3 .LBB2_3-.Ltmp6, $4  }
0x8b: {  	[sflag:s24] =	ssyncadd.s32 $0xFFFFC000  }
0x8c: {  	[spmem:s2] =	stream.indirect.scatter.add.f32 [tilespmem:s23], [sflag:$0x2], $0x80, s22, s22, $0xb8;
	[tilespmem:$0x1C100] =	vst v63  }
0x8d: {  	_ =	swait.ge [sflag:s21], $0x4000  }
0x8e: {  	s29 =	smov.u32 s0;
	[sflag:s21] =	ssyncset.done $0x0  }
0x8f: {  	s0 =	sadd.s32 s28, s19;
	[sflag:s21] =	ssyncadd.s32 $0xFFFFC000  }
0x90: {  	[tilespmem:s4], [sflag:$0x2] =	stream.linear.gather [hbm4b:s0+s4], $0x80, $0x38;
	[tilespmem:$0x1C100] =	vst v63  }
0x91: {  	_ =	swait.ge [sflag:s21], $0x80  }
0x92: {  	[sflag:s21] =	ssyncset.done $0x0  }
0x93: {  	s31 =	sadd.s32 s28, s18;
	[sflag:s21] =	ssyncadd.s32 $0xFFFFFF80  }
0x94: {  	[tilespmem:s22], [sflag:$0x2] =	stream.linear.gather [hbm4b:s31+s4], $0x80, $0x38;
	[tilespmem:$0x1C100] =	vst v63  }
0x95: {  	_ =	swait.ge [sflag:s21], $0x80  }
0x96: {  	[sflag:s21] =	ssyncset.done $0x0  }
0x97: {  	[sflag:s21] =	ssyncadd.s32 $0xFFFFFF80  }
0x98: {  	[tilespmem:s23], [sflag:$0x1] =	stream.indirect.gather [hbm4b:s5+s22], $0x80, s4, s22, $0xb8;
	[tilespmem:$0x1C100] =	vst v63  }
0x99: {  	_ =	swait.ge [sflag:s24], $0x4000  }
0x9a: {  	[sflag:s24] =	ssyncset.done $0x0  }
0x9b: {  	[sflag:s24] =	ssyncadd.s32 $0xFFFFC000  }
0x9c: {  	[spmem:s2] =	stream.indirect.scatter.add.f32 [tilespmem:s23], [sflag:$0x2], $0x80, s22, s22, $0xb8;
	[tilespmem:$0x1C100] =	vst v63  }
0x9d: {  	_ =	swait.ge [sflag:s21], $0x4000  }
0x9e: {  	[sflag:s21] =	ssyncset.done $0x0  }
0x9f: {  	s30 =	sshll.u32 s3, $0x6;
	[sflag:s21] =	ssyncadd.s32 $0xFFFFC000  }
0xa0: {  	s28 =	sor.u32 $0x1C02, s30;
	s31 =	sshrl.u32 s14, $0x3;
	[bflag:$0x0] =	sbarrier.arrive $0xFFFF  }
0xa1: {  	[hbm:s15], [sflag:s28] =	dma.local [spmem:s31], $0x2700  }
.Ltmp7:
0xa2: {  	_ = 	snop;
	(pc) =	sbr.rel @!p2 .LBB2_9-.Ltmp7, $4  }
.Ltmp8:
0xa3: {  	_ = 	snop;
	(pc) =	sbr.rel @p2 .LBB2_8-.Ltmp8, $4  }
0xa4: {  	_ =	swait.ge [sflag:s21], $0x2700  }
0xa5: {  	[sflag:s21] =	ssyncset.done $0x0  }
0xa6: {  	s29 =	smov.u32 s7;
	[sflag:s21] =	ssyncadd.s32 $0xFFFFD900  }
0xa7: {  	_ = 	snop  }
.LBB2_10:
0xa8: {  	_ =	sfence.sel $0x180000  }
0xa9: {  	[bflag:$0x0] =	sbarrier.arrive $0xFFFF  }
0xaa: {  	_ =	strace $0x90000050  }
0xab: {  	[bflag:$0x2] =	sbarrier.arrive $0xFFFF  }
0xac: {  	s0 =	rddreg [dreg:$0x3]  }
0xad: {  	s0 =	sadd.s32 @!p1 $0x100000, s0  }
0xae: {  	[sflag:s0] =	ssyncadd.tile.s32 @!p1 $0x1;
	_ =	shalt  }
.Lfunc_end2:
_tile_overlayer_lowered:
.L_overlay_start_2:
0xaf: {  	(tag) =	ssettag $0x2  }
0xb0: {  	s0 =	rddreg [dreg:$0x0];
	s2 =	stileid.u32  }
0xb1: {  	s1 =	rddreg [dreg:$0x1];
	p0 =	sne.s32 s2, $0x0  }
0xb2: {  	s3 =	rddreg [dreg:$0x2];
	[bflag:$0x3] =	sbarrier.arrive $0xFFFF;
	s2 =	simm.s32 @!p0 $0x1C02  }
0xb3: {  	[timem:s3], [sflag:s2] =	dma.local @!p0 [hbm:s0], s1  }
0xb4: {  	s0 =	simm.s32 @!p0 $0x2  }
0xb5: {  	_ =	swait.ge @!p0 [sflag:s0], s1  }
0xb6: {  	s1 =	ssub.s32 @!p0 $0x0, s1;
	[sflag:s0] =	ssyncset.done @!p0 $0x0  }
0xb7: {  	[sflag:s0] =	ssyncadd.s32 @!p0 s1  }
0xb8: {  	[bflag:$0x3] =	sbarrier.arrive $0xFFFF  }
0xb9: {  	_ =	shalt  }

// kernel: kernel.24.cloned.1.call-start
scs
__scs_entry_jumppad:
0x0: {  	(pc) =	sbr.rel $0x88, $3  }
0x1: {  	(tag) =	ssettag $0x0;
	lr =	simm.s32 $0x1  }
0x2: {  	[smem:$0x3F91] =	sst lr;
	_ =	strace $0xD0000000  }
0x3: {  	_ = 	snop  }
0x4: {  	_ = 	snop  }
0x5: {  	_ = 	snop  }
0x6: {  	_ = 	snop  }
0x7: {  	_ = 	snop  }
__scs_overlays_trampoline_lowered:
0x8: {  	[smem:$0x3FA0] =	sst s0  }
0x9: {  	[smem:$0x3FA1] =	sst s1  }
0xa: {  	[smem:$0x3FA2] =	sst s2  }
0xb: {  	[smem:$0x3FA3] =	sst s3  }
0xc: {  	[smem:$0x3FA4] =	sst s4  }
0xd: {  	[smem:$0x3FA5] =	sst s5  }
0xe: {  	[smem:$0x3FA6] =	sst s6  }
0xf: {  	[smem:$0x3FA7] =	sst s7  }
0x10: {  	[smem:$0x3FA8] =	sst s8  }
0x11: {  	[smem:$0x3FA9] =	sst s9;
	s0 =	simm.s32 @!p0 $0x0  }
0x12: {  	s1 =	sld [smem:$0x3F8F];
	s0 =	simm.s32 @p0 $0x1  }
0x13: {  	[smem:$0x3FAA] =	sst s0;
	s0 =	simm.s32 @!p1 $0x0  }
0x14: {  	s2 =	sld [smem:$0x3F8E];
	s0 =	simm.s32 @p1 $0x1  }
0x15: {  	[smem:$0x3FAB] =	sst s0;
	s0 =	simm.s32 @!p2 $0x0  }
0x16: {  	s3 =	sld [smem:$0x3FDB];
	s0 =	simm.s32 @p2 $0x1  }
0x17: {  	s4 =	simm.s32 $0x1BF5;
	[smem:$0x3FAD] =	sst s0  }
0x18: {  	s0 =	sld [smem:$0x3F90];
	_ =	swait.ge [sflag:s4], $0x0  }
0x19: {  	s7 =	sld [smem:$0x3F91]  }
0x1a: {  	s8 =	sadd.s32 $0xFFFFE003, lr  }
0x1b: {  	s9 =	sadd.s32 $0xFFFFFEF7, lr;
	s5 =	simm.s32 $0xFFFFFFFF;
	p2 =	slt.u32 s8, $0xFFFFF086  }
0x1c: {  	p1 =	slt.u32 s9, $0xF7A;
	s5 =	simm.s32 @!p2 $0x0  }
0x1d: {  	s5 =	simm.s32 @p1 $0x1;
	p0 =	seq.s32 s7, s2  }
0x1e: {  	s7 =	smul.u32 @!p0 $0xF7A, s2;
	p2 =	seq.s32 @!p0 s5, $0x0  }
0x1f: {  	s9 =	smul.u32 $0xF7A, s1;
	s8 =	simm.s32 @!p0 $0x1BF5;
	p2 =	por !p2, p0  }
0x20: {  	[sflag:s8] =	ssyncset.s32 @!p0 $0xFFFFF086;
	s6 =	sadd.s32 @!p0 s3, s7;
	s7 =	simm.s32 @!p0 $0x108  }
0x21: {  	s3 =	sadd.s32 s3, s9;
	s6 =	sadd.s32 @!p0 $0x88, s6;
	s7 =	simm.s32 @p2 $0x1082  }
0x22: {  	[simem:s7], [sflag:s8] =	dma.local @!p0 [hbm:s6], $0xF7A  }
0x23: {  	s9 =	sor.u32 $0xD0000000, s2;
	s6 =	simm.s32 $0x108;
	_ =	swait.ge @!p0 [sflag:s8], $0x0  }
0x24: {  	s3 =	sadd.s32 $0x88, s3;
	s6 =	simm.s32 @!p1 $0x1082;
	[sflag:s4] =	ssyncset.s32 $0xFFFFF086  }
0x25: {  	[simem:s6], [sflag:s4] =	dma.local [hbm:s3], $0xF7A  }
0x26: {  	[smem:$0x3F91] =	sst s1;
	(tag) =	ssettag s2;
	_ =	strace s9  }
0x27: {  	s1 =	sld [smem:$0x3FA1]  }
0x28: {  	s2 =	sld [smem:$0x3FA2]  }
0x29: {  	s4 =	sld [smem:$0x3FA4]  }
0x2a: {  	p0 =	seq.s32 s5, $0x0;
	s5 =	sld [smem:$0x3FA5]  }
0x2b: {  	s6 =	sld [smem:$0x3FA6]  }
0x2c: {  	s7 =	sld [smem:$0x3FA7]  }
0x2d: {  	s3 =	simm.s32 $0x108;
	s8 =	sld [smem:$0x3FA8]  }
0x2e: {  	s3 =	simm.s32 @!p0 $0x1082;
	s9 =	sld [smem:$0x3FA9]  }
0x2f: {  	lr =	sadd.s32 s0, s3;
	s0 =	sld [smem:$0x3FA0]  }
0x30: {  	s3 =	sld [smem:$0x3FA3]  }
0x31: {  	[smem:$0x3FAC] =	sst s10  }
0x32: {  	s10 =	sld [smem:$0x3FAA];
	_ =	sdelay $0x3  }
0x33: {  	p0 =	seq.s32 s10, $0x1;
	s10 =	sld [smem:$0x3FAC];
	_ =	sdelay $0x3  }
0x34: {  	[smem:$0x3FAC] =	sst s10  }
0x35: {  	s10 =	sld [smem:$0x3FAB];
	_ =	sdelay $0x3  }
0x36: {  	p1 =	seq.s32 s10, $0x1;
	s10 =	sld [smem:$0x3FAC];
	_ =	sdelay $0x3  }
0x37: {  	[smem:$0x3FAC] =	sst s10  }
0x38: {  	s10 =	sld [smem:$0x3FAD]  }
0x39: {  	_ = 	snop;
	(pc) =	sbr.ind lr, $3  }
0x3a: {  	_ = 	snop  }
0x3b: {  	_ = 	snop  }
0x3c: {  	p2 =	seq.s32 s10, $0x1;
	s10 =	sld [smem:$0x3FAC]  }
0x3d: {  	_ =	shalt  }
0x3e: {  	_ =	shalt  }
0x3f: {  	_ =	shalt  }
0x40: {  	_ =	shalt  }
0x41: {  	_ =	shalt  }
0x42: {  	_ =	shalt  }
0x43: {  	_ =	shalt  }
0x44: {  	_ =	shalt  }
0x45: {  	_ =	shalt  }
0x46: {  	_ =	shalt  }
0x47: {  	_ =	shalt  }
0x48: {  	_ =	shalt  }
0x49: {  	_ =	shalt  }
0x4a: {  	_ =	shalt  }
0x4b: {  	_ =	shalt  }
0x4c: {  	_ =	shalt  }
0x4d: {  	_ =	shalt  }
0x4e: {  	_ =	shalt  }
0x4f: {  	_ =	shalt  }
0x50: {  	_ =	shalt  }
0x51: {  	_ =	shalt  }
0x52: {  	_ =	shalt  }
0x53: {  	_ =	shalt  }
0x54: {  	_ =	shalt  }
0x55: {  	_ =	shalt  }
0x56: {  	_ =	shalt  }
0x57: {  	_ =	shalt  }
0x58: {  	_ =	shalt  }
0x59: {  	_ =	shalt  }
0x5a: {  	_ =	shalt  }
0x5b: {  	_ =	shalt  }
0x5c: {  	_ =	shalt  }
0x5d: {  	_ =	shalt  }
0x5e: {  	_ =	shalt  }
0x5f: {  	_ =	shalt  }
0x60: {  	_ =	shalt  }
0x61: {  	_ =	shalt  }
0x62: {  	_ =	shalt  }
0x63: {  	_ =	shalt  }
0x64: {  	_ =	shalt  }
0x65: {  	_ =	shalt  }
0x66: {  	_ =	shalt  }
0x67: {  	_ =	shalt  }
0x68: {  	_ =	shalt  }
0x69: {  	_ =	shalt  }
0x6a: {  	_ =	shalt  }
0x6b: {  	_ =	shalt  }
0x6c: {  	_ =	shalt  }
0x6d: {  	_ =	shalt  }
0x6e: {  	_ =	shalt  }
0x6f: {  	_ =	shalt  }
0x70: {  	_ =	shalt  }
0x71: {  	_ =	shalt  }
0x72: {  	_ =	shalt  }
0x73: {  	_ =	shalt  }
0x74: {  	_ =	shalt  }
0x75: {  	_ =	shalt  }
0x76: {  	_ =	shalt  }
0x77: {  	_ =	shalt  }
0x78: {  	_ =	shalt  }
0x79: {  	_ =	shalt  }
0x7a: {  	_ =	shalt  }
0x7b: {  	_ =	shalt  }
0x7c: {  	_ =	shalt  }
0x7d: {  	_ =	shalt  }
0x7e: {  	_ =	shalt  }
0x7f: {  	_ =	shalt  }
0x80: {  	_ =	shalt  }
0x81: {  	_ =	shalt  }
0x82: {  	_ =	shalt  }
0x83: {  	_ =	shalt  }
0x84: {  	_ =	shalt  }
0x85: {  	_ =	shalt  }
0x86: {  	_ =	shalt  }
0x87: {  	_ =	shalt  }
.Lfunc_end0:
.L_simem_size_0:
called_computation.4_lowered:
.L_overlay_start_0:
0x88: {  	s2 =	sld [smem:$0x3FD9]  }
0x89: {  	s3 =	sld [smem:$0x3FFE];
	_ =	sdelay $0x1  }
0x8a: {  	s1 =	srdreg.scid  }
0x8b: {  	s0 =	sand.u32 $0x1, s1  }
0x8c: {  	s17 =	sshll.u32 s0, $0xA;
	s2 =	sadd.s32 s3, s2  }
0x8d: {  	s2 =	sadd.s32 s2, s17  }
0x8e: {  	[smem:$0x3FB8] =	sst s2  }
0x8f: {  	_ = 	snop  }
0x90: {  	s2 =	sld [smem:$0x3FD0];
	(tm) =	ssettm $0x1  }
0x91: {  	s18 =	sld [smem:$0x3FFB];
	_ =	sdelay $0x3  }
0x92: {  	_ =	strace s18  }
0x93: {  	s3 =	sld [smem:$0x3FFC];
	_ =	sdelay $0x3  }
0x94: {  	_ =	strace s3  }
0x95: {  	s3 =	sld [smem:$0x3FFD];
	_ =	sdelay $0x3  }
0x96: {  	_ =	strace s3  }
0x97: {  	_ =	strace $0x8FFFFFFF  }
0x98: {  	s19 =	sld [smem:$0x3FDB];
	_ =	sdelay $0x1  }
0x99: {  	s4 =	simm.s32 $_scs_section_size  }
0x9a: {  	s5 =	simm.s32 $_size__tile_overlayer_lowered;
	s6 =	simm.s32 $_tile_overlayer_lowered  }
0x9b: {  	s22 =	simm.s32 $0x1BFF;
	s21 =	sshll.u32 s6, $0x1;
	s3 =	sadd.s32 s4, s19  }
0x9c: {  	s7 =	simm.s32 $0x0;
	s20 =	sshll.u32 s5, $0x1;
	s5 =	sadd.s32 s21, s3  }
0x9d: {  	[timem:s7], [sflag:s22] =	dma.local [hbm:s5], s20  }
0x9e: {  	_ =	swait.ge [sflag:s22], s20  }
0x9f: {  	s4 =	ssub.s32 $0x0, s20;
	[sflag:s22] =	ssyncset.done $0x0  }
0xa0: {  	[sflag:s22] =	ssyncadd.s32 s4;
	_ =	sdelay $0x1  }
0xa1: {  	s23 =	simm.s32 $0x1B8B  }
0xa2: {  	_ =	swait.ge [sflag:s23], $0x1  }
0xa3: {  	[sflag:s23] =	ssyncset.done $0x0  }
0xa4: {  	s25 =	simm.s32 $0x1B8E;
	s24 =	sld [smem:$0x3FFE];
	[sflag:s23] =	ssyncadd.s32 $0xFFFFFFFF  }
0xa5: {  	s26 =	simm.s32 $execute0_lowered;
	[smem:$0x3FD2] =	sst s25  }
0xa6: {  	s5 =	sshll.u32 s26, $0x1;
	_ =	strace $0x80000052;
	[dreg:$0x1] =	wrdreg $0xFFFFFFFF  }
0xa7: {  	s28 =	simm.s32 $_size_execute0_lowered;
	s3 =	sadd.s32 s3, s5;
	[dreg:$0x0] =	wrdreg $0x0  }
0xa8: {  	s5 =	sshll.u32 s28, $0x1;
	[dreg:$0x2] =	wrdreg s3  }
0xa9: {  	[dreg:$0x3] =	wrdreg s5  }
0xaa: {  	[dreg:$0x4] =	wrdreg $0xC0  }
0xab: {  	_ =	task [dreg:s7], $0x5FFFF  }
0xac: {  	[dreg:$0x1] =	wrdreg $0xFFFFFFFF  }
0xad: {  	[dreg:$0x0] =	wrdreg $0x60  }
0xae: {  	[dreg:$0x2] =	wrdreg s24  }
0xaf: {  	[dreg:$0x3] =	wrdreg s2  }
0xb0: {  	[dreg:$0x4] =	wrdreg $0x81000  }
0xb1: {  	[dreg:$0x5] =	wrdreg $0x9  }
0xb2: {  	_ =	task.clear_ibuf [dreg:s7], $0x6FFFF;
	_ =	strace $0x90000052  }
0xb3: {  	s29 =	simm.s32 $0x9;
	_ =	strace $0x80000054  }
0xb4: {  	_ =	swait.ge [sflag:s29], $0x1  }
0xb5: {  	[sflag:s29] =	ssyncadd.s32 $0xFFFFFFFF  }
0xb6: {  	_ =	strace $0x90000054  }
0xb7: {  	_ =	sfence  }
0xb8: {  	s30 =	sld [smem:$0x0];
	_ =	sdelay $0x2  }
0xb9: {  	s31 =	sshll.u32 s1, $0xD;
	s1 =	sshrl.u32 s1, $0x2  }
0xba: {  	s3 =	sand.u32 $0x4000, s31;
	s1 =	sadd.s32 s1, s30  }
0xbb: {  	s0 =	sor.u32 s3, s0;
	s1 =	sshll.u32 s1, $0x11  }
0xbc: {  	s0 =	sor.u32 s1, s0  }
0xbd: {  	s0 =	sadd.s32 $0x8F2B, s0  }
0xbe: {  	[sflag:s0] =	ssyncadd.remote.s32 $0x1  }
0xbf: {  	_ =	sfence.sel $0xFFFF  }
0xc0: {  	[dreg:$0x0] =	wrdreg $0xFFFFFFFF;
	(pc) =	sbr.abs _section_cstart, $3  }
0xc1: {  	[dreg:$0x1] =	wrdreg $0xFFFFFFFF  }
0xc2: {  	_ =	task.clear_ibuf [dreg:s7], $0x2FFFF;
	_ =	strace $0x9FFFFFFF  }
0xc3: {  	(tm) =	ssettm $0x7FFFFFFF  }
tec
execute0_lowered:
.L_overlay_start_1:
0x0: {  	(tag) =	ssettag $0x1  }
0x1: {  	s8 =	rddreg [dreg:$0x0]  }
0x2: {  	s1 =	rddreg [dreg:$0x1]  }
0x3: {  	s2 =	rddreg [dreg:$0x2];
	s3 =	stileid.u32  }
0x4: {  	s4 =	simm.s32 $0x0;
	s9 =	srdreg.scid;
	s20 =	simm.s32 $0x4100  }
0x5: {  	s21 =	simm.s32 $0x2;
	s22 =	simm.s32 $0x80;
	s23 =	simm.s32 $0x100  }
0x6: {  	s24 =	simm.s32 $0x1;
	s26 =	simm.s32 $0x0;
	s5 =	smul.u32 $0xA20, s3  }
0x7: {  	[smem:$0x7FF] =	sst s4;
	s10 =	smul.u32 $0x50000, s3;
	s6 =	sadd.s32 $0x6A200, s8  }
0x8: {  	s7 =	sadd.s32 $0x91400, s8;
	s14 =	sand.u32 $0x1, s9;
	s13 =	smul.u32 $0x4E000, s3  }
0x9: {  	s16 =	smul.u32 $0x2700, s3;
	s25 =	sadd.s32 $0x138000, s2;
	p1 =	sne.s32 s3, $0x0  }
0xa: {  	p2 =	seq.s32 s3, $0x0;
	_ =	strace $0x80000053;
	s11 =	ssub.s32 $0x2, s14  }
0xb: {  	p0 =	seq.s32 s14, $0x1;
	s25 =	sshrl.u32 s25, $0x3;
	s19 =	sadd.s32 s5, s8  }
0xc: {  	s5 =	sadd.s32 $0x43000, s8;
	s8 =	sadd.s32 $0xB8600, s8;
	s30 =	sshrl.u32 s10, $0x2  }
.Ltmp0:
0xd: {  	s31 =	sshrl.u32 s11, $0x1;
	s15 =	sshrl.u32 s13, $0x2;
	(pc) =	sbr.rel .LBB2_1-.Ltmp0, $4  }
0xe: {  	s9 =	sadd.s32 s30, s2;
	s17 =	ssub.s32 s11, s31;
	s14 =	sadd.s32 s15, s2  }
0xf: {  	s15 =	sadd.s32 s7, s16;
	s16 =	sadd.s32 s8, s16;
	s18 =	sadd.s32 $0x7200, s19  }
0x10: {  	s19 =	sadd.s32 $0x38E00, s19;
	s10 =	sadd.s32 $0x4000, s9;
	s11 =	sadd.s32 $0x8000, s9  }
0x11: {  	s12 =	sadd.s32 $0xC000, s9;
	s13 =	sadd.s32 $0x10000, s9;
	s17 =	smax.u32 s17, $0x1  }
.LBB2_8:
0x12: {  	s0 =	sadd.s32 $0x27000, s29  }
0x13: {  	[hbm:s0], [sflag:s28] =	dma.local [spmem:s25], $0x100  }
0x14: {  	_ =	swait.ge [sflag:s21], $0x100  }
0x15: {  	[sflag:s21] =	ssyncset.done $0x0  }
0x16: {  	[sflag:s21] =	ssyncadd.s32 $0xFFFFFF00  }
.LBB2_9:
0x17: {  	s26 =	sadd.s32 $0x1, s26  }
0x18: {  	p3 =	sne.s32 s26, s17  }
.Ltmp1:
0x19: {  	_ = 	snop;
	(pc) =	sbr.rel @!p3 .LBB2_10-.Ltmp1, $1  }
0x1a: {  	_ =	sdelay $0x3  }
.LBB2_1:
0x1b: {  	[tilespmem:s20], [sflag:$0x2] =	stream.linear.gather [hbm4b:s1+s4], $0x4000, $0x38;
	[tilespmem:$0x1C100] =	vst v63  }
0x1c: {  	_ =	swait.ge [sflag:s21], $0x4000  }
0x1d: {  	[sflag:s21] =	ssyncset.done $0x0  }
0x1e: {  	[sflag:s21] =	ssyncadd.s32 $0xFFFFC000  }
0x1f: {  	[spmem:s9] =	stream.linear.scatter [tilespmem:s20], [sflag:$0x2], $0x4000, $0x38;
	[tilespmem:$0x1C100] =	vst v63  }
0x20: {  	_ =	swait.ge [sflag:s21], $0x4000  }
0x21: {  	[sflag:s21] =	ssyncset.done $0x0  }
0x22: {  	[sflag:s21] =	ssyncadd.s32 $0xFFFFC000  }
0x23: {  	[spmem:s10] =	stream.linear.scatter [tilespmem:s20], [sflag:$0x2], $0x4000, $0x38;
	[tilespmem:$0x1C100] =	vst v63  }
0x24: {  	_ =	swait.ge [sflag:s21], $0x4000  }
0x25: {  	[sflag:s21] =	ssyncset.done $0x0  }
0x26: {  	[sflag:s21] =	ssyncadd.s32 $0xFFFFC000  }
0x27: {  	[spmem:s11] =	stream.linear.scatter [tilespmem:s20], [sflag:$0x2], $0x4000, $0x38;
	[tilespmem:$0x1C100] =	vst v63  }
0x28: {  	_ =	swait.ge [sflag:s21], $0x4000  }
0x29: {  	[sflag:s21] =	ssyncset.done $0x0  }
0x2a: {  	[sflag:s21] =	ssyncadd.s32 $0xFFFFC000  }
0x2b: {  	[spmem:s12] =	stream.linear.scatter [tilespmem:s20], [sflag:$0x2], $0x4000, $0x38;
	[tilespmem:$0x1C100] =	vst v63  }
0x2c: {  	_ =	swait.ge [sflag:s21], $0x4000  }
0x2d: {  	[sflag:s21] =	ssyncset.done $0x0  }
0x2e: {  	[sflag:s21] =	ssyncadd.s32 $0xFFFFC000  }
0x2f: {  	[spmem:s13] =	stream.linear.scatter [tilespmem:s20], [sflag:$0x2], $0x4000, $0x38;
	[tilespmem:$0x1C100] =	vst v63  }
.Ltmp2:
0x30: {  	_ =	swait.ge [sflag:s21], $0x4000;
	(pc) =	sbr.rel @!p0 .LBB2_2-.Ltmp2, $3  }
0x31: {  	[sflag:s21] =	ssyncset.done $0x0  }
0x32: {  	[sflag:s21] =	ssyncadd.s32 $0xFFFFC000  }
0x33: {  	[bflag:$0x0] =	sbarrier.arrive $0xFFFF;
	_ =	sdelay $0x1  }
0x34: {  	s0 =	sadd.s32 $0x0, s19  }
0x35: {  	[tilespmem:s4], [sflag:$0x2] =	stream.linear.gather [hbm4b:s0+s4], $0x80, $0x38;
	[tilespmem:$0x1C100] =	vst v63  }
0x36: {  	_ =	swait.ge [sflag:s21], $0x80  }
0x37: {  	[sflag:s21] =	ssyncset.done $0x0  }
0x38: {  	s31 =	sadd.s32 $0x0, s18;
	[sflag:s21] =	ssyncadd.s32 $0xFFFFFF80  }
0x39: {  	[tilespmem:s22], [sflag:$0x2] =	stream.linear.gather [hbm4b:s31+s4], $0x80, $0x38;
	[tilespmem:$0x1C100] =	vst v63  }
0x3a: {  	_ =	swait.ge [sflag:s21], $0x80  }
0x3b: {  	[sflag:s21] =	ssyncset.done $0x0  }
0x3c: {  	[sflag:s21] =	ssyncadd.s32 $0xFFFFFF80  }
0x3d: {  	[tilespmem:s23], [sflag:$0x1] =	stream.indirect.gather [hbm4b:s6+s22], $0x80, s4, s22, $0xb8;
	[tilespmem:$0x1C100] =	vst v63  }
0x3e: {  	_ =	swait.ge [sflag:s24], $0x4000  }
0x3f: {  	[sflag:s24] =	ssyncset.done $0x0  }
0x40: {  	[sflag:s24] =	ssyncadd.s32 $0xFFFFC000  }
0x41: {  	[spmem:s2] =	stream.indirect.scatter.add.f32 [tilespmem:s23], [sflag:$0x2], $0x80, s22, s22, $0xb8;
	[tilespmem:$0x1C100] =	vst v63  }
0x42: {  	_ =	swait.ge [sflag:s21], $0x4000  }
0x43: {  	s28 =	simm.s32 $0x10;
	s29 =	simm.s32 $0x20;
	[sflag:s21] =	ssyncset.done $0x0  }
.LBB2_6:
0x44: {  	s0 =	sadd.s32 s28, s19  }
0x45: {  	[sflag:s21] =	ssyncadd.s32 $0xFFFFC000;
	s30 =	smov.u32 s29;
	s31 =	sadd.s32 $0x10, s29  }
0x46: {  	[tilespmem:s4], [sflag:$0x2] =	stream.linear.gather [hbm4b:s0+s4], $0x80, $0x38;
	[tilespmem:$0x1C100] =	vst v63  }
0x47: {  	p3 =	sne.s32 s29, $0xA10;
	_ =	swait.ge [sflag:s21], $0x80  }
0x48: {  	[sflag:s21] =	ssyncset.done $0x0  }
0x49: {  	s0 =	sadd.s32 s28, s18;
	s28 =	smov.u32 s30;
	[sflag:s21] =	ssyncadd.s32 $0xFFFFFF80  }
0x4a: {  	[tilespmem:s22], [sflag:$0x2] =	stream.linear.gather [hbm4b:s0+s4], $0x80, $0x38;
	[tilespmem:$0x1C100] =	vst v63  }
0x4b: {  	_ =	swait.ge [sflag:s21], $0x80  }
0x4c: {  	[sflag:s21] =	ssyncset.done $0x0  }
0x4d: {  	[sflag:s21] =	ssyncadd.s32 $0xFFFFFF80  }
0x4e: {  	[tilespmem:s23], [sflag:$0x1] =	stream.indirect.gather [hbm4b:s6+s22], $0x80, s4, s22, $0xb8;
	[tilespmem:$0x1C100] =	vst v63  }
0x4f: {  	_ =	swait.ge [sflag:s24], $0x4000  }
.Ltmp3:
0x50: {  	[sflag:s24] =	ssyncset.done $0x0;
	(pc) =	sbr.rel @p3 .LBB2_6-.Ltmp3, $4  }
0x51: {  	[sflag:s24] =	ssyncadd.s32 $0xFFFFC000  }
0x52: {  	[spmem:s2] =	stream.indirect.scatter.add.f32 [tilespmem:s23], [sflag:$0x2], $0x80, s22, s22, $0xb8;
	[tilespmem:$0x1C100] =	vst v63  }
0x53: {  	_ =	swait.ge [sflag:s21], $0x4000  }
0x54: {  	s29 =	smov.u32 s31;
	[sflag:s21] =	ssyncset.done $0x0  }
0x55: {  	s0 =	sadd.s32 s28, s19;
	[sflag:s21] =	ssyncadd.s32 $0xFFFFC000  }
0x56: {  	[tilespmem:s4], [sflag:$0x2] =	stream.linear.gather [hbm4b:s0+s4], $0x80, $0x38;
	[tilespmem:$0x1C100] =	vst v63  }
0x57: {  	_ =	swait.ge [sflag:s21], $0x80  }
0x58: {  	[sflag:s21] =	ssyncset.done $0x0  }
0x59: {  	s31 =	sadd.s32 s28, s18;
	[sflag:s21] =	ssyncadd.s32 $0xFFFFFF80  }
0x5a: {  	[tilespmem:s22], [sflag:$0x2] =	stream.linear.gather [hbm4b:s31+s4], $0x80, $0x38;
	[tilespmem:$0x1C100] =	vst v63  }
0x5b: {  	_ =	swait.ge [sflag:s21], $0x80  }
0x5c: {  	[sflag:s21] =	ssyncset.done $0x0  }
0x5d: {  	[sflag:s21] =	ssyncadd.s32 $0xFFFFFF80  }
0x5e: {  	[tilespmem:s23], [sflag:$0x1] =	stream.indirect.gather [hbm4b:s6+s22], $0x80, s4, s22, $0xb8;
	[tilespmem:$0x1C100] =	vst v63  }
0x5f: {  	_ =	swait.ge [sflag:s24], $0x4000  }
0x60: {  	[sflag:s24] =	ssyncset.done $0x0  }
0x61: {  	[sflag:s24] =	ssyncadd.s32 $0xFFFFC000  }
0x62: {  	[spmem:s2] =	stream.indirect.scatter.add.f32 [tilespmem:s23], [sflag:$0x2], $0x80, s22, s22, $0xb8;
	[tilespmem:$0x1C100] =	vst v63  }
0x63: {  	_ =	swait.ge [sflag:s21], $0x4000  }
0x64: {  	[sflag:s21] =	ssyncset.done $0x0  }
0x65: {  	s30 =	sshll.u32 s3, $0x6;
	[sflag:s21] =	ssyncadd.s32 $0xFFFFC000  }
0x66: {  	s28 =	sor.u32 $0x1C02, s30;
	s31 =	sshrl.u32 s14, $0x3;
	[bflag:$0x0] =	sbarrier.arrive $0xFFFF  }
0x67: {  	[hbm:s16], [sflag:s28] =	dma.local [spmem:s31], $0x2700  }
.Ltmp4:
0x68: {  	_ = 	snop;
	(pc) =	sbr.rel @p1 .LBB2_9-.Ltmp4, $4  }
.Ltmp5:
0x69: {  	_ = 	snop;
	(pc) =	sbr.rel @!p1 .LBB2_8-.Ltmp5, $4  }
0x6a: {  	_ =	swait.ge [sflag:s21], $0x2700  }
0x6b: {  	[sflag:s21] =	ssyncset.done $0x0  }
0x6c: {  	s29 =	smov.u32 s8;
	[sflag:s21] =	ssyncadd.s32 $0xFFFFD900  }
0x6d: {  	_ = 	snop  }
.LBB2_2:
0x6e: {  	s28 =	sadd.s32 $0x0, s19  }
0x6f: {  	[tilespmem:s4], [sflag:$0x2] =	stream.linear.gather [hbm4b:s28+s4], $0x80, $0x38;
	[tilespmem:$0x1C100] =	vst v63  }
0x70: {  	_ =	swait.ge [sflag:s21], $0x80  }
0x71: {  	[sflag:s21] =	ssyncset.done $0x0  }
0x72: {  	s28 =	sadd.s32 $0x0, s18;
	[sflag:s21] =	ssyncadd.s32 $0xFFFFFF80  }
0x73: {  	[tilespmem:s22], [sflag:$0x2] =	stream.linear.gather [hbm4b:s28+s4], $0x80, $0x38;
	[tilespmem:$0x1C100] =	vst v63  }
0x74: {  	_ =	swait.ge [sflag:s21], $0x80  }
0x75: {  	[sflag:s21] =	ssyncset.done $0x0  }
0x76: {  	[sflag:s21] =	ssyncadd.s32 $0xFFFFFF80  }
0x77: {  	[tilespmem:s23], [sflag:$0x1] =	stream.indirect.gather [hbm4b:s5+s22], $0x80, s4, s22, $0xb8;
	[tilespmem:$0x1C100] =	vst v63  }
0x78: {  	_ =	swait.ge [sflag:s24], $0x4000  }
0x79: {  	[sflag:s24] =	ssyncset.done $0x0  }
0x7a: {  	[sflag:s24] =	ssyncadd.s32 $0xFFFFC000  }
0x7b: {  	[spmem:s2] =	stream.indirect.scatter.add.f32 [tilespmem:s23], [sflag:$0x2], $0x80, s22, s22, $0xb8;
	[tilespmem:$0x1C100] =	vst v63  }
0x7c: {  	_ =	swait.ge [sflag:s21], $0x4000  }
0x7d: {  	s29 =	simm.s32 $0x20;
	s28 =	simm.s32 $0x10;
	[sflag:s21] =	ssyncset.done $0x0  }
.LBB2_3:
0x7e: {  	s30 =	sadd.s32 s28, s19  }
0x7f: {  	[sflag:s21] =	ssyncadd.s32 $0xFFFFC000;
	s31 =	smov.u32 s29;
	s0 =	sadd.s32 $0x10, s29  }
0x80: {  	[tilespmem:s4], [sflag:$0x2] =	stream.linear.gather [hbm4b:s30+s4], $0x80, $0x38;
	[tilespmem:$0x1C100] =	vst v63  }
0x81: {  	p3 =	sne.s32 s29, $0xA10;
	_ =	swait.ge [sflag:s21], $0x80  }
0x82: {  	[sflag:s21] =	ssyncset.done $0x0  }
0x83: {  	s29 =	sadd.s32 s28, s18;
	s28 =	smov.u32 s31;
	[sflag:s21] =	ssyncadd.s32 $0xFFFFFF80  }
0x84: {  	[tilespmem:s22], [sflag:$0x2] =	stream.linear.gather [hbm4b:s29+s4], $0x80, $0x38;
	[tilespmem:$0x1C100] =	vst v63  }
0x85: {  	_ =	swait.ge [sflag:s21], $0x80  }
0x86: {  	[sflag:s21] =	ssyncset.done $0x0  }
0x87: {  	[sflag:s21] =	ssyncadd.s32 $0xFFFFFF80  }
0x88: {  	[tilespmem:s23], [sflag:$0x1] =	stream.indirect.gather [hbm4b:s5+s22], $0x80, s4, s22, $0xb8;
	[tilespmem:$0x1C100] =	vst v63  }
0x89: {  	_ =	swait.ge [sflag:s24], $0x4000  }
.Ltmp6:
0x8a: {  	[sflag:s24] =	ssyncset.done $0x0;
	(pc) =	sbr.rel @p3 .LBB2_3-.Ltmp6, $4  }
0x8b: {  	[sflag:s24] =	ssyncadd.s32 $0xFFFFC000  }
0x8c: {  	[spmem:s2] =	stream.indirect.scatter.add.f32 [tilespmem:s23], [sflag:$0x2], $0x80, s22, s22, $0xb8;
	[tilespmem:$0x1C100] =	vst v63  }
0x8d: {  	_ =	swait.ge [sflag:s21], $0x4000  }
0x8e: {  	s29 =	smov.u32 s0;
	[sflag:s21] =	ssyncset.done $0x0  }
0x8f: {  	s0 =	sadd.s32 s28, s19;
	[sflag:s21] =	ssyncadd.s32 $0xFFFFC000  }
0x90: {  	[tilespmem:s4], [sflag:$0x2] =	stream.linear.gather [hbm4b:s0+s4], $0x80, $0x38;
	[tilespmem:$0x1C100] =	vst v63  }
0x91: {  	_ =	swait.ge [sflag:s21], $0x80  }
0x92: {  	[sflag:s21] =	ssyncset.done $0x0  }
0x93: {  	s31 =	sadd.s32 s28, s18;
	[sflag:s21] =	ssyncadd.s32 $0xFFFFFF80  }
0x94: {  	[tilespmem:s22], [sflag:$0x2] =	stream.linear.gather [hbm4b:s31+s4], $0x80, $0x38;
	[tilespmem:$0x1C100] =	vst v63  }
0x95: {  	_ =	swait.ge [sflag:s21], $0x80  }
0x96: {  	[sflag:s21] =	ssyncset.done $0x0  }
0x97: {  	[sflag:s21] =	ssyncadd.s32 $0xFFFFFF80  }
0x98: {  	[tilespmem:s23], [sflag:$0x1] =	stream.indirect.gather [hbm4b:s5+s22], $0x80, s4, s22, $0xb8;
	[tilespmem:$0x1C100] =	vst v63  }
0x99: {  	_ =	swait.ge [sflag:s24], $0x4000  }
0x9a: {  	[sflag:s24] =	ssyncset.done $0x0  }
0x9b: {  	[sflag:s24] =	ssyncadd.s32 $0xFFFFC000  }
0x9c: {  	[spmem:s2] =	stream.indirect.scatter.add.f32 [tilespmem:s23], [sflag:$0x2], $0x80, s22, s22, $0xb8;
	[tilespmem:$0x1C100] =	vst v63  }
0x9d: {  	_ =	swait.ge [sflag:s21], $0x4000  }
0x9e: {  	[sflag:s21] =	ssyncset.done $0x0  }
0x9f: {  	s30 =	sshll.u32 s3, $0x6;
	[sflag:s21] =	ssyncadd.s32 $0xFFFFC000  }
0xa0: {  	s28 =	sor.u32 $0x1C02, s30;
	s31 =	sshrl.u32 s14, $0x3;
	[bflag:$0x0] =	sbarrier.arrive $0xFFFF  }
0xa1: {  	[hbm:s15], [sflag:s28] =	dma.local [spmem:s31], $0x2700  }
.Ltmp7:
0xa2: {  	_ = 	snop;
	(pc) =	sbr.rel @!p2 .LBB2_9-.Ltmp7, $4  }
.Ltmp8:
0xa3: {  	_ = 	snop;
	(pc) =	sbr.rel @p2 .LBB2_8-.Ltmp8, $4  }
0xa4: {  	_ =	swait.ge [sflag:s21], $0x2700  }
0xa5: {  	[sflag:s21] =	ssyncset.done $0x0  }
0xa6: {  	s29 =	smov.u32 s7;
	[sflag:s21] =	ssyncadd.s32 $0xFFFFD900  }
0xa7: {  	_ = 	snop  }
.LBB2_10:
0xa8: {  	_ =	sfence.sel $0x180000  }
0xa9: {  	[bflag:$0x0] =	sbarrier.arrive $0xFFFF  }
0xaa: {  	_ =	strace $0x90000053  }
0xab: {  	[bflag:$0x2] =	sbarrier.arrive $0xFFFF  }
0xac: {  	s0 =	rddreg [dreg:$0x3]  }
0xad: {  	s0 =	sadd.s32 @!p1 $0x100000, s0  }
0xae: {  	[sflag:s0] =	ssyncadd.tile.s32 @!p1 $0x1;
	_ =	shalt  }
.Lfunc_end2:
_tile_overlayer_lowered:
.L_overlay_start_2:
0xaf: {  	(tag) =	ssettag $0x2  }
0xb0: {  	s0 =	rddreg [dreg:$0x0];
	s2 =	stileid.u32  }
0xb1: {  	s1 =	rddreg [dreg:$0x1];
	p0 =	sne.s32 s2, $0x0  }
0xb2: {  	s3 =	rddreg [dreg:$0x2];
	[bflag:$0x3] =	sbarrier.arrive $0xFFFF;
	s2 =	simm.s32 @!p0 $0x1C02  }
0xb3: {  	[timem:s3], [sflag:s2] =	dma.local @!p0 [hbm:s0], s1  }
0xb4: {  	s0 =	simm.s32 @!p0 $0x2  }
0xb5: {  	_ =	swait.ge @!p0 [sflag:s0], s1  }
0xb6: {  	s1 =	ssub.s32 @!p0 $0x0, s1;
	[sflag:s0] =	ssyncset.done @!p0 $0x0  }
0xb7: {  	[sflag:s0] =	ssyncadd.s32 @!p0 s1  }
0xb8: {  	[bflag:$0x3] =	sbarrier.arrive $0xFFFF  }
0xb9: {  	_ =	shalt  }

</sc_bundles>
